<compile_context>
chip_gen: v7x
topology: tpu7x:2x2x1
jax: 0.10.2.dev20260603
libtpu: 0.0.44.dev20260713+nightly
codegen_flags: <defaults>
</compile_context>

<pallas_src>
import functools

import jax
import jax.numpy as jnp
from jax import lax
from jax.experimental import pallas as pl
from jax.experimental.pallas import tpu as pltpu
from jax.experimental.pallas import tpu_sc as plsc

N = 50000
B = 32
NW = 32
R = 1563
NPAD = NW * R
CH = 512
NSTREAM = CH // 128


@jax.jit
def _sc_run(xT, gidx, smeta, starts):
    mesh = plsc.VectorSubcoreMesh(core_axis_name="c", subcore_axis_name="s")

    @functools.partial(
        pl.kernel,
        out_type=jax.ShapeDtypeStruct((NPAD * B,), jnp.float32),
        mesh=mesh,
        scratch_types=[
            pltpu.VMEM((R * B + 32,), jnp.float32),
            pltpu.VMEM((CH,), jnp.int32),
            pltpu.VMEM((CH,), jnp.int32),
            pltpu.VMEM((CH, B), jnp.float32),
            pltpu.VMEM((CH, B), jnp.float32),
            pltpu.VMEM((4 * CH + 16,), jnp.int32),
            pltpu.VMEM((4 * CH + 16,), jnp.int32),
            pltpu.VMEM((48,), jnp.int32),
            pltpu.SemaphoreType.DMA,
            pltpu.SemaphoreType.DMA,
            pltpu.SemaphoreType.DMA,
            pltpu.SemaphoreType.DMA,
        ],
        compiler_params=pltpu.CompilerParams(use_tc_tiling_on_sc=False,
                                             needs_layout_passes=False),
    )
    def sc_kernel(xT_hbm, gidx_hbm, smeta_hbm, starts_hbm, out_hbm,
                  buf, sidx0, sidx1, rows0, rows1, sm0, sm1, stv,
                  msem0, msem1, gsem0, gsem1):
        wid = lax.axis_index("c") * 16 + lax.axis_index("s")
        base_row = wid * R

        zeros = jnp.zeros((16,), jnp.float32)

        @pl.loop(0, R * B + 32, step=16)
        def _(i):
            buf[pl.ds(i, 16)] = zeros

        pltpu.sync_copy(starts_hbm, stv.at[pl.ds(0, 40)])
        st16 = stv[pl.ds(wid, 16)]
        e0 = st16[0]
        e1 = st16[1]
        c0 = e0 // CH
        c1 = (e1 + CH - 1) // CH

        def meta_issue(c, sidxb, smb, msem):
            @pl.when(c < c1)
            def _():
                pltpu.async_copy(gidx_hbm.at[c], sidxb, msem)
                pltpu.async_copy(smeta_hbm.at[c], smb.at[pl.ds(0, 4 * CH)],
                                 msem)

        def meta_wait(c, sidxb, smb, msem):
            @pl.when(c < c1)
            def _():
                pltpu.make_async_copy(gidx_hbm.at[c], sidxb, msem).wait()
                pltpu.make_async_copy(smeta_hbm.at[c],
                                      smb.at[pl.ds(0, 4 * CH)], msem).wait()

        def gather_issue(c, sidxb, rowsb, gsem):
            @pl.when(c < c1)
            def _():
                for j in range(NSTREAM):
                    pltpu.async_copy(
                        xT_hbm.at[sidxb.at[pl.ds(j * 128, 128)]],
                        rowsb.at[pl.ds(j * 128, 128)], gsem)

        def gather_wait(c, sidxb, rowsb, gsem):
            @pl.when(c < c1)
            def _():
                for j in range(NSTREAM):
                    pltpu.make_async_copy(
                        xT_hbm.at[sidxb.at[pl.ds(j * 128, 128)]],
                        rowsb.at[pl.ds(j * 128, 128)], gsem).wait()

        iota16 = lax.iota(jnp.int32, 16)
        a0vec = iota16 - base_row * B
        a1vec = a0vec + 16
        e0v = jnp.full((16,), e0, jnp.int32)
        e1v = jnp.full((16,), e1, jnp.int32)
        dump0 = jnp.full((16,), R * B, jnp.int32) + iota16
        zf16 = jnp.zeros((16,), jnp.float32)

        def compute(c, smb, rowsb):
            cb = c * CH
            is_full = (c < c1) & (cb >= e0) & (cb + CH <= e1)

            @pl.when(is_full)
            def _():
                @plsc.parallel_loop(0, CH, 4, unroll=2)
                def _(q):
                    m16 = smb[pl.ds(4 * q, 16)]
                    for j in range(4):
                        dv = jnp.full((16,), m16[4 * j], jnp.int32)
                        kvec = jnp.full(
                            (16,),
                            lax.bitcast_convert_type(m16[4 * j + 1],
                                                     jnp.float32),
                            jnp.float32)
                        bvec = jnp.full(
                            (16,),
                            lax.bitcast_convert_type(m16[4 * j + 2],
                                                     jnp.float32),
                            jnp.float32)
                        r0 = rowsb[q + j, pl.ds(0, 16)]
                        r1 = rowsb[q + j, pl.ds(16, 16)]
                        plsc.addupdate_scatter(buf, [dv + a0vec],
                                               r0 * kvec + bvec)
                        plsc.addupdate_scatter(buf, [dv + a1vec],
                                               r1 * kvec + bvec)

            @pl.when((c < c1) & jnp.logical_not(is_full))
            def _():
                def edge_body(p, carry2):
                    m16 = smb[pl.ds(4 * p, 16)]
                    ev = jnp.full((16,), m16[3], jnp.int32)
                    valid = (ev >= e0v) & (ev < e1v)
                    dv = jnp.full((16,), m16[0], jnp.int32)
                    aj = jnp.where(valid, dv + a0vec, dump0)
                    kvec = jnp.where(
                        valid,
                        jnp.full((16,),
                                 lax.bitcast_convert_type(m16[1],
                                                          jnp.float32),
                                 jnp.float32), zf16)
                    bvec = jnp.where(
                        valid,
                        jnp.full((16,),
                                 lax.bitcast_convert_type(m16[2],
                                                          jnp.float32),
                                 jnp.float32), zf16)
                    r0 = rowsb[p, pl.ds(0, 16)]
                    r1 = rowsb[p, pl.ds(16, 16)]
                    plsc.addupdate_scatter(buf, [aj], r0 * kvec + bvec)
                    plsc.addupdate_scatter(buf, [aj + 16], r1 * kvec + bvec)
                    return carry2

                lax.fori_loop(0, CH, edge_body, 0)

        meta_issue(c0, sidx0, sm0, msem0)
        meta_wait(c0, sidx0, sm0, msem0)
        gather_issue(c0, sidx0, rows0, gsem0)
        meta_issue(c0 + 1, sidx1, sm1, msem1)

        def pair_body(p, carry):
            a = c0 + 2 * p
            b = a + 1
            meta_wait(b, sidx1, sm1, msem1)
            gather_issue(b, sidx1, rows1, gsem1)
            gather_wait(a, sidx0, rows0, gsem0)
            compute(a, sm0, rows0)
            meta_issue(a + 2, sidx0, sm0, msem0)
            gather_wait(b, sidx1, rows1, gsem1)
            compute(b, sm1, rows1)
            meta_wait(a + 2, sidx0, sm0, msem0)
            gather_issue(a + 2, sidx0, rows0, gsem0)
            meta_issue(b + 2, sidx1, sm1, msem1)
            return carry

        npairs = (c1 - c0 + 1) // 2
        lax.fori_loop(0, npairs, pair_body, 0)

        pltpu.sync_copy(buf.at[pl.ds(0, R * B)],
                        out_hbm.at[pl.ds(base_row * B, R * B)])

    return sc_kernel(xT, gidx, smeta, starts)


def kernel(x, src_idx, dst_idx, kernel, bias):
    xT = x.T
    eids = jnp.arange(src_idx.shape[0], dtype=jnp.int32)
    quad = jnp.stack(
        [dst_idx * B,
         kernel.view(jnp.int32),
         bias.view(jnp.int32),
         eids], axis=1)
    smeta = quad.reshape(-1, CH // 64, 64, 4).swapaxes(1, 2).reshape(
        -1, 4 * CH)
    gidx = src_idx.reshape(-1, CH // 64, 64).swapaxes(1, 2).reshape(-1, CH)
    bounds = jnp.arange(NW + 1, dtype=jnp.int32) * R
    starts = jnp.searchsorted(dst_idx, bounds, side="left",
                          method="scan_unrolled").astype(jnp.int32)
    starts = jnp.concatenate([starts, jnp.zeros((7,), jnp.int32)])
    outf = _sc_run(xT, gidx, smeta, starts)
    return outf.reshape(NPAD, B)[:N].T

# --- scband reference (transcript-rebuilt; emitter-appended) ---
"""Pipeline reference for scband-partial-connection-71476845740128 (READ-ONLY COPY).

The authoritative reference and input builder live on the scoring server;
editing this copy changes nothing except your own understanding.
"""

import jax, jax.numpy as jnp
import numpy as np

N = 50000   # number of input features / output units (adjlist length)
E = 1600000 # total edges in adjlist (avg degree 32)
B = 32      # batch size


def setup_inputs(seed: int = 0) -> dict:
    key = jax.random.key(seed)
    k1, k2, k3, k4, k5 = jax.random.split(key, 5)
    x = jax.random.normal(k1, (B, N), dtype=jnp.float32)
    # flattened adjlist: edge e maps input node src_idx[e] -> output unit dst_idx[e]
    src_idx = jax.random.randint(k2, (E,), 0, N, dtype=jnp.int32)
    dst_idx = jnp.sort(jax.random.randint(k3, (E,), 0, N, dtype=jnp.int32))
    # per-edge learned weight and bias (shape (num_edges_adjlist,) in the keras layer)
    kernel = jax.random.normal(k4, (E,), dtype=jnp.float32) * 0.05
    bias = jax.random.normal(k5, (E,), dtype=jnp.float32) * 0.05
    return {"x": x, "src_idx": src_idx, "dst_idx": dst_idx, "kernel": kernel, "bias": bias}


def reference(x, src_idx, dst_idx, kernel, bias):
    # adjmat @ x^T  == gather input features per edge: flat_f[b, e] = x[b, src_idx[e]]
    flat_f = jnp.take(x, src_idx, axis=1)              # [B, E]
    # per-edge affine: flat_f * kernel + bias
    flat_f2 = flat_f * kernel[None, :] + bias[None, :]  # [B, E]
    # reshapemat @ flat_f2^T == scatter-add edges into their output unit
    out = jax.ops.segment_sum(flat_f2.T, dst_idx, num_segments=N)  # [N, B]
    out = out.T                                         # [B, N]
    # activation=None -> linear (identity)
    return out

if __name__ == "__main__":
    import jax
    _d = setup_inputs()
    print(jax.jit(kernel)(*tuple(_d.values())))

</pallas_src>

<mosaic_0001>
#map = affine_map<(d0, d1) -> (0, 0)>
#map1 = affine_map<(d0, d1) -> (0)>
module attributes {stable_mosaic.version = 14 : i64} {
  func.func @sc_kernel(%arg0: i32, %arg1: i32, %arg2: memref<50000x32xf32, #tpu.memory_space<hbm>>, %arg3: memref<3125x512xi32, #tpu.memory_space<hbm>>, %arg4: memref<3125x2048xi32, #tpu.memory_space<hbm>>, %arg5: memref<40xi32, #tpu.memory_space<hbm>>, %arg6: memref<1600512xf32, #tpu.memory_space<hbm>>, %arg7: memref<50048xf32, #tpu.memory_space<vmem>>, %arg8: memref<512xi32, #tpu.memory_space<vmem>>, %arg9: memref<512xi32, #tpu.memory_space<vmem>>, %arg10: memref<512x32xf32, #tpu.memory_space<vmem>>, %arg11: memref<512x32xf32, #tpu.memory_space<vmem>>, %arg12: memref<2064xi32, #tpu.memory_space<vmem>>, %arg13: memref<2064xi32, #tpu.memory_space<vmem>>, %arg14: memref<48xi32, #tpu.memory_space<vmem>>, %arg15: memref<!tpu.dma_semaphore, #tpu.memory_space<semaphore_mem>>, %arg16: memref<!tpu.dma_semaphore, #tpu.memory_space<semaphore_mem>>, %arg17: memref<!tpu.dma_semaphore, #tpu.memory_space<semaphore_mem>>, %arg18: memref<!tpu.dma_semaphore, #tpu.memory_space<semaphore_mem>>) attributes {dimension_semantics = [#tpu.dimension_semantics<core_parallel>, #tpu.dimension_semantics<subcore_parallel>], iteration_bounds = array<i64: 2, 16>, scalar_prefetch = 0 : i64, scratch_operands = 12 : i64, tpu.core_type = #tpu.core_type<sc_vector_subcore>, window_params = [{transform_indices = #map}, {transform_indices = #map}, {transform_indices = #map}, {transform_indices = #map1}, {transform_indices = #map1}]} {
    %mul3A = arith.constant 16 : i32
    %mul3A_0 = arith.muli %arg0, %mul3A : i32
    %add3A = arith.addi %mul3A_0, %arg1 : i32
    %mul3A_1 = arith.constant 1563 : i32
    %mul3A_2 = arith.muli %add3A, %mul3A_1 : i32
    %broadcast_in_dim3A = arith.constant 0.000000e+00 : f32
    %broadcast_in_dim3A_3 = vector.broadcast %broadcast_in_dim3A : f32 to vector<16xf32>
    %scan3A = arith.constant 0 : i32
    %scan3A_4 = arith.constant 3128 : i32
    %scan3A_5 = arith.addi %scan3A, %scan3A_4 : i32
    %scan3A_6 = arith.constant 1 : i32
    scf.for %scan3A_122 = %scan3A to %scan3A_5 step %scan3A_6  : i32 {
      %mul3A_123 = arith.constant 16 : i32
      %mul3A_124 = arith.muli %scan3A_122, %mul3A_123 : i32
      %add3A_125 = arith.constant 0 : i32
      %add3A_126 = arith.addi %add3A_125, %mul3A_124 : i32
      %swap3A = arith.index_cast %add3A_126 : i32 to index
      %swap3A_127 = tpu.vector_load %arg7[%swap3A] {strides = array<i32>} : memref<50048xf32, #tpu.memory_space<vmem>>, vector<16xf32>,
      tpu.vector_store %arg7[%swap3A], %broadcast_in_dim3A_3 {strides = array<i32>} : memref<50048xf32, #tpu.memory_space<vmem>>, vector<16xf32>,
    }
    %scan3A_7 = arith.constant 3128 : i32
    "tpu.region"() ({
      %run_scoped3A = tpu.sem_alloc : memref<!tpu.dma_semaphore, #tpu.memory_space<semaphore_mem>>
      %dma_start3A = arith.constant 0 : i32
      %dma_start3A_122 = tpu.memref_slice %arg14[%dma_start3A] : memref<48xi32, #tpu.memory_space<vmem>> -> memref<40xi32, #tpu.memory_space<vmem>>
      %dma_start3A_123 = arith.constant 0 : i32
      %dma_start3A_124 = tpu.memref_slice %arg14[%dma_start3A_123] : memref<48xi32, #tpu.memory_space<vmem>> -> memref<40xi32, #tpu.memory_space<vmem>>
      tpu.enqueue_dma source(%arg5 : memref<40xi32, #tpu.memory_space<hbm>>) target(%dma_start3A_124 : memref<40xi32, #tpu.memory_space<vmem>>) target_semaphore(%run_scoped3A : memref<!tpu.dma_semaphore, #tpu.memory_space<semaphore_mem>>)
      %dma_wait3A = arith.constant 0 : i32
      %dma_wait3A_125 = tpu.memref_slice %arg14[%dma_wait3A] : memref<48xi32, #tpu.memory_space<vmem>> -> memref<40xi32, #tpu.memory_space<vmem>>
      %dma_wait3A_126 = arith.constant 0 : i32
      %dma_wait3A_127 = tpu.memref_slice %arg14[%dma_wait3A_126] : memref<48xi32, #tpu.memory_space<vmem>> -> memref<40xi32, #tpu.memory_space<vmem>>
      tpu.wait_dma2 semaphore(%run_scoped3A : memref<!tpu.dma_semaphore, #tpu.memory_space<semaphore_mem>>) src(%arg5 : memref<40xi32, #tpu.memory_space<hbm>>) dst(%dma_wait3A_127 : memref<40xi32, #tpu.memory_space<vmem>>)
      tpu.yield
    }) : () -> ()
    %get3A = arith.index_cast %add3A : i32 to index
    %get3A_8 = tpu.vector_load %arg14[%get3A] {strides = array<i32>} : memref<48xi32, #tpu.memory_space<vmem>>, vector<16xi32>,
    %slice3A = vector.extract_strided_slice %get3A_8 {offsets = [0], sizes = [1], strides = [1]} : vector<16xi32> to vector<1xi32>
    %squeeze3A = vector.extract %slice3A[0] : i32 from vector<1xi32>
    %slice3A_9 = vector.extract_strided_slice %get3A_8 {offsets = [1], sizes = [1], strides = [1]} : vector<16xi32> to vector<1xi32>
    %squeeze3A_10 = vector.extract %slice3A_9[0] : i32 from vector<1xi32>
    %jit3A = arith.constant 512 : i32
    %div3A = arith.divsi %squeeze3A, %jit3A : i32
    %sign3A = arith.constant 0 : i32
    %sign3A_11 = arith.cmpi sgt, %squeeze3A, %sign3A : i32
    %sign3A_12 = arith.extui %sign3A_11 : i1 to i32
    %sign3A_13 = arith.constant 0 : i32
    %sign3A_14 = arith.cmpi slt, %squeeze3A, %sign3A_13 : i32
    %sign3A_15 = arith.extui %sign3A_14 : i1 to i32
    %sign3A_16 = arith.subi %sign3A_12, %sign3A_15 : i32
    %sign3A_17 = arith.constant 0 : i32
    %sign3A_18 = arith.cmpi sgt, %jit3A, %sign3A_17 : i32
    %sign3A_19 = arith.extui %sign3A_18 : i1 to i32
    %sign3A_20 = arith.constant 0 : i32
    %sign3A_21 = arith.cmpi slt, %jit3A, %sign3A_20 : i32
    %sign3A_22 = arith.extui %sign3A_21 : i1 to i32
    %sign3A_23 = arith.subi %sign3A_19, %sign3A_22 : i32
    %ne3A = arith.cmpi ne, %sign3A_16, %sign3A_23 : i32
    %rem3A = arith.remsi %squeeze3A, %jit3A : i32
    %ne3A_24 = arith.constant 0 : i32
    %ne3A_25 = arith.cmpi ne, %rem3A, %ne3A_24 : i32
    %and3A = arith.andi %ne3A, %ne3A_25 : i1
    %sub3A = arith.constant 1 : i32
    %sub3A_26 = arith.subi %div3A, %sub3A : i32
    %select_n3A = arith.select %and3A, %sub3A_26, %div3A : i32
    %add3A_27 = arith.constant 512 : i32
    %add3A_28 = arith.addi %squeeze3A_10, %add3A_27 : i32
    %sub3A_29 = arith.constant 1 : i32
    %sub3A_30 = arith.subi %add3A_28, %sub3A_29 : i32
    %jit3A_31 = arith.constant 512 : i32
    %div3A_32 = arith.divsi %sub3A_30, %jit3A_31 : i32
    %sign3A_33 = arith.constant 0 : i32
    %sign3A_34 = arith.cmpi sgt, %sub3A_30, %sign3A_33 : i32
    %sign3A_35 = arith.extui %sign3A_34 : i1 to i32
    %sign3A_36 = arith.constant 0 : i32
    %sign3A_37 = arith.cmpi slt, %sub3A_30, %sign3A_36 : i32
    %sign3A_38 = arith.extui %sign3A_37 : i1 to i32
    %sign3A_39 = arith.subi %sign3A_35, %sign3A_38 : i32
    %sign3A_40 = arith.constant 0 : i32
    %sign3A_41 = arith.cmpi sgt, %jit3A_31, %sign3A_40 : i32
    %sign3A_42 = arith.extui %sign3A_41 : i1 to i32
    %sign3A_43 = arith.constant 0 : i32
    %sign3A_44 = arith.cmpi slt, %jit3A_31, %sign3A_43 : i32
    %sign3A_45 = arith.extui %sign3A_44 : i1 to i32
    %sign3A_46 = arith.subi %sign3A_42, %sign3A_45 : i32
    %ne3A_47 = arith.cmpi ne, %sign3A_39, %sign3A_46 : i32
    %rem3A_48 = arith.remsi %sub3A_30, %jit3A_31 : i32
    %ne3A_49 = arith.constant 0 : i32
    %ne3A_50 = arith.cmpi ne, %rem3A_48, %ne3A_49 : i32
    %and3A_51 = arith.andi %ne3A_47, %ne3A_50 : i1
    %sub3A_52 = arith.constant 1 : i32
    %sub3A_53 = arith.subi %div3A_32, %sub3A_52 : i32
    %select_n3A_54 = arith.select %and3A_51, %sub3A_53, %div3A_32 : i32
    %iota3A = tpu.iota {dimensions = array<i32: 0>} : vector<16xi32>
    %mul3A_55 = arith.constant 32 : i32
    %mul3A_56 = arith.muli %mul3A_2, %mul3A_55 : i32
    %sub3A_57 = vector.broadcast %mul3A_56 : i32 to vector<16xi32>
    %sub3A_58 = arith.subi %iota3A, %sub3A_57 : vector<16xi32>
    %add3A_59 = arith.constant 16 : i32
    %add3A_60 = vector.broadcast %add3A_59 : i32 to vector<16xi32>
    %add3A_61 = arith.addi %sub3A_58, %add3A_60 : vector<16xi32>
    %broadcast_in_dim3A_62 = vector.broadcast %squeeze3A : i32 to vector<16xi32>
    %broadcast_in_dim3A_63 = vector.broadcast %squeeze3A_10 : i32 to vector<16xi32>
    %broadcast_in_dim3A_64 = arith.constant 50016 : i32
    %broadcast_in_dim3A_65 = vector.broadcast %broadcast_in_dim3A_64 : i32 to vector<16xi32>
    %add3A_66 = arith.addi %broadcast_in_dim3A_65, %iota3A : vector<16xi32>
    %broadcast_in_dim3A_67 = arith.constant 0.000000e+00 : f32
    %broadcast_in_dim3A_68 = vector.broadcast %broadcast_in_dim3A_67 : f32 to vector<16xf32>
    %lt3A = arith.cmpi slt, %select_n3A, %select_n3A_54 : i32
    %convert_element_type3A = arith.extui %lt3A : i1 to i32
    %cond3A = arith.constant 0 : i32
    %cond3A_69 = arith.cmpi ne, %convert_element_type3A, %cond3A : i32
    scf.if %cond3A_69 {
      %dma_start3A = arith.constant 0 : i32
      %dma_start3A_122 = tpu.memref_slice %arg3[%select_n3A, %dma_start3A] : memref<3125x512xi32, #tpu.memory_space<hbm>> -> memref<1x512xi32, #tpu.memory_space<hbm>>
      %dma_start3A_123 = tpu.memref_squeeze %dma_start3A_122 : memref<1x512xi32, #tpu.memory_space<hbm>> -> memref<512xi32, #tpu.memory_space<hbm>>
      %dma_start3A_124 = arith.constant 0 : i32
      %dma_start3A_125 = tpu.memref_slice %arg3[%select_n3A, %dma_start3A_124] : memref<3125x512xi32, #tpu.memory_space<hbm>> -> memref<1x512xi32, #tpu.memory_space<hbm>>
      %dma_start3A_126 = tpu.memref_squeeze %dma_start3A_125 : memref<1x512xi32, #tpu.memory_space<hbm>> -> memref<512xi32, #tpu.memory_space<hbm>>
      tpu.enqueue_dma source(%dma_start3A_126 : memref<512xi32, #tpu.memory_space<hbm>>) target(%arg8 : memref<512xi32, #tpu.memory_space<vmem>>) target_semaphore(%arg15 : memref<!tpu.dma_semaphore, #tpu.memory_space<semaphore_mem>>)
      %dma_start3A_127 = arith.constant 0 : i32
      %dma_start3A_128 = tpu.memref_slice %arg12[%dma_start3A_127] : memref<2064xi32, #tpu.memory_space<vmem>> -> memref<2048xi32, #tpu.memory_space<vmem>>
      %dma_start3A_129 = arith.constant 0 : i32
      %dma_start3A_130 = tpu.memref_slice %arg4[%select_n3A, %dma_start3A_129] : memref<3125x2048xi32, #tpu.memory_space<hbm>> -> memref<1x2048xi32, #tpu.memory_space<hbm>>
      %dma_start3A_131 = tpu.memref_squeeze %dma_start3A_130 : memref<1x2048xi32, #tpu.memory_space<hbm>> -> memref<2048xi32, #tpu.memory_space<hbm>>
      %dma_start3A_132 = arith.constant 0 : i32
      %dma_start3A_133 = tpu.memref_slice %arg12[%dma_start3A_132] : memref<2064xi32, #tpu.memory_space<vmem>> -> memref<2048xi32, #tpu.memory_space<vmem>>
      %dma_start3A_134 = arith.constant 0 : i32
      %dma_start3A_135 = tpu.memref_slice %arg4[%select_n3A, %dma_start3A_134] : memref<3125x2048xi32, #tpu.memory_space<hbm>> -> memref<1x2048xi32, #tpu.memory_space<hbm>>
      %dma_start3A_136 = tpu.memref_squeeze %dma_start3A_135 : memref<1x2048xi32, #tpu.memory_space<hbm>> -> memref<2048xi32, #tpu.memory_space<hbm>>
      tpu.enqueue_dma source(%dma_start3A_136 : memref<2048xi32, #tpu.memory_space<hbm>>) target(%dma_start3A_133 : memref<2048xi32, #tpu.memory_space<vmem>>) target_semaphore(%arg15 : memref<!tpu.dma_semaphore, #tpu.memory_space<semaphore_mem>>)
    } else {
    }
    %lt3A_70 = arith.cmpi slt, %select_n3A, %select_n3A_54 : i32
    %convert_element_type3A_71 = arith.extui %lt3A_70 : i1 to i32
    %cond3A_72 = arith.constant 0 : i32
    %cond3A_73 = arith.cmpi ne, %convert_element_type3A_71, %cond3A_72 : i32
    scf.if %cond3A_73 {
      %dma_wait3A = arith.constant 0 : i32
      %dma_wait3A_122 = tpu.memref_slice %arg3[%select_n3A, %dma_wait3A] : memref<3125x512xi32, #tpu.memory_space<hbm>> -> memref<1x512xi32, #tpu.memory_space<hbm>>
      %dma_wait3A_123 = tpu.memref_squeeze %dma_wait3A_122 : memref<1x512xi32, #tpu.memory_space<hbm>> -> memref<512xi32, #tpu.memory_space<hbm>>
      %dma_wait3A_124 = arith.constant 0 : i32
      %dma_wait3A_125 = tpu.memref_slice %arg3[%select_n3A, %dma_wait3A_124] : memref<3125x512xi32, #tpu.memory_space<hbm>> -> memref<1x512xi32, #tpu.memory_space<hbm>>
      %dma_wait3A_126 = tpu.memref_squeeze %dma_wait3A_125 : memref<1x512xi32, #tpu.memory_space<hbm>> -> memref<512xi32, #tpu.memory_space<hbm>>
      tpu.wait_dma2 semaphore(%arg15 : memref<!tpu.dma_semaphore, #tpu.memory_space<semaphore_mem>>) src(%dma_wait3A_126 : memref<512xi32, #tpu.memory_space<hbm>>) dst(%arg8 : memref<512xi32, #tpu.memory_space<vmem>>)
      %dma_wait3A_127 = arith.constant 0 : i32
      %dma_wait3A_128 = tpu.memref_slice %arg12[%dma_wait3A_127] : memref<2064xi32, #tpu.memory_space<vmem>> -> memref<2048xi32, #tpu.memory_space<vmem>>
      %dma_wait3A_129 = arith.constant 0 : i32
      %dma_wait3A_130 = tpu.memref_slice %arg4[%select_n3A, %dma_wait3A_129] : memref<3125x2048xi32, #tpu.memory_space<hbm>> -> memref<1x2048xi32, #tpu.memory_space<hbm>>
      %dma_wait3A_131 = tpu.memref_squeeze %dma_wait3A_130 : memref<1x2048xi32, #tpu.memory_space<hbm>> -> memref<2048xi32, #tpu.memory_space<hbm>>
      %dma_wait3A_132 = arith.constant 0 : i32
      %dma_wait3A_133 = tpu.memref_slice %arg12[%dma_wait3A_132] : memref<2064xi32, #tpu.memory_space<vmem>> -> memref<2048xi32, #tpu.memory_space<vmem>>
      %dma_wait3A_134 = arith.constant 0 : i32
      %dma_wait3A_135 = tpu.memref_slice %arg4[%select_n3A, %dma_wait3A_134] : memref<3125x2048xi32, #tpu.memory_space<hbm>> -> memref<1x2048xi32, #tpu.memory_space<hbm>>
      %dma_wait3A_136 = tpu.memref_squeeze %dma_wait3A_135 : memref<1x2048xi32, #tpu.memory_space<hbm>> -> memref<2048xi32, #tpu.memory_space<hbm>>
      tpu.wait_dma2 semaphore(%arg15 : memref<!tpu.dma_semaphore, #tpu.memory_space<semaphore_mem>>) src(%dma_wait3A_136 : memref<2048xi32, #tpu.memory_space<hbm>>) dst(%dma_wait3A_133 : memref<2048xi32, #tpu.memory_space<vmem>>)
    } else {
    }
    %lt3A_74 = arith.cmpi slt, %select_n3A, %select_n3A_54 : i32
    %convert_element_type3A_75 = arith.extui %lt3A_74 : i1 to i32
    %cond3A_76 = arith.constant 0 : i32
    %cond3A_77 = arith.cmpi ne, %convert_element_type3A_75, %cond3A_76 : i32
    scf.if %cond3A_77 {
      %dma_start3A = arith.constant 0 : i32
      %dma_start3A_122 = arith.constant 0 : i32
      %dma_start3A_123 = tpu.memref_slice %arg10[%dma_start3A, %dma_start3A_122] : memref<512x32xf32, #tpu.memory_space<vmem>> -> memref<128x32xf32, #tpu.memory_space<vmem>>
      %dma_start3A_124 = arith.constant 0 : i32
      %dma_start3A_125 = tpu.memref_slice %arg8[%dma_start3A_124] : memref<512xi32, #tpu.memory_space<vmem>> -> memref<128xi32, #tpu.memory_space<vmem>>
      %dma_start3A_126 = arith.constant 0 : i32
      %dma_start3A_127 = arith.constant 0 : i32
      %dma_start3A_128 = tpu.memref_slice %arg2[%dma_start3A_126, %dma_start3A_127] : memref<50000x32xf32, #tpu.memory_space<hbm>> -> memref<50000x32xf32, #tpu.memory_space<hbm>>
      tpu.enqueue_indirect_dma source(%dma_start3A_128 : memref<50000x32xf32, #tpu.memory_space<hbm>>) target(%dma_start3A_123 : memref<128x32xf32, #tpu.memory_space<vmem>>) offsets(%dma_start3A_125 : memref<128xi32, #tpu.memory_space<vmem>>) semaphore(%arg17 : memref<!tpu.dma_semaphore, #tpu.memory_space<semaphore_mem>>)
      %dma_start3A_129 = arith.constant 128 : i32
      %dma_start3A_130 = arith.constant 0 : i32
      %dma_start3A_131 = tpu.memref_slice %arg10[%dma_start3A_129, %dma_start3A_130] : memref<512x32xf32, #tpu.memory_space<vmem>> -> memref<128x32xf32, #tpu.memory_space<vmem>>
      %dma_start3A_132 = arith.constant 128 : i32
      %dma_start3A_133 = tpu.memref_slice %arg8[%dma_start3A_132] : memref<512xi32, #tpu.memory_space<vmem>> -> memref<128xi32, #tpu.memory_space<vmem>>
      %dma_start3A_134 = arith.constant 0 : i32
      %dma_start3A_135 = arith.constant 0 : i32
      %dma_start3A_136 = tpu.memref_slice %arg2[%dma_start3A_134, %dma_start3A_135] : memref<50000x32xf32, #tpu.memory_space<hbm>> -> memref<50000x32xf32, #tpu.memory_space<hbm>>
      tpu.enqueue_indirect_dma source(%dma_start3A_136 : memref<50000x32xf32, #tpu.memory_space<hbm>>) target(%dma_start3A_131 : memref<128x32xf32, #tpu.memory_space<vmem>>) offsets(%dma_start3A_133 : memref<128xi32, #tpu.memory_space<vmem>>) semaphore(%arg17 : memref<!tpu.dma_semaphore, #tpu.memory_space<semaphore_mem>>)
      %dma_start3A_137 = arith.constant 256 : i32
      %dma_start3A_138 = arith.constant 0 : i32
      %dma_start3A_139 = tpu.memref_slice %arg10[%dma_start3A_137, %dma_start3A_138] : memref<512x32xf32, #tpu.memory_space<vmem>> -> memref<128x32xf32, #tpu.memory_space<vmem>>
      %dma_start3A_140 = arith.constant 256 : i32
      %dma_start3A_141 = tpu.memref_slice %arg8[%dma_start3A_140] : memref<512xi32, #tpu.memory_space<vmem>> -> memref<128xi32, #tpu.memory_space<vmem>>
      %dma_start3A_142 = arith.constant 0 : i32
      %dma_start3A_143 = arith.constant 0 : i32
      %dma_start3A_144 = tpu.memref_slice %arg2[%dma_start3A_142, %dma_start3A_143] : memref<50000x32xf32, #tpu.memory_space<hbm>> -> memref<50000x32xf32, #tpu.memory_space<hbm>>
      tpu.enqueue_indirect_dma source(%dma_start3A_144 : memref<50000x32xf32, #tpu.memory_space<hbm>>) target(%dma_start3A_139 : memref<128x32xf32, #tpu.memory_space<vmem>>) offsets(%dma_start3A_141 : memref<128xi32, #tpu.memory_space<vmem>>) semaphore(%arg17 : memref<!tpu.dma_semaphore, #tpu.memory_space<semaphore_mem>>)
      %dma_start3A_145 = arith.constant 384 : i32
      %dma_start3A_146 = arith.constant 0 : i32
      %dma_start3A_147 = tpu.memref_slice %arg10[%dma_start3A_145, %dma_start3A_146] : memref<512x32xf32, #tpu.memory_space<vmem>> -> memref<128x32xf32, #tpu.memory_space<vmem>>
      %dma_start3A_148 = arith.constant 384 : i32
      %dma_start3A_149 = tpu.memref_slice %arg8[%dma_start3A_148] : memref<512xi32, #tpu.memory_space<vmem>> -> memref<128xi32, #tpu.memory_space<vmem>>
      %dma_start3A_150 = arith.constant 0 : i32
      %dma_start3A_151 = arith.constant 0 : i32
      %dma_start3A_152 = tpu.memref_slice %arg2[%dma_start3A_150, %dma_start3A_151] : memref<50000x32xf32, #tpu.memory_space<hbm>> -> memref<50000x32xf32, #tpu.memory_space<hbm>>
      tpu.enqueue_indirect_dma source(%dma_start3A_152 : memref<50000x32xf32, #tpu.memory_space<hbm>>) target(%dma_start3A_147 : memref<128x32xf32, #tpu.memory_space<vmem>>) offsets(%dma_start3A_149 : memref<128xi32, #tpu.memory_space<vmem>>) semaphore(%arg17 : memref<!tpu.dma_semaphore, #tpu.memory_space<semaphore_mem>>)
    } else {
    }
    %add3A_78 = arith.constant 1 : i32
    %add3A_79 = arith.addi %select_n3A, %add3A_78 : i32
    %lt3A_80 = arith.cmpi slt, %add3A_79, %select_n3A_54 : i32
    %convert_element_type3A_81 = arith.extui %lt3A_80 : i1 to i32
    %cond3A_82 = arith.constant 0 : i32
    %cond3A_83 = arith.cmpi ne, %convert_element_type3A_81, %cond3A_82 : i32
    scf.if %cond3A_83 {
      %dma_start3A = arith.constant 0 : i32
      %dma_start3A_122 = tpu.memref_slice %arg3[%add3A_79, %dma_start3A] : memref<3125x512xi32, #tpu.memory_space<hbm>> -> memref<1x512xi32, #tpu.memory_space<hbm>>
      %dma_start3A_123 = tpu.memref_squeeze %dma_start3A_122 : memref<1x512xi32, #tpu.memory_space<hbm>> -> memref<512xi32, #tpu.memory_space<hbm>>
      %dma_start3A_124 = arith.constant 0 : i32
      %dma_start3A_125 = tpu.memref_slice %arg3[%add3A_79, %dma_start3A_124] : memref<3125x512xi32, #tpu.memory_space<hbm>> -> memref<1x512xi32, #tpu.memory_space<hbm>>
      %dma_start3A_126 = tpu.memref_squeeze %dma_start3A_125 : memref<1x512xi32, #tpu.memory_space<hbm>> -> memref<512xi32, #tpu.memory_space<hbm>>
      tpu.enqueue_dma source(%dma_start3A_126 : memref<512xi32, #tpu.memory_space<hbm>>) target(%arg9 : memref<512xi32, #tpu.memory_space<vmem>>) target_semaphore(%arg16 : memref<!tpu.dma_semaphore, #tpu.memory_space<semaphore_mem>>)
      %dma_start3A_127 = arith.constant 0 : i32
      %dma_start3A_128 = tpu.memref_slice %arg13[%dma_start3A_127] : memref<2064xi32, #tpu.memory_space<vmem>> -> memref<2048xi32, #tpu.memory_space<vmem>>
      %dma_start3A_129 = arith.constant 0 : i32
      %dma_start3A_130 = tpu.memref_slice %arg4[%add3A_79, %dma_start3A_129] : memref<3125x2048xi32, #tpu.memory_space<hbm>> -> memref<1x2048xi32, #tpu.memory_space<hbm>>
      %dma_start3A_131 = tpu.memref_squeeze %dma_start3A_130 : memref<1x2048xi32, #tpu.memory_space<hbm>> -> memref<2048xi32, #tpu.memory_space<hbm>>
      %dma_start3A_132 = arith.constant 0 : i32
      %dma_start3A_133 = tpu.memref_slice %arg13[%dma_start3A_132] : memref<2064xi32, #tpu.memory_space<vmem>> -> memref<2048xi32, #tpu.memory_space<vmem>>
      %dma_start3A_134 = arith.constant 0 : i32
      %dma_start3A_135 = tpu.memref_slice %arg4[%add3A_79, %dma_start3A_134] : memref<3125x2048xi32, #tpu.memory_space<hbm>> -> memref<1x2048xi32, #tpu.memory_space<hbm>>
      %dma_start3A_136 = tpu.memref_squeeze %dma_start3A_135 : memref<1x2048xi32, #tpu.memory_space<hbm>> -> memref<2048xi32, #tpu.memory_space<hbm>>
      tpu.enqueue_dma source(%dma_start3A_136 : memref<2048xi32, #tpu.memory_space<hbm>>) target(%dma_start3A_133 : memref<2048xi32, #tpu.memory_space<vmem>>) target_semaphore(%arg16 : memref<!tpu.dma_semaphore, #tpu.memory_space<semaphore_mem>>)
    } else {
    }
    %sub3A_84 = arith.subi %select_n3A_54, %select_n3A : i32
    %add3A_85 = arith.constant 1 : i32
    %add3A_86 = arith.addi %sub3A_84, %add3A_85 : i32
    %jit3A_87 = arith.constant 2 : i32
    %div3A_88 = arith.divsi %add3A_86, %jit3A_87 : i32
    %sign3A_89 = arith.constant 0 : i32
    %sign3A_90 = arith.cmpi sgt, %add3A_86, %sign3A_89 : i32
    %sign3A_91 = arith.extui %sign3A_90 : i1 to i32
    %sign3A_92 = arith.constant 0 : i32
    %sign3A_93 = arith.cmpi slt, %add3A_86, %sign3A_92 : i32
    %sign3A_94 = arith.extui %sign3A_93 : i1 to i32
    %sign3A_95 = arith.subi %sign3A_91, %sign3A_94 : i32
    %sign3A_96 = arith.constant 0 : i32
    %sign3A_97 = arith.cmpi sgt, %jit3A_87, %sign3A_96 : i32
    %sign3A_98 = arith.extui %sign3A_97 : i1 to i32
    %sign3A_99 = arith.constant 0 : i32
    %sign3A_100 = arith.cmpi slt, %jit3A_87, %sign3A_99 : i32
    %sign3A_101 = arith.extui %sign3A_100 : i1 to i32
    %sign3A_102 = arith.subi %sign3A_98, %sign3A_101 : i32
    %ne3A_103 = arith.cmpi ne, %sign3A_95, %sign3A_102 : i32
    %rem3A_104 = arith.remsi %add3A_86, %jit3A_87 : i32
    %ne3A_105 = arith.constant 0 : i32
    %ne3A_106 = arith.cmpi ne, %rem3A_104, %ne3A_105 : i32
    %and3A_107 = arith.andi %ne3A_103, %ne3A_106 : i1
    %sub3A_108 = arith.constant 1 : i32
    %sub3A_109 = arith.subi %div3A_88, %sub3A_108 : i32
    %select_n3A_110 = arith.select %and3A_107, %sub3A_109, %div3A_88 : i32
    %while3A = arith.constant 0 : i32
    %while3A_111 = arith.constant 0 : i32
    %while3A_112 = arith.subi %select_n3A_110, %while3A_111 : i32
    %while3A_113 = arith.addi %while3A_111, %while3A_112 : i32
    %while3A_114 = arith.constant 1 : i32
    %while3A_115 = arith.divsi %while3A_112, %while3A_114 : i32
    %while3A_116 = arith.muli %while3A_115, %while3A_114 : i32
    %while3A_117 = arith.addi %while3A_111, %while3A_116 : i32
    %while3A_118 = arith.constant 1 : i32
    scf.for %while3A_122 = %while3A_111 to %while3A_117 step %while3A_118  : i32 {
      %mul3A_123 = arith.constant 2 : i32
      %mul3A_124 = arith.muli %mul3A_123, %while3A_122 : i32
      %add3A_125 = arith.addi %select_n3A, %mul3A_124 : i32
      %add3A_126 = arith.constant 1 : i32
      %add3A_127 = arith.addi %add3A_125, %add3A_126 : i32
      %lt3A_128 = arith.cmpi slt, %add3A_127, %select_n3A_54 : i32
      %convert_element_type3A_129 = arith.extui %lt3A_128 : i1 to i32
      %cond3A_130 = arith.constant 0 : i32
      %cond3A_131 = arith.cmpi ne, %convert_element_type3A_129, %cond3A_130 : i32
      scf.if %cond3A_131 {
        %dma_wait3A = arith.constant 0 : i32
        %dma_wait3A_203 = tpu.memref_slice %arg3[%add3A_127, %dma_wait3A] : memref<3125x512xi32, #tpu.memory_space<hbm>> -> memref<1x512xi32, #tpu.memory_space<hbm>>
        %dma_wait3A_204 = tpu.memref_squeeze %dma_wait3A_203 : memref<1x512xi32, #tpu.memory_space<hbm>> -> memref<512xi32, #tpu.memory_space<hbm>>
        %dma_wait3A_205 = arith.constant 0 : i32
        %dma_wait3A_206 = tpu.memref_slice %arg3[%add3A_127, %dma_wait3A_205] : memref<3125x512xi32, #tpu.memory_space<hbm>> -> memref<1x512xi32, #tpu.memory_space<hbm>>
        %dma_wait3A_207 = tpu.memref_squeeze %dma_wait3A_206 : memref<1x512xi32, #tpu.memory_space<hbm>> -> memref<512xi32, #tpu.memory_space<hbm>>
        tpu.wait_dma2 semaphore(%arg16 : memref<!tpu.dma_semaphore, #tpu.memory_space<semaphore_mem>>) src(%dma_wait3A_207 : memref<512xi32, #tpu.memory_space<hbm>>) dst(%arg9 : memref<512xi32, #tpu.memory_space<vmem>>)
        %dma_wait3A_208 = arith.constant 0 : i32
        %dma_wait3A_209 = tpu.memref_slice %arg13[%dma_wait3A_208] : memref<2064xi32, #tpu.memory_space<vmem>> -> memref<2048xi32, #tpu.memory_space<vmem>>
        %dma_wait3A_210 = arith.constant 0 : i32
        %dma_wait3A_211 = tpu.memref_slice %arg4[%add3A_127, %dma_wait3A_210] : memref<3125x2048xi32, #tpu.memory_space<hbm>> -> memref<1x2048xi32, #tpu.memory_space<hbm>>
        %dma_wait3A_212 = tpu.memref_squeeze %dma_wait3A_211 : memref<1x2048xi32, #tpu.memory_space<hbm>> -> memref<2048xi32, #tpu.memory_space<hbm>>
        %dma_wait3A_213 = arith.constant 0 : i32
        %dma_wait3A_214 = tpu.memref_slice %arg13[%dma_wait3A_213] : memref<2064xi32, #tpu.memory_space<vmem>> -> memref<2048xi32, #tpu.memory_space<vmem>>
        %dma_wait3A_215 = arith.constant 0 : i32
        %dma_wait3A_216 = tpu.memref_slice %arg4[%add3A_127, %dma_wait3A_215] : memref<3125x2048xi32, #tpu.memory_space<hbm>> -> memref<1x2048xi32, #tpu.memory_space<hbm>>
        %dma_wait3A_217 = tpu.memref_squeeze %dma_wait3A_216 : memref<1x2048xi32, #tpu.memory_space<hbm>> -> memref<2048xi32, #tpu.memory_space<hbm>>
        tpu.wait_dma2 semaphore(%arg16 : memref<!tpu.dma_semaphore, #tpu.memory_space<semaphore_mem>>) src(%dma_wait3A_217 : memref<2048xi32, #tpu.memory_space<hbm>>) dst(%dma_wait3A_214 : memref<2048xi32, #tpu.memory_space<vmem>>)
      } else {
      }
      %lt3A_132 = arith.cmpi slt, %add3A_127, %select_n3A_54 : i32
      %convert_element_type3A_133 = arith.extui %lt3A_132 : i1 to i32
      %cond3A_134 = arith.constant 0 : i32
      %cond3A_135 = arith.cmpi ne, %convert_element_type3A_133, %cond3A_134 : i32
      scf.if %cond3A_135 {
        %dma_start3A = arith.constant 0 : i32
        %dma_start3A_203 = arith.constant 0 : i32
        %dma_start3A_204 = tpu.memref_slice %arg11[%dma_start3A, %dma_start3A_203] : memref<512x32xf32, #tpu.memory_space<vmem>> -> memref<128x32xf32, #tpu.memory_space<vmem>>
        %dma_start3A_205 = arith.constant 0 : i32
        %dma_start3A_206 = tpu.memref_slice %arg9[%dma_start3A_205] : memref<512xi32, #tpu.memory_space<vmem>> -> memref<128xi32, #tpu.memory_space<vmem>>
        %dma_start3A_207 = arith.constant 0 : i32
        %dma_start3A_208 = arith.constant 0 : i32
        %dma_start3A_209 = tpu.memref_slice %arg2[%dma_start3A_207, %dma_start3A_208] : memref<50000x32xf32, #tpu.memory_space<hbm>> -> memref<50000x32xf32, #tpu.memory_space<hbm>>
        tpu.enqueue_indirect_dma source(%dma_start3A_209 : memref<50000x32xf32, #tpu.memory_space<hbm>>) target(%dma_start3A_204 : memref<128x32xf32, #tpu.memory_space<vmem>>) offsets(%dma_start3A_206 : memref<128xi32, #tpu.memory_space<vmem>>) semaphore(%arg18 : memref<!tpu.dma_semaphore, #tpu.memory_space<semaphore_mem>>)
        %dma_start3A_210 = arith.constant 128 : i32
        %dma_start3A_211 = arith.constant 0 : i32
        %dma_start3A_212 = tpu.memref_slice %arg11[%dma_start3A_210, %dma_start3A_211] : memref<512x32xf32, #tpu.memory_space<vmem>> -> memref<128x32xf32, #tpu.memory_space<vmem>>
        %dma_start3A_213 = arith.constant 128 : i32
        %dma_start3A_214 = tpu.memref_slice %arg9[%dma_start3A_213] : memref<512xi32, #tpu.memory_space<vmem>> -> memref<128xi32, #tpu.memory_space<vmem>>
        %dma_start3A_215 = arith.constant 0 : i32
        %dma_start3A_216 = arith.constant 0 : i32
        %dma_start3A_217 = tpu.memref_slice %arg2[%dma_start3A_215, %dma_start3A_216] : memref<50000x32xf32, #tpu.memory_space<hbm>> -> memref<50000x32xf32, #tpu.memory_space<hbm>>
        tpu.enqueue_indirect_dma source(%dma_start3A_217 : memref<50000x32xf32, #tpu.memory_space<hbm>>) target(%dma_start3A_212 : memref<128x32xf32, #tpu.memory_space<vmem>>) offsets(%dma_start3A_214 : memref<128xi32, #tpu.memory_space<vmem>>) semaphore(%arg18 : memref<!tpu.dma_semaphore, #tpu.memory_space<semaphore_mem>>)
        %dma_start3A_218 = arith.constant 256 : i32
        %dma_start3A_219 = arith.constant 0 : i32
        %dma_start3A_220 = tpu.memref_slice %arg11[%dma_start3A_218, %dma_start3A_219] : memref<512x32xf32, #tpu.memory_space<vmem>> -> memref<128x32xf32, #tpu.memory_space<vmem>>
        %dma_start3A_221 = arith.constant 256 : i32
        %dma_start3A_222 = tpu.memref_slice %arg9[%dma_start3A_221] : memref<512xi32, #tpu.memory_space<vmem>> -> memref<128xi32, #tpu.memory_space<vmem>>
        %dma_start3A_223 = arith.constant 0 : i32
        %dma_start3A_224 = arith.constant 0 : i32
        %dma_start3A_225 = tpu.memref_slice %arg2[%dma_start3A_223, %dma_start3A_224] : memref<50000x32xf32, #tpu.memory_space<hbm>> -> memref<50000x32xf32, #tpu.memory_space<hbm>>
        tpu.enqueue_indirect_dma source(%dma_start3A_225 : memref<50000x32xf32, #tpu.memory_space<hbm>>) target(%dma_start3A_220 : memref<128x32xf32, #tpu.memory_space<vmem>>) offsets(%dma_start3A_222 : memref<128xi32, #tpu.memory_space<vmem>>) semaphore(%arg18 : memref<!tpu.dma_semaphore, #tpu.memory_space<semaphore_mem>>)
        %dma_start3A_226 = arith.constant 384 : i32
        %dma_start3A_227 = arith.constant 0 : i32
        %dma_start3A_228 = tpu.memref_slice %arg11[%dma_start3A_226, %dma_start3A_227] : memref<512x32xf32, #tpu.memory_space<vmem>> -> memref<128x32xf32, #tpu.memory_space<vmem>>
        %dma_start3A_229 = arith.constant 384 : i32
        %dma_start3A_230 = tpu.memref_slice %arg9[%dma_start3A_229] : memref<512xi32, #tpu.memory_space<vmem>> -> memref<128xi32, #tpu.memory_space<vmem>>
        %dma_start3A_231 = arith.constant 0 : i32
        %dma_start3A_232 = arith.constant 0 : i32
        %dma_start3A_233 = tpu.memref_slice %arg2[%dma_start3A_231, %dma_start3A_232] : memref<50000x32xf32, #tpu.memory_space<hbm>> -> memref<50000x32xf32, #tpu.memory_space<hbm>>
        tpu.enqueue_indirect_dma source(%dma_start3A_233 : memref<50000x32xf32, #tpu.memory_space<hbm>>) target(%dma_start3A_228 : memref<128x32xf32, #tpu.memory_space<vmem>>) offsets(%dma_start3A_230 : memref<128xi32, #tpu.memory_space<vmem>>) semaphore(%arg18 : memref<!tpu.dma_semaphore, #tpu.memory_space<semaphore_mem>>)
      } else {
      }
      %lt3A_136 = arith.cmpi slt, %add3A_125, %select_n3A_54 : i32
      %convert_element_type3A_137 = arith.extui %lt3A_136 : i1 to i32
      %cond3A_138 = arith.constant 0 : i32
      %cond3A_139 = arith.cmpi ne, %convert_element_type3A_137, %cond3A_138 : i32
      scf.if %cond3A_139 {
        %dma_wait3A = arith.constant 0 : i32
        %dma_wait3A_203 = arith.constant 0 : i32
        %dma_wait3A_204 = tpu.memref_slice %arg10[%dma_wait3A, %dma_wait3A_203] : memref<512x32xf32, #tpu.memory_space<vmem>> -> memref<128x32xf32, #tpu.memory_space<vmem>>
        %dma_wait3A_205 = arith.constant 0 : i32
        %dma_wait3A_206 = tpu.memref_slice %arg8[%dma_wait3A_205] : memref<512xi32, #tpu.memory_space<vmem>> -> memref<128xi32, #tpu.memory_space<vmem>>
        %dma_wait3A_207 = arith.constant 0 : i32
        %dma_wait3A_208 = arith.constant 0 : i32
        %dma_wait3A_209 = tpu.memref_slice %arg2[%dma_wait3A_207, %dma_wait3A_208] : memref<50000x32xf32, #tpu.memory_space<hbm>> -> memref<50000x32xf32, #tpu.memory_space<hbm>>
        tpu.wait_indirect_dma semaphore(%arg17 : memref<!tpu.dma_semaphore, #tpu.memory_space<semaphore_mem>>) src(%dma_wait3A_209 : memref<50000x32xf32, #tpu.memory_space<hbm>>) dst(%dma_wait3A_204 : memref<128x32xf32, #tpu.memory_space<vmem>>)
        %dma_wait3A_210 = arith.constant 128 : i32
        %dma_wait3A_211 = arith.constant 0 : i32
        %dma_wait3A_212 = tpu.memref_slice %arg10[%dma_wait3A_210, %dma_wait3A_211] : memref<512x32xf32, #tpu.memory_space<vmem>> -> memref<128x32xf32, #tpu.memory_space<vmem>>
        %dma_wait3A_213 = arith.constant 128 : i32
        %dma_wait3A_214 = tpu.memref_slice %arg8[%dma_wait3A_213] : memref<512xi32, #tpu.memory_space<vmem>> -> memref<128xi32, #tpu.memory_space<vmem>>
        %dma_wait3A_215 = arith.constant 0 : i32
        %dma_wait3A_216 = arith.constant 0 : i32
        %dma_wait3A_217 = tpu.memref_slice %arg2[%dma_wait3A_215, %dma_wait3A_216] : memref<50000x32xf32, #tpu.memory_space<hbm>> -> memref<50000x32xf32, #tpu.memory_space<hbm>>
        tpu.wait_indirect_dma semaphore(%arg17 : memref<!tpu.dma_semaphore, #tpu.memory_space<semaphore_mem>>) src(%dma_wait3A_217 : memref<50000x32xf32, #tpu.memory_space<hbm>>) dst(%dma_wait3A_212 : memref<128x32xf32, #tpu.memory_space<vmem>>)
        %dma_wait3A_218 = arith.constant 256 : i32
        %dma_wait3A_219 = arith.constant 0 : i32
        %dma_wait3A_220 = tpu.memref_slice %arg10[%dma_wait3A_218, %dma_wait3A_219] : memref<512x32xf32, #tpu.memory_space<vmem>> -> memref<128x32xf32, #tpu.memory_space<vmem>>
        %dma_wait3A_221 = arith.constant 256 : i32
        %dma_wait3A_222 = tpu.memref_slice %arg8[%dma_wait3A_221] : memref<512xi32, #tpu.memory_space<vmem>> -> memref<128xi32, #tpu.memory_space<vmem>>
        %dma_wait3A_223 = arith.constant 0 : i32
        %dma_wait3A_224 = arith.constant 0 : i32
        %dma_wait3A_225 = tpu.memref_slice %arg2[%dma_wait3A_223, %dma_wait3A_224] : memref<50000x32xf32, #tpu.memory_space<hbm>> -> memref<50000x32xf32, #tpu.memory_space<hbm>>
        tpu.wait_indirect_dma semaphore(%arg17 : memref<!tpu.dma_semaphore, #tpu.memory_space<semaphore_mem>>) src(%dma_wait3A_225 : memref<50000x32xf32, #tpu.memory_space<hbm>>) dst(%dma_wait3A_220 : memref<128x32xf32, #tpu.memory_space<vmem>>)
        %dma_wait3A_226 = arith.constant 384 : i32
        %dma_wait3A_227 = arith.constant 0 : i32
        %dma_wait3A_228 = tpu.memref_slice %arg10[%dma_wait3A_226, %dma_wait3A_227] : memref<512x32xf32, #tpu.memory_space<vmem>> -> memref<128x32xf32, #tpu.memory_space<vmem>>
        %dma_wait3A_229 = arith.constant 384 : i32
        %dma_wait3A_230 = tpu.memref_slice %arg8[%dma_wait3A_229] : memref<512xi32, #tpu.memory_space<vmem>> -> memref<128xi32, #tpu.memory_space<vmem>>
        %dma_wait3A_231 = arith.constant 0 : i32
        %dma_wait3A_232 = arith.constant 0 : i32
        %dma_wait3A_233 = tpu.memref_slice %arg2[%dma_wait3A_231, %dma_wait3A_232] : memref<50000x32xf32, #tpu.memory_space<hbm>> -> memref<50000x32xf32, #tpu.memory_space<hbm>>
        tpu.wait_indirect_dma semaphore(%arg17 : memref<!tpu.dma_semaphore, #tpu.memory_space<semaphore_mem>>) src(%dma_wait3A_233 : memref<50000x32xf32, #tpu.memory_space<hbm>>) dst(%dma_wait3A_228 : memref<128x32xf32, #tpu.memory_space<vmem>>)
      } else {
      }
      %mul3A_140 = arith.constant 512 : i32
      %mul3A_141 = arith.muli %add3A_125, %mul3A_140 : i32
      %lt3A_142 = arith.cmpi slt, %add3A_125, %select_n3A_54 : i32
      %ge3A = arith.cmpi sge, %mul3A_141, %squeeze3A : i32
      %and3A_143 = arith.andi %lt3A_142, %ge3A : i1
      %add3A_144 = arith.constant 512 : i32
      %add3A_145 = arith.addi %mul3A_141, %add3A_144 : i32
      %le3A = arith.cmpi sle, %add3A_145, %squeeze3A_10 : i32
      %and3A_146 = arith.andi %and3A_143, %le3A : i1
      %convert_element_type3A_147 = arith.extui %and3A_146 : i1 to i32
      %cond3A_148 = arith.constant 0 : i32
      %cond3A_149 = arith.cmpi ne, %convert_element_type3A_147, %cond3A_148 : i32
      scf.if %cond3A_149 {
        %parallel_loop3A = arith.constant 0 : i32
        %parallel_loop3A_203 = arith.constant 512 : i32
        %parallel_loop3A_204 = arith.constant 4 : i32
        scf.for %parallel_loop3A_205 = %parallel_loop3A to %parallel_loop3A_203 step %parallel_loop3A_204  : i32 {
          %parallel_loop3A_206 = arith.constant 4 : i32
          %parallel_loop3A_207 = arith.muli %parallel_loop3A_206, %parallel_loop3A_205 : i32
          %parallel_loop3A_208 = arith.index_cast %parallel_loop3A_207 : i32 to index
          %parallel_loop3A_209 = tpu.vector_load %arg12[%parallel_loop3A_208] {strides = array<i32>} : memref<2064xi32, #tpu.memory_space<vmem>>, vector<16xi32>,
          %parallel_loop3A_210 = vector.extract_strided_slice %parallel_loop3A_209 {offsets = [0], sizes = [1], strides = [1]} : vector<16xi32> to vector<1xi32>
          %parallel_loop3A_211 = vector.extract %parallel_loop3A_210[0] : i32 from vector<1xi32>
          %parallel_loop3A_212 = vector.broadcast %parallel_loop3A_211 : i32 to vector<16xi32>
          %parallel_loop3A_213 = vector.extract_strided_slice %parallel_loop3A_209 {offsets = [1], sizes = [1], strides = [1]} : vector<16xi32> to vector<1xi32>
          %parallel_loop3A_214 = vector.extract %parallel_loop3A_213[0] : i32 from vector<1xi32>
          %parallel_loop3A_215 = arith.bitcast %parallel_loop3A_214 : i32 to f32
          %parallel_loop3A_216 = vector.broadcast %parallel_loop3A_215 : f32 to vector<16xf32>
          %parallel_loop3A_217 = vector.extract_strided_slice %parallel_loop3A_209 {offsets = [2], sizes = [1], strides = [1]} : vector<16xi32> to vector<1xi32>
          %parallel_loop3A_218 = vector.extract %parallel_loop3A_217[0] : i32 from vector<1xi32>
          %parallel_loop3A_219 = arith.bitcast %parallel_loop3A_218 : i32 to f32
          %parallel_loop3A_220 = vector.broadcast %parallel_loop3A_219 : f32 to vector<16xf32>
          %parallel_loop3A_221 = arith.constant 0 : i32
          %parallel_loop3A_222 = arith.addi %parallel_loop3A_205, %parallel_loop3A_221 : i32
          %parallel_loop3A_223 = arith.index_cast %parallel_loop3A_222 : i32 to index
          %parallel_loop3A_224 = arith.constant 0 : index
          %parallel_loop3A_225 = tpu.vector_load %arg10[%parallel_loop3A_223, %parallel_loop3A_224] {strides = array<i32>} : memref<512x32xf32, #tpu.memory_space<vmem>>, vector<16xf32>,
          %parallel_loop3A_226 = arith.constant 0 : i32
          %parallel_loop3A_227 = arith.addi %parallel_loop3A_205, %parallel_loop3A_226 : i32
          %parallel_loop3A_228 = arith.index_cast %parallel_loop3A_227 : i32 to index
          %parallel_loop3A_229 = arith.constant 16 : index
          %parallel_loop3A_230 = tpu.vector_load %arg10[%parallel_loop3A_228, %parallel_loop3A_229] {strides = array<i32>} : memref<512x32xf32, #tpu.memory_space<vmem>>, vector<16xf32>,
          %parallel_loop3A_231 = arith.addi %parallel_loop3A_212, %sub3A_58 : vector<16xi32>
          %parallel_loop3A_232 = arith.mulf %parallel_loop3A_225, %parallel_loop3A_216 : vector<16xf32>
          %parallel_loop3A_233 = arith.addf %parallel_loop3A_232, %parallel_loop3A_220 : vector<16xf32>
          tpu.vector_store_idx %arg7[%parallel_loop3A_231], %parallel_loop3A_233 {add = true} : memref<50048xf32, #tpu.memory_space<vmem>>[vector<16xi32>], vector<16xf32>,
          %parallel_loop3A_234 = arith.addi %parallel_loop3A_212, %add3A_61 : vector<16xi32>
          %parallel_loop3A_235 = arith.mulf %parallel_loop3A_230, %parallel_loop3A_216 : vector<16xf32>
          %parallel_loop3A_236 = arith.addf %parallel_loop3A_235, %parallel_loop3A_220 : vector<16xf32>
          tpu.vector_store_idx %arg7[%parallel_loop3A_234], %parallel_loop3A_236 {add = true} : memref<50048xf32, #tpu.memory_space<vmem>>[vector<16xi32>], vector<16xf32>,
          %parallel_loop3A_237 = vector.extract_strided_slice %parallel_loop3A_209 {offsets = [4], sizes = [1], strides = [1]} : vector<16xi32> to vector<1xi32>
          %parallel_loop3A_238 = vector.extract %parallel_loop3A_237[0] : i32 from vector<1xi32>
          %parallel_loop3A_239 = vector.broadcast %parallel_loop3A_238 : i32 to vector<16xi32>
          %parallel_loop3A_240 = vector.extract_strided_slice %parallel_loop3A_209 {offsets = [5], sizes = [1], strides = [1]} : vector<16xi32> to vector<1xi32>
          %parallel_loop3A_241 = vector.extract %parallel_loop3A_240[0] : i32 from vector<1xi32>
          %parallel_loop3A_242 = arith.bitcast %parallel_loop3A_241 : i32 to f32
          %parallel_loop3A_243 = vector.broadcast %parallel_loop3A_242 : f32 to vector<16xf32>
          %parallel_loop3A_244 = vector.extract_strided_slice %parallel_loop3A_209 {offsets = [6], sizes = [1], strides = [1]} : vector<16xi32> to vector<1xi32>
          %parallel_loop3A_245 = vector.extract %parallel_loop3A_244[0] : i32 from vector<1xi32>
          %parallel_loop3A_246 = arith.bitcast %parallel_loop3A_245 : i32 to f32
          %parallel_loop3A_247 = vector.broadcast %parallel_loop3A_246 : f32 to vector<16xf32>
          %parallel_loop3A_248 = arith.constant 1 : i32
          %parallel_loop3A_249 = arith.addi %parallel_loop3A_205, %parallel_loop3A_248 : i32
          %parallel_loop3A_250 = arith.index_cast %parallel_loop3A_249 : i32 to index
          %parallel_loop3A_251 = arith.constant 0 : index
          %parallel_loop3A_252 = tpu.vector_load %arg10[%parallel_loop3A_250, %parallel_loop3A_251] {strides = array<i32>} : memref<512x32xf32, #tpu.memory_space<vmem>>, vector<16xf32>,
          %parallel_loop3A_253 = arith.constant 1 : i32
          %parallel_loop3A_254 = arith.addi %parallel_loop3A_205, %parallel_loop3A_253 : i32
          %parallel_loop3A_255 = arith.index_cast %parallel_loop3A_254 : i32 to index
          %parallel_loop3A_256 = arith.constant 16 : index
          %parallel_loop3A_257 = tpu.vector_load %arg10[%parallel_loop3A_255, %parallel_loop3A_256] {strides = array<i32>} : memref<512x32xf32, #tpu.memory_space<vmem>>, vector<16xf32>,
          %parallel_loop3A_258 = arith.addi %parallel_loop3A_239, %sub3A_58 : vector<16xi32>
          %parallel_loop3A_259 = arith.mulf %parallel_loop3A_252, %parallel_loop3A_243 : vector<16xf32>
          %parallel_loop3A_260 = arith.addf %parallel_loop3A_259, %parallel_loop3A_247 : vector<16xf32>
          tpu.vector_store_idx %arg7[%parallel_loop3A_258], %parallel_loop3A_260 {add = true} : memref<50048xf32, #tpu.memory_space<vmem>>[vector<16xi32>], vector<16xf32>,
          %parallel_loop3A_261 = arith.addi %parallel_loop3A_239, %add3A_61 : vector<16xi32>
          %parallel_loop3A_262 = arith.mulf %parallel_loop3A_257, %parallel_loop3A_243 : vector<16xf32>
          %parallel_loop3A_263 = arith.addf %parallel_loop3A_262, %parallel_loop3A_247 : vector<16xf32>
          tpu.vector_store_idx %arg7[%parallel_loop3A_261], %parallel_loop3A_263 {add = true} : memref<50048xf32, #tpu.memory_space<vmem>>[vector<16xi32>], vector<16xf32>,
          %parallel_loop3A_264 = vector.extract_strided_slice %parallel_loop3A_209 {offsets = [8], sizes = [1], strides = [1]} : vector<16xi32> to vector<1xi32>
          %parallel_loop3A_265 = vector.extract %parallel_loop3A_264[0] : i32 from vector<1xi32>
          %parallel_loop3A_266 = vector.broadcast %parallel_loop3A_265 : i32 to vector<16xi32>
          %parallel_loop3A_267 = vector.extract_strided_slice %parallel_loop3A_209 {offsets = [9], sizes = [1], strides = [1]} : vector<16xi32> to vector<1xi32>
          %parallel_loop3A_268 = vector.extract %parallel_loop3A_267[0] : i32 from vector<1xi32>
          %parallel_loop3A_269 = arith.bitcast %parallel_loop3A_268 : i32 to f32
          %parallel_loop3A_270 = vector.broadcast %parallel_loop3A_269 : f32 to vector<16xf32>
          %parallel_loop3A_271 = vector.extract_strided_slice %parallel_loop3A_209 {offsets = [10], sizes = [1], strides = [1]} : vector<16xi32> to vector<1xi32>
          %parallel_loop3A_272 = vector.extract %parallel_loop3A_271[0] : i32 from vector<1xi32>
          %parallel_loop3A_273 = arith.bitcast %parallel_loop3A_272 : i32 to f32
          %parallel_loop3A_274 = vector.broadcast %parallel_loop3A_273 : f32 to vector<16xf32>
          %parallel_loop3A_275 = arith.constant 2 : i32
          %parallel_loop3A_276 = arith.addi %parallel_loop3A_205, %parallel_loop3A_275 : i32
          %parallel_loop3A_277 = arith.index_cast %parallel_loop3A_276 : i32 to index
          %parallel_loop3A_278 = arith.constant 0 : index
          %parallel_loop3A_279 = tpu.vector_load %arg10[%parallel_loop3A_277, %parallel_loop3A_278] {strides = array<i32>} : memref<512x32xf32, #tpu.memory_space<vmem>>, vector<16xf32>,
          %parallel_loop3A_280 = arith.constant 2 : i32
          %parallel_loop3A_281 = arith.addi %parallel_loop3A_205, %parallel_loop3A_280 : i32
          %parallel_loop3A_282 = arith.index_cast %parallel_loop3A_281 : i32 to index
          %parallel_loop3A_283 = arith.constant 16 : index
          %parallel_loop3A_284 = tpu.vector_load %arg10[%parallel_loop3A_282, %parallel_loop3A_283] {strides = array<i32>} : memref<512x32xf32, #tpu.memory_space<vmem>>, vector<16xf32>,
          %parallel_loop3A_285 = arith.addi %parallel_loop3A_266, %sub3A_58 : vector<16xi32>
          %parallel_loop3A_286 = arith.mulf %parallel_loop3A_279, %parallel_loop3A_270 : vector<16xf32>
          %parallel_loop3A_287 = arith.addf %parallel_loop3A_286, %parallel_loop3A_274 : vector<16xf32>
          tpu.vector_store_idx %arg7[%parallel_loop3A_285], %parallel_loop3A_287 {add = true} : memref<50048xf32, #tpu.memory_space<vmem>>[vector<16xi32>], vector<16xf32>,
          %parallel_loop3A_288 = arith.addi %parallel_loop3A_266, %add3A_61 : vector<16xi32>
          %parallel_loop3A_289 = arith.mulf %parallel_loop3A_284, %parallel_loop3A_270 : vector<16xf32>
          %parallel_loop3A_290 = arith.addf %parallel_loop3A_289, %parallel_loop3A_274 : vector<16xf32>
          tpu.vector_store_idx %arg7[%parallel_loop3A_288], %parallel_loop3A_290 {add = true} : memref<50048xf32, #tpu.memory_space<vmem>>[vector<16xi32>], vector<16xf32>,
          %parallel_loop3A_291 = vector.extract_strided_slice %parallel_loop3A_209 {offsets = [12], sizes = [1], strides = [1]} : vector<16xi32> to vector<1xi32>
          %parallel_loop3A_292 = vector.extract %parallel_loop3A_291[0] : i32 from vector<1xi32>
          %parallel_loop3A_293 = vector.broadcast %parallel_loop3A_292 : i32 to vector<16xi32>
          %parallel_loop3A_294 = vector.extract_strided_slice %parallel_loop3A_209 {offsets = [13], sizes = [1], strides = [1]} : vector<16xi32> to vector<1xi32>
          %parallel_loop3A_295 = vector.extract %parallel_loop3A_294[0] : i32 from vector<1xi32>
          %parallel_loop3A_296 = arith.bitcast %parallel_loop3A_295 : i32 to f32
          %parallel_loop3A_297 = vector.broadcast %parallel_loop3A_296 : f32 to vector<16xf32>
          %parallel_loop3A_298 = vector.extract_strided_slice %parallel_loop3A_209 {offsets = [14], sizes = [1], strides = [1]} : vector<16xi32> to vector<1xi32>
          %parallel_loop3A_299 = vector.extract %parallel_loop3A_298[0] : i32 from vector<1xi32>
          %parallel_loop3A_300 = arith.bitcast %parallel_loop3A_299 : i32 to f32
          %parallel_loop3A_301 = vector.broadcast %parallel_loop3A_300 : f32 to vector<16xf32>
          %parallel_loop3A_302 = arith.constant 3 : i32
          %parallel_loop3A_303 = arith.addi %parallel_loop3A_205, %parallel_loop3A_302 : i32
          %parallel_loop3A_304 = arith.index_cast %parallel_loop3A_303 : i32 to index
          %parallel_loop3A_305 = arith.constant 0 : index
          %parallel_loop3A_306 = tpu.vector_load %arg10[%parallel_loop3A_304, %parallel_loop3A_305] {strides = array<i32>} : memref<512x32xf32, #tpu.memory_space<vmem>>, vector<16xf32>,
          %parallel_loop3A_307 = arith.constant 3 : i32
          %parallel_loop3A_308 = arith.addi %parallel_loop3A_205, %parallel_loop3A_307 : i32
          %parallel_loop3A_309 = arith.index_cast %parallel_loop3A_308 : i32 to index
          %parallel_loop3A_310 = arith.constant 16 : index
          %parallel_loop3A_311 = tpu.vector_load %arg10[%parallel_loop3A_309, %parallel_loop3A_310] {strides = array<i32>} : memref<512x32xf32, #tpu.memory_space<vmem>>, vector<16xf32>,
          %parallel_loop3A_312 = arith.addi %parallel_loop3A_293, %sub3A_58 : vector<16xi32>
          %parallel_loop3A_313 = arith.mulf %parallel_loop3A_306, %parallel_loop3A_297 : vector<16xf32>
          %parallel_loop3A_314 = arith.addf %parallel_loop3A_313, %parallel_loop3A_301 : vector<16xf32>
          tpu.vector_store_idx %arg7[%parallel_loop3A_312], %parallel_loop3A_314 {add = true} : memref<50048xf32, #tpu.memory_space<vmem>>[vector<16xi32>], vector<16xf32>,
          %parallel_loop3A_315 = arith.addi %parallel_loop3A_293, %add3A_61 : vector<16xi32>
          %parallel_loop3A_316 = arith.mulf %parallel_loop3A_311, %parallel_loop3A_297 : vector<16xf32>
          %parallel_loop3A_317 = arith.addf %parallel_loop3A_316, %parallel_loop3A_301 : vector<16xf32>
          tpu.vector_store_idx %arg7[%parallel_loop3A_315], %parallel_loop3A_317 {add = true} : memref<50048xf32, #tpu.memory_space<vmem>>[vector<16xi32>], vector<16xf32>,
        } {sc.loop_unroll_factor = 2 : i64, sc.parallel_access}
      } else {
      }
      %lt3A_150 = arith.cmpi slt, %add3A_125, %select_n3A_54 : i32
      %not3A = arith.constant true
      %not3A_151 = arith.xori %and3A_146, %not3A : i1
      %and3A_152 = arith.andi %lt3A_150, %not3A_151 : i1
      %convert_element_type3A_153 = arith.extui %and3A_152 : i1 to i32
      %cond3A_154 = arith.constant 0 : i32
      %cond3A_155 = arith.cmpi ne, %convert_element_type3A_153, %cond3A_154 : i32
      scf.if %cond3A_155 {
        %scan3A_203 = arith.constant 0 : i32
        %scan3A_204 = arith.constant 0 : i32
        %scan3A_205 = arith.constant 512 : i32
        %scan3A_206 = arith.addi %scan3A_204, %scan3A_205 : i32
        %scan3A_207 = arith.constant 1 : i32
        scf.for %scan3A_209 = %scan3A_204 to %scan3A_206 step %scan3A_207  : i32 {
          %mul3A_210 = arith.constant 4 : i32
          %mul3A_211 = arith.muli %mul3A_210, %scan3A_209 : i32
          %get3A_212 = arith.index_cast %mul3A_211 : i32 to index
          %get3A_213 = tpu.vector_load %arg12[%get3A_212] {strides = array<i32>} : memref<2064xi32, #tpu.memory_space<vmem>>, vector<16xi32>,
          %slice3A_214 = vector.extract_strided_slice %get3A_213 {offsets = [3], sizes = [1], strides = [1]} : vector<16xi32> to vector<1xi32>
          %squeeze3A_215 = vector.extract %slice3A_214[0] : i32 from vector<1xi32>
          %broadcast_in_dim3A_216 = vector.broadcast %squeeze3A_215 : i32 to vector<16xi32>
          %ge3A_217 = arith.cmpi sge, %broadcast_in_dim3A_216, %broadcast_in_dim3A_62 : vector<16xi32>
          %lt3A_218 = arith.cmpi slt, %broadcast_in_dim3A_216, %broadcast_in_dim3A_63 : vector<16xi32>
          %and3A_219 = arith.andi %ge3A_217, %lt3A_218 : vector<16xi1>
          %slice3A_220 = vector.extract_strided_slice %get3A_213 {offsets = [0], sizes = [1], strides = [1]} : vector<16xi32> to vector<1xi32>
          %squeeze3A_221 = vector.extract %slice3A_220[0] : i32 from vector<1xi32>
          %broadcast_in_dim3A_222 = vector.broadcast %squeeze3A_221 : i32 to vector<16xi32>
          %add3A_223 = arith.addi %broadcast_in_dim3A_222, %sub3A_58 : vector<16xi32>
          %select_n3A_224 = arith.select %and3A_219, %add3A_223, %add3A_66 : vector<16xi1>, vector<16xi32>
          %slice3A_225 = vector.extract_strided_slice %get3A_213 {offsets = [1], sizes = [1], strides = [1]} : vector<16xi32> to vector<1xi32>
          %squeeze3A_226 = vector.extract %slice3A_225[0] : i32 from vector<1xi32>
          %bitcast_convert_type3A = arith.bitcast %squeeze3A_226 : i32 to f32
          %broadcast_in_dim3A_227 = vector.broadcast %bitcast_convert_type3A : f32 to vector<16xf32>
          %select_n3A_228 = arith.select %and3A_219, %broadcast_in_dim3A_227, %broadcast_in_dim3A_68 : vector<16xi1>, vector<16xf32>
          %slice3A_229 = vector.extract_strided_slice %get3A_213 {offsets = [2], sizes = [1], strides = [1]} : vector<16xi32> to vector<1xi32>
          %squeeze3A_230 = vector.extract %slice3A_229[0] : i32 from vector<1xi32>
          %bitcast_convert_type3A_231 = arith.bitcast %squeeze3A_230 : i32 to f32
          %broadcast_in_dim3A_232 = vector.broadcast %bitcast_convert_type3A_231 : f32 to vector<16xf32>
          %select_n3A_233 = arith.select %and3A_219, %broadcast_in_dim3A_232, %broadcast_in_dim3A_68 : vector<16xi1>, vector<16xf32>
          %get3A_234 = arith.index_cast %scan3A_209 : i32 to index
          %get3A_235 = arith.constant 0 : index
          %get3A_236 = tpu.vector_load %arg10[%get3A_234, %get3A_235] {strides = array<i32>} : memref<512x32xf32, #tpu.memory_space<vmem>>, vector<16xf32>,
          %get3A_237 = arith.index_cast %scan3A_209 : i32 to index
          %get3A_238 = arith.constant 16 : index
          %get3A_239 = tpu.vector_load %arg10[%get3A_237, %get3A_238] {strides = array<i32>} : memref<512x32xf32, #tpu.memory_space<vmem>>, vector<16xf32>,
          %mul3A_240 = arith.mulf %get3A_236, %select_n3A_228 : vector<16xf32>
          %add3A_241 = arith.addf %mul3A_240, %select_n3A_233 : vector<16xf32>
          tpu.vector_store_idx %arg7[%select_n3A_224], %add3A_241 {add = true} : memref<50048xf32, #tpu.memory_space<vmem>>[vector<16xi32>], vector<16xf32>,
          %add3A_242 = arith.constant 16 : i32
          %add3A_243 = vector.broadcast %add3A_242 : i32 to vector<16xi32>
          %add3A_244 = arith.addi %select_n3A_224, %add3A_243 : vector<16xi32>
          %mul3A_245 = arith.mulf %get3A_239, %select_n3A_228 : vector<16xf32>
          %add3A_246 = arith.addf %mul3A_245, %select_n3A_233 : vector<16xf32>
          tpu.vector_store_idx %arg7[%add3A_244], %add3A_246 {add = true} : memref<50048xf32, #tpu.memory_space<vmem>>[vector<16xi32>], vector<16xf32>,
        }
        %scan3A_208 = arith.constant 512 : i32
      } else {
      }
      %add3A_156 = arith.constant 2 : i32
      %add3A_157 = arith.addi %add3A_125, %add3A_156 : i32
      %lt3A_158 = arith.cmpi slt, %add3A_157, %select_n3A_54 : i32
      %convert_element_type3A_159 = arith.extui %lt3A_158 : i1 to i32
      %cond3A_160 = arith.constant 0 : i32
      %cond3A_161 = arith.cmpi ne, %convert_element_type3A_159, %cond3A_160 : i32
      scf.if %cond3A_161 {
        %dma_start3A = arith.constant 0 : i32
        %dma_start3A_203 = tpu.memref_slice %arg3[%add3A_157, %dma_start3A] : memref<3125x512xi32, #tpu.memory_space<hbm>> -> memref<1x512xi32, #tpu.memory_space<hbm>>
        %dma_start3A_204 = tpu.memref_squeeze %dma_start3A_203 : memref<1x512xi32, #tpu.memory_space<hbm>> -> memref<512xi32, #tpu.memory_space<hbm>>
        %dma_start3A_205 = arith.constant 0 : i32
        %dma_start3A_206 = tpu.memref_slice %arg3[%add3A_157, %dma_start3A_205] : memref<3125x512xi32, #tpu.memory_space<hbm>> -> memref<1x512xi32, #tpu.memory_space<hbm>>
        %dma_start3A_207 = tpu.memref_squeeze %dma_start3A_206 : memref<1x512xi32, #tpu.memory_space<hbm>> -> memref<512xi32, #tpu.memory_space<hbm>>
        tpu.enqueue_dma source(%dma_start3A_207 : memref<512xi32, #tpu.memory_space<hbm>>) target(%arg8 : memref<512xi32, #tpu.memory_space<vmem>>) target_semaphore(%arg15 : memref<!tpu.dma_semaphore, #tpu.memory_space<semaphore_mem>>)
        %dma_start3A_208 = arith.constant 0 : i32
        %dma_start3A_209 = tpu.memref_slice %arg12[%dma_start3A_208] : memref<2064xi32, #tpu.memory_space<vmem>> -> memref<2048xi32, #tpu.memory_space<vmem>>
        %dma_start3A_210 = arith.constant 0 : i32
        %dma_start3A_211 = tpu.memref_slice %arg4[%add3A_157, %dma_start3A_210] : memref<3125x2048xi32, #tpu.memory_space<hbm>> -> memref<1x2048xi32, #tpu.memory_space<hbm>>
        %dma_start3A_212 = tpu.memref_squeeze %dma_start3A_211 : memref<1x2048xi32, #tpu.memory_space<hbm>> -> memref<2048xi32, #tpu.memory_space<hbm>>
        %dma_start3A_213 = arith.constant 0 : i32
        %dma_start3A_214 = tpu.memref_slice %arg12[%dma_start3A_213] : memref<2064xi32, #tpu.memory_space<vmem>> -> memref<2048xi32, #tpu.memory_space<vmem>>
        %dma_start3A_215 = arith.constant 0 : i32
        %dma_start3A_216 = tpu.memref_slice %arg4[%add3A_157, %dma_start3A_215] : memref<3125x2048xi32, #tpu.memory_space<hbm>> -> memref<1x2048xi32, #tpu.memory_space<hbm>>
        %dma_start3A_217 = tpu.memref_squeeze %dma_start3A_216 : memref<1x2048xi32, #tpu.memory_space<hbm>> -> memref<2048xi32, #tpu.memory_space<hbm>>
        tpu.enqueue_dma source(%dma_start3A_217 : memref<2048xi32, #tpu.memory_space<hbm>>) target(%dma_start3A_214 : memref<2048xi32, #tpu.memory_space<vmem>>) target_semaphore(%arg15 : memref<!tpu.dma_semaphore, #tpu.memory_space<semaphore_mem>>)
      } else {
      }
      %lt3A_162 = arith.cmpi slt, %add3A_127, %select_n3A_54 : i32
      %convert_element_type3A_163 = arith.extui %lt3A_162 : i1 to i32
      %cond3A_164 = arith.constant 0 : i32
      %cond3A_165 = arith.cmpi ne, %convert_element_type3A_163, %cond3A_164 : i32
      scf.if %cond3A_165 {
        %dma_wait3A = arith.constant 0 : i32
        %dma_wait3A_203 = arith.constant 0 : i32
        %dma_wait3A_204 = tpu.memref_slice %arg11[%dma_wait3A, %dma_wait3A_203] : memref<512x32xf32, #tpu.memory_space<vmem>> -> memref<128x32xf32, #tpu.memory_space<vmem>>
        %dma_wait3A_205 = arith.constant 0 : i32
        %dma_wait3A_206 = tpu.memref_slice %arg9[%dma_wait3A_205] : memref<512xi32, #tpu.memory_space<vmem>> -> memref<128xi32, #tpu.memory_space<vmem>>
        %dma_wait3A_207 = arith.constant 0 : i32
        %dma_wait3A_208 = arith.constant 0 : i32
        %dma_wait3A_209 = tpu.memref_slice %arg2[%dma_wait3A_207, %dma_wait3A_208] : memref<50000x32xf32, #tpu.memory_space<hbm>> -> memref<50000x32xf32, #tpu.memory_space<hbm>>
        tpu.wait_indirect_dma semaphore(%arg18 : memref<!tpu.dma_semaphore, #tpu.memory_space<semaphore_mem>>) src(%dma_wait3A_209 : memref<50000x32xf32, #tpu.memory_space<hbm>>) dst(%dma_wait3A_204 : memref<128x32xf32, #tpu.memory_space<vmem>>)
        %dma_wait3A_210 = arith.constant 128 : i32
        %dma_wait3A_211 = arith.constant 0 : i32
        %dma_wait3A_212 = tpu.memref_slice %arg11[%dma_wait3A_210, %dma_wait3A_211] : memref<512x32xf32, #tpu.memory_space<vmem>> -> memref<128x32xf32, #tpu.memory_space<vmem>>
        %dma_wait3A_213 = arith.constant 128 : i32
        %dma_wait3A_214 = tpu.memref_slice %arg9[%dma_wait3A_213] : memref<512xi32, #tpu.memory_space<vmem>> -> memref<128xi32, #tpu.memory_space<vmem>>
        %dma_wait3A_215 = arith.constant 0 : i32
        %dma_wait3A_216 = arith.constant 0 : i32
        %dma_wait3A_217 = tpu.memref_slice %arg2[%dma_wait3A_215, %dma_wait3A_216] : memref<50000x32xf32, #tpu.memory_space<hbm>> -> memref<50000x32xf32, #tpu.memory_space<hbm>>
        tpu.wait_indirect_dma semaphore(%arg18 : memref<!tpu.dma_semaphore, #tpu.memory_space<semaphore_mem>>) src(%dma_wait3A_217 : memref<50000x32xf32, #tpu.memory_space<hbm>>) dst(%dma_wait3A_212 : memref<128x32xf32, #tpu.memory_space<vmem>>)
        %dma_wait3A_218 = arith.constant 256 : i32
        %dma_wait3A_219 = arith.constant 0 : i32
        %dma_wait3A_220 = tpu.memref_slice %arg11[%dma_wait3A_218, %dma_wait3A_219] : memref<512x32xf32, #tpu.memory_space<vmem>> -> memref<128x32xf32, #tpu.memory_space<vmem>>
        %dma_wait3A_221 = arith.constant 256 : i32
        %dma_wait3A_222 = tpu.memref_slice %arg9[%dma_wait3A_221] : memref<512xi32, #tpu.memory_space<vmem>> -> memref<128xi32, #tpu.memory_space<vmem>>
        %dma_wait3A_223 = arith.constant 0 : i32
        %dma_wait3A_224 = arith.constant 0 : i32
        %dma_wait3A_225 = tpu.memref_slice %arg2[%dma_wait3A_223, %dma_wait3A_224] : memref<50000x32xf32, #tpu.memory_space<hbm>> -> memref<50000x32xf32, #tpu.memory_space<hbm>>
        tpu.wait_indirect_dma semaphore(%arg18 : memref<!tpu.dma_semaphore, #tpu.memory_space<semaphore_mem>>) src(%dma_wait3A_225 : memref<50000x32xf32, #tpu.memory_space<hbm>>) dst(%dma_wait3A_220 : memref<128x32xf32, #tpu.memory_space<vmem>>)
        %dma_wait3A_226 = arith.constant 384 : i32
        %dma_wait3A_227 = arith.constant 0 : i32
        %dma_wait3A_228 = tpu.memref_slice %arg11[%dma_wait3A_226, %dma_wait3A_227] : memref<512x32xf32, #tpu.memory_space<vmem>> -> memref<128x32xf32, #tpu.memory_space<vmem>>
        %dma_wait3A_229 = arith.constant 384 : i32
        %dma_wait3A_230 = tpu.memref_slice %arg9[%dma_wait3A_229] : memref<512xi32, #tpu.memory_space<vmem>> -> memref<128xi32, #tpu.memory_space<vmem>>
        %dma_wait3A_231 = arith.constant 0 : i32
        %dma_wait3A_232 = arith.constant 0 : i32
        %dma_wait3A_233 = tpu.memref_slice %arg2[%dma_wait3A_231, %dma_wait3A_232] : memref<50000x32xf32, #tpu.memory_space<hbm>> -> memref<50000x32xf32, #tpu.memory_space<hbm>>
        tpu.wait_indirect_dma semaphore(%arg18 : memref<!tpu.dma_semaphore, #tpu.memory_space<semaphore_mem>>) src(%dma_wait3A_233 : memref<50000x32xf32, #tpu.memory_space<hbm>>) dst(%dma_wait3A_228 : memref<128x32xf32, #tpu.memory_space<vmem>>)
      } else {
      }
      %mul3A_166 = arith.constant 512 : i32
      %mul3A_167 = arith.muli %add3A_127, %mul3A_166 : i32
      %lt3A_168 = arith.cmpi slt, %add3A_127, %select_n3A_54 : i32
      %ge3A_169 = arith.cmpi sge, %mul3A_167, %squeeze3A : i32
      %and3A_170 = arith.andi %lt3A_168, %ge3A_169 : i1
      %add3A_171 = arith.constant 512 : i32
      %add3A_172 = arith.addi %mul3A_167, %add3A_171 : i32
      %le3A_173 = arith.cmpi sle, %add3A_172, %squeeze3A_10 : i32
      %and3A_174 = arith.andi %and3A_170, %le3A_173 : i1
      %convert_element_type3A_175 = arith.extui %and3A_174 : i1 to i32
      %cond3A_176 = arith.constant 0 : i32
      %cond3A_177 = arith.cmpi ne, %convert_element_type3A_175, %cond3A_176 : i32
      scf.if %cond3A_177 {
        %parallel_loop3A = arith.constant 0 : i32
        %parallel_loop3A_203 = arith.constant 512 : i32
        %parallel_loop3A_204 = arith.constant 4 : i32
        scf.for %parallel_loop3A_205 = %parallel_loop3A to %parallel_loop3A_203 step %parallel_loop3A_204  : i32 {
          %parallel_loop3A_206 = arith.constant 4 : i32
          %parallel_loop3A_207 = arith.muli %parallel_loop3A_206, %parallel_loop3A_205 : i32
          %parallel_loop3A_208 = arith.index_cast %parallel_loop3A_207 : i32 to index
          %parallel_loop3A_209 = tpu.vector_load %arg13[%parallel_loop3A_208] {strides = array<i32>} : memref<2064xi32, #tpu.memory_space<vmem>>, vector<16xi32>,
          %parallel_loop3A_210 = vector.extract_strided_slice %parallel_loop3A_209 {offsets = [0], sizes = [1], strides = [1]} : vector<16xi32> to vector<1xi32>
          %parallel_loop3A_211 = vector.extract %parallel_loop3A_210[0] : i32 from vector<1xi32>
          %parallel_loop3A_212 = vector.broadcast %parallel_loop3A_211 : i32 to vector<16xi32>
          %parallel_loop3A_213 = vector.extract_strided_slice %parallel_loop3A_209 {offsets = [1], sizes = [1], strides = [1]} : vector<16xi32> to vector<1xi32>
          %parallel_loop3A_214 = vector.extract %parallel_loop3A_213[0] : i32 from vector<1xi32>
          %parallel_loop3A_215 = arith.bitcast %parallel_loop3A_214 : i32 to f32
          %parallel_loop3A_216 = vector.broadcast %parallel_loop3A_215 : f32 to vector<16xf32>
          %parallel_loop3A_217 = vector.extract_strided_slice %parallel_loop3A_209 {offsets = [2], sizes = [1], strides = [1]} : vector<16xi32> to vector<1xi32>
          %parallel_loop3A_218 = vector.extract %parallel_loop3A_217[0] : i32 from vector<1xi32>
          %parallel_loop3A_219 = arith.bitcast %parallel_loop3A_218 : i32 to f32
          %parallel_loop3A_220 = vector.broadcast %parallel_loop3A_219 : f32 to vector<16xf32>
          %parallel_loop3A_221 = arith.constant 0 : i32
          %parallel_loop3A_222 = arith.addi %parallel_loop3A_205, %parallel_loop3A_221 : i32
          %parallel_loop3A_223 = arith.index_cast %parallel_loop3A_222 : i32 to index
          %parallel_loop3A_224 = arith.constant 0 : index
          %parallel_loop3A_225 = tpu.vector_load %arg11[%parallel_loop3A_223, %parallel_loop3A_224] {strides = array<i32>} : memref<512x32xf32, #tpu.memory_space<vmem>>, vector<16xf32>,
          %parallel_loop3A_226 = arith.constant 0 : i32
          %parallel_loop3A_227 = arith.addi %parallel_loop3A_205, %parallel_loop3A_226 : i32
          %parallel_loop3A_228 = arith.index_cast %parallel_loop3A_227 : i32 to index
          %parallel_loop3A_229 = arith.constant 16 : index
          %parallel_loop3A_230 = tpu.vector_load %arg11[%parallel_loop3A_228, %parallel_loop3A_229] {strides = array<i32>} : memref<512x32xf32, #tpu.memory_space<vmem>>, vector<16xf32>,
          %parallel_loop3A_231 = arith.addi %parallel_loop3A_212, %sub3A_58 : vector<16xi32>
          %parallel_loop3A_232 = arith.mulf %parallel_loop3A_225, %parallel_loop3A_216 : vector<16xf32>
          %parallel_loop3A_233 = arith.addf %parallel_loop3A_232, %parallel_loop3A_220 : vector<16xf32>
          tpu.vector_store_idx %arg7[%parallel_loop3A_231], %parallel_loop3A_233 {add = true} : memref<50048xf32, #tpu.memory_space<vmem>>[vector<16xi32>], vector<16xf32>,
          %parallel_loop3A_234 = arith.addi %parallel_loop3A_212, %add3A_61 : vector<16xi32>
          %parallel_loop3A_235 = arith.mulf %parallel_loop3A_230, %parallel_loop3A_216 : vector<16xf32>
          %parallel_loop3A_236 = arith.addf %parallel_loop3A_235, %parallel_loop3A_220 : vector<16xf32>
          tpu.vector_store_idx %arg7[%parallel_loop3A_234], %parallel_loop3A_236 {add = true} : memref<50048xf32, #tpu.memory_space<vmem>>[vector<16xi32>], vector<16xf32>,
          %parallel_loop3A_237 = vector.extract_strided_slice %parallel_loop3A_209 {offsets = [4], sizes = [1], strides = [1]} : vector<16xi32> to vector<1xi32>
          %parallel_loop3A_238 = vector.extract %parallel_loop3A_237[0] : i32 from vector<1xi32>
          %parallel_loop3A_239 = vector.broadcast %parallel_loop3A_238 : i32 to vector<16xi32>
          %parallel_loop3A_240 = vector.extract_strided_slice %parallel_loop3A_209 {offsets = [5], sizes = [1], strides = [1]} : vector<16xi32> to vector<1xi32>
          %parallel_loop3A_241 = vector.extract %parallel_loop3A_240[0] : i32 from vector<1xi32>
          %parallel_loop3A_242 = arith.bitcast %parallel_loop3A_241 : i32 to f32
          %parallel_loop3A_243 = vector.broadcast %parallel_loop3A_242 : f32 to vector<16xf32>
          %parallel_loop3A_244 = vector.extract_strided_slice %parallel_loop3A_209 {offsets = [6], sizes = [1], strides = [1]} : vector<16xi32> to vector<1xi32>
          %parallel_loop3A_245 = vector.extract %parallel_loop3A_244[0] : i32 from vector<1xi32>
          %parallel_loop3A_246 = arith.bitcast %parallel_loop3A_245 : i32 to f32
          %parallel_loop3A_247 = vector.broadcast %parallel_loop3A_246 : f32 to vector<16xf32>
          %parallel_loop3A_248 = arith.constant 1 : i32
          %parallel_loop3A_249 = arith.addi %parallel_loop3A_205, %parallel_loop3A_248 : i32
          %parallel_loop3A_250 = arith.index_cast %parallel_loop3A_249 : i32 to index
          %parallel_loop3A_251 = arith.constant 0 : index
          %parallel_loop3A_252 = tpu.vector_load %arg11[%parallel_loop3A_250, %parallel_loop3A_251] {strides = array<i32>} : memref<512x32xf32, #tpu.memory_space<vmem>>, vector<16xf32>,
          %parallel_loop3A_253 = arith.constant 1 : i32
          %parallel_loop3A_254 = arith.addi %parallel_loop3A_205, %parallel_loop3A_253 : i32
          %parallel_loop3A_255 = arith.index_cast %parallel_loop3A_254 : i32 to index
          %parallel_loop3A_256 = arith.constant 16 : index
          %parallel_loop3A_257 = tpu.vector_load %arg11[%parallel_loop3A_255, %parallel_loop3A_256] {strides = array<i32>} : memref<512x32xf32, #tpu.memory_space<vmem>>, vector<16xf32>,
          %parallel_loop3A_258 = arith.addi %parallel_loop3A_239, %sub3A_58 : vector<16xi32>
          %parallel_loop3A_259 = arith.mulf %parallel_loop3A_252, %parallel_loop3A_243 : vector<16xf32>
          %parallel_loop3A_260 = arith.addf %parallel_loop3A_259, %parallel_loop3A_247 : vector<16xf32>
          tpu.vector_store_idx %arg7[%parallel_loop3A_258], %parallel_loop3A_260 {add = true} : memref<50048xf32, #tpu.memory_space<vmem>>[vector<16xi32>], vector<16xf32>,
          %parallel_loop3A_261 = arith.addi %parallel_loop3A_239, %add3A_61 : vector<16xi32>
          %parallel_loop3A_262 = arith.mulf %parallel_loop3A_257, %parallel_loop3A_243 : vector<16xf32>
          %parallel_loop3A_263 = arith.addf %parallel_loop3A_262, %parallel_loop3A_247 : vector<16xf32>
          tpu.vector_store_idx %arg7[%parallel_loop3A_261], %parallel_loop3A_263 {add = true} : memref<50048xf32, #tpu.memory_space<vmem>>[vector<16xi32>], vector<16xf32>,
          %parallel_loop3A_264 = vector.extract_strided_slice %parallel_loop3A_209 {offsets = [8], sizes = [1], strides = [1]} : vector<16xi32> to vector<1xi32>
          %parallel_loop3A_265 = vector.extract %parallel_loop3A_264[0] : i32 from vector<1xi32>
          %parallel_loop3A_266 = vector.broadcast %parallel_loop3A_265 : i32 to vector<16xi32>
          %parallel_loop3A_267 = vector.extract_strided_slice %parallel_loop3A_209 {offsets = [9], sizes = [1], strides = [1]} : vector<16xi32> to vector<1xi32>
          %parallel_loop3A_268 = vector.extract %parallel_loop3A_267[0] : i32 from vector<1xi32>
          %parallel_loop3A_269 = arith.bitcast %parallel_loop3A_268 : i32 to f32
          %parallel_loop3A_270 = vector.broadcast %parallel_loop3A_269 : f32 to vector<16xf32>
          %parallel_loop3A_271 = vector.extract_strided_slice %parallel_loop3A_209 {offsets = [10], sizes = [1], strides = [1]} : vector<16xi32> to vector<1xi32>
          %parallel_loop3A_272 = vector.extract %parallel_loop3A_271[0] : i32 from vector<1xi32>
          %parallel_loop3A_273 = arith.bitcast %parallel_loop3A_272 : i32 to f32
          %parallel_loop3A_274 = vector.broadcast %parallel_loop3A_273 : f32 to vector<16xf32>
          %parallel_loop3A_275 = arith.constant 2 : i32
          %parallel_loop3A_276 = arith.addi %parallel_loop3A_205, %parallel_loop3A_275 : i32
          %parallel_loop3A_277 = arith.index_cast %parallel_loop3A_276 : i32 to index
          %parallel_loop3A_278 = arith.constant 0 : index
          %parallel_loop3A_279 = tpu.vector_load %arg11[%parallel_loop3A_277, %parallel_loop3A_278] {strides = array<i32>} : memref<512x32xf32, #tpu.memory_space<vmem>>, vector<16xf32>,
          %parallel_loop3A_280 = arith.constant 2 : i32
          %parallel_loop3A_281 = arith.addi %parallel_loop3A_205, %parallel_loop3A_280 : i32
          %parallel_loop3A_282 = arith.index_cast %parallel_loop3A_281 : i32 to index
          %parallel_loop3A_283 = arith.constant 16 : index
          %parallel_loop3A_284 = tpu.vector_load %arg11[%parallel_loop3A_282, %parallel_loop3A_283] {strides = array<i32>} : memref<512x32xf32, #tpu.memory_space<vmem>>, vector<16xf32>,
          %parallel_loop3A_285 = arith.addi %parallel_loop3A_266, %sub3A_58 : vector<16xi32>
          %parallel_loop3A_286 = arith.mulf %parallel_loop3A_279, %parallel_loop3A_270 : vector<16xf32>
          %parallel_loop3A_287 = arith.addf %parallel_loop3A_286, %parallel_loop3A_274 : vector<16xf32>
          tpu.vector_store_idx %arg7[%parallel_loop3A_285], %parallel_loop3A_287 {add = true} : memref<50048xf32, #tpu.memory_space<vmem>>[vector<16xi32>], vector<16xf32>,
          %parallel_loop3A_288 = arith.addi %parallel_loop3A_266, %add3A_61 : vector<16xi32>
          %parallel_loop3A_289 = arith.mulf %parallel_loop3A_284, %parallel_loop3A_270 : vector<16xf32>
          %parallel_loop3A_290 = arith.addf %parallel_loop3A_289, %parallel_loop3A_274 : vector<16xf32>
          tpu.vector_store_idx %arg7[%parallel_loop3A_288], %parallel_loop3A_290 {add = true} : memref<50048xf32, #tpu.memory_space<vmem>>[vector<16xi32>], vector<16xf32>,
          %parallel_loop3A_291 = vector.extract_strided_slice %parallel_loop3A_209 {offsets = [12], sizes = [1], strides = [1]} : vector<16xi32> to vector<1xi32>
          %parallel_loop3A_292 = vector.extract %parallel_loop3A_291[0] : i32 from vector<1xi32>
          %parallel_loop3A_293 = vector.broadcast %parallel_loop3A_292 : i32 to vector<16xi32>
          %parallel_loop3A_294 = vector.extract_strided_slice %parallel_loop3A_209 {offsets = [13], sizes = [1], strides = [1]} : vector<16xi32> to vector<1xi32>
          %parallel_loop3A_295 = vector.extract %parallel_loop3A_294[0] : i32 from vector<1xi32>
          %parallel_loop3A_296 = arith.bitcast %parallel_loop3A_295 : i32 to f32
          %parallel_loop3A_297 = vector.broadcast %parallel_loop3A_296 : f32 to vector<16xf32>
          %parallel_loop3A_298 = vector.extract_strided_slice %parallel_loop3A_209 {offsets = [14], sizes = [1], strides = [1]} : vector<16xi32> to vector<1xi32>
          %parallel_loop3A_299 = vector.extract %parallel_loop3A_298[0] : i32 from vector<1xi32>
          %parallel_loop3A_300 = arith.bitcast %parallel_loop3A_299 : i32 to f32
          %parallel_loop3A_301 = vector.broadcast %parallel_loop3A_300 : f32 to vector<16xf32>
          %parallel_loop3A_302 = arith.constant 3 : i32
          %parallel_loop3A_303 = arith.addi %parallel_loop3A_205, %parallel_loop3A_302 : i32
          %parallel_loop3A_304 = arith.index_cast %parallel_loop3A_303 : i32 to index
          %parallel_loop3A_305 = arith.constant 0 : index
          %parallel_loop3A_306 = tpu.vector_load %arg11[%parallel_loop3A_304, %parallel_loop3A_305] {strides = array<i32>} : memref<512x32xf32, #tpu.memory_space<vmem>>, vector<16xf32>,
          %parallel_loop3A_307 = arith.constant 3 : i32
          %parallel_loop3A_308 = arith.addi %parallel_loop3A_205, %parallel_loop3A_307 : i32
          %parallel_loop3A_309 = arith.index_cast %parallel_loop3A_308 : i32 to index
          %parallel_loop3A_310 = arith.constant 16 : index
          %parallel_loop3A_311 = tpu.vector_load %arg11[%parallel_loop3A_309, %parallel_loop3A_310] {strides = array<i32>} : memref<512x32xf32, #tpu.memory_space<vmem>>, vector<16xf32>,
          %parallel_loop3A_312 = arith.addi %parallel_loop3A_293, %sub3A_58 : vector<16xi32>
          %parallel_loop3A_313 = arith.mulf %parallel_loop3A_306, %parallel_loop3A_297 : vector<16xf32>
          %parallel_loop3A_314 = arith.addf %parallel_loop3A_313, %parallel_loop3A_301 : vector<16xf32>
          tpu.vector_store_idx %arg7[%parallel_loop3A_312], %parallel_loop3A_314 {add = true} : memref<50048xf32, #tpu.memory_space<vmem>>[vector<16xi32>], vector<16xf32>,
          %parallel_loop3A_315 = arith.addi %parallel_loop3A_293, %add3A_61 : vector<16xi32>
          %parallel_loop3A_316 = arith.mulf %parallel_loop3A_311, %parallel_loop3A_297 : vector<16xf32>
          %parallel_loop3A_317 = arith.addf %parallel_loop3A_316, %parallel_loop3A_301 : vector<16xf32>
          tpu.vector_store_idx %arg7[%parallel_loop3A_315], %parallel_loop3A_317 {add = true} : memref<50048xf32, #tpu.memory_space<vmem>>[vector<16xi32>], vector<16xf32>,
        } {sc.loop_unroll_factor = 2 : i64, sc.parallel_access}
      } else {
      }
      %lt3A_178 = arith.cmpi slt, %add3A_127, %select_n3A_54 : i32
      %not3A_179 = arith.constant true
      %not3A_180 = arith.xori %and3A_174, %not3A_179 : i1
      %and3A_181 = arith.andi %lt3A_178, %not3A_180 : i1
      %convert_element_type3A_182 = arith.extui %and3A_181 : i1 to i32
      %cond3A_183 = arith.constant 0 : i32
      %cond3A_184 = arith.cmpi ne, %convert_element_type3A_182, %cond3A_183 : i32
      scf.if %cond3A_184 {
        %scan3A_203 = arith.constant 0 : i32
        %scan3A_204 = arith.constant 0 : i32
        %scan3A_205 = arith.constant 512 : i32
        %scan3A_206 = arith.addi %scan3A_204, %scan3A_205 : i32
        %scan3A_207 = arith.constant 1 : i32
        scf.for %scan3A_209 = %scan3A_204 to %scan3A_206 step %scan3A_207  : i32 {
          %mul3A_210 = arith.constant 4 : i32
          %mul3A_211 = arith.muli %mul3A_210, %scan3A_209 : i32
          %get3A_212 = arith.index_cast %mul3A_211 : i32 to index
          %get3A_213 = tpu.vector_load %arg13[%get3A_212] {strides = array<i32>} : memref<2064xi32, #tpu.memory_space<vmem>>, vector<16xi32>,
          %slice3A_214 = vector.extract_strided_slice %get3A_213 {offsets = [3], sizes = [1], strides = [1]} : vector<16xi32> to vector<1xi32>
          %squeeze3A_215 = vector.extract %slice3A_214[0] : i32 from vector<1xi32>
          %broadcast_in_dim3A_216 = vector.broadcast %squeeze3A_215 : i32 to vector<16xi32>
          %ge3A_217 = arith.cmpi sge, %broadcast_in_dim3A_216, %broadcast_in_dim3A_62 : vector<16xi32>
          %lt3A_218 = arith.cmpi slt, %broadcast_in_dim3A_216, %broadcast_in_dim3A_63 : vector<16xi32>
          %and3A_219 = arith.andi %ge3A_217, %lt3A_218 : vector<16xi1>
          %slice3A_220 = vector.extract_strided_slice %get3A_213 {offsets = [0], sizes = [1], strides = [1]} : vector<16xi32> to vector<1xi32>
          %squeeze3A_221 = vector.extract %slice3A_220[0] : i32 from vector<1xi32>
          %broadcast_in_dim3A_222 = vector.broadcast %squeeze3A_221 : i32 to vector<16xi32>
          %add3A_223 = arith.addi %broadcast_in_dim3A_222, %sub3A_58 : vector<16xi32>
          %select_n3A_224 = arith.select %and3A_219, %add3A_223, %add3A_66 : vector<16xi1>, vector<16xi32>
          %slice3A_225 = vector.extract_strided_slice %get3A_213 {offsets = [1], sizes = [1], strides = [1]} : vector<16xi32> to vector<1xi32>
          %squeeze3A_226 = vector.extract %slice3A_225[0] : i32 from vector<1xi32>
          %bitcast_convert_type3A = arith.bitcast %squeeze3A_226 : i32 to f32
          %broadcast_in_dim3A_227 = vector.broadcast %bitcast_convert_type3A : f32 to vector<16xf32>
          %select_n3A_228 = arith.select %and3A_219, %broadcast_in_dim3A_227, %broadcast_in_dim3A_68 : vector<16xi1>, vector<16xf32>
          %slice3A_229 = vector.extract_strided_slice %get3A_213 {offsets = [2], sizes = [1], strides = [1]} : vector<16xi32> to vector<1xi32>
          %squeeze3A_230 = vector.extract %slice3A_229[0] : i32 from vector<1xi32>
          %bitcast_convert_type3A_231 = arith.bitcast %squeeze3A_230 : i32 to f32
          %broadcast_in_dim3A_232 = vector.broadcast %bitcast_convert_type3A_231 : f32 to vector<16xf32>
          %select_n3A_233 = arith.select %and3A_219, %broadcast_in_dim3A_232, %broadcast_in_dim3A_68 : vector<16xi1>, vector<16xf32>
          %get3A_234 = arith.index_cast %scan3A_209 : i32 to index
          %get3A_235 = arith.constant 0 : index
          %get3A_236 = tpu.vector_load %arg11[%get3A_234, %get3A_235] {strides = array<i32>} : memref<512x32xf32, #tpu.memory_space<vmem>>, vector<16xf32>,
          %get3A_237 = arith.index_cast %scan3A_209 : i32 to index
          %get3A_238 = arith.constant 16 : index
          %get3A_239 = tpu.vector_load %arg11[%get3A_237, %get3A_238] {strides = array<i32>} : memref<512x32xf32, #tpu.memory_space<vmem>>, vector<16xf32>,
          %mul3A_240 = arith.mulf %get3A_236, %select_n3A_228 : vector<16xf32>
          %add3A_241 = arith.addf %mul3A_240, %select_n3A_233 : vector<16xf32>
          tpu.vector_store_idx %arg7[%select_n3A_224], %add3A_241 {add = true} : memref<50048xf32, #tpu.memory_space<vmem>>[vector<16xi32>], vector<16xf32>,
          %add3A_242 = arith.constant 16 : i32
          %add3A_243 = vector.broadcast %add3A_242 : i32 to vector<16xi32>
          %add3A_244 = arith.addi %select_n3A_224, %add3A_243 : vector<16xi32>
          %mul3A_245 = arith.mulf %get3A_239, %select_n3A_228 : vector<16xf32>
          %add3A_246 = arith.addf %mul3A_245, %select_n3A_233 : vector<16xf32>
          tpu.vector_store_idx %arg7[%add3A_244], %add3A_246 {add = true} : memref<50048xf32, #tpu.memory_space<vmem>>[vector<16xi32>], vector<16xf32>,
        }
        %scan3A_208 = arith.constant 512 : i32
      } else {
      }
      %add3A_185 = arith.constant 2 : i32
      %add3A_186 = arith.addi %add3A_125, %add3A_185 : i32
      %lt3A_187 = arith.cmpi slt, %add3A_186, %select_n3A_54 : i32
      %convert_element_type3A_188 = arith.extui %lt3A_187 : i1 to i32
      %cond3A_189 = arith.constant 0 : i32
      %cond3A_190 = arith.cmpi ne, %convert_element_type3A_188, %cond3A_189 : i32
      scf.if %cond3A_190 {
        %dma_wait3A = arith.constant 0 : i32
        %dma_wait3A_203 = tpu.memref_slice %arg3[%add3A_186, %dma_wait3A] : memref<3125x512xi32, #tpu.memory_space<hbm>> -> memref<1x512xi32, #tpu.memory_space<hbm>>
        %dma_wait3A_204 = tpu.memref_squeeze %dma_wait3A_203 : memref<1x512xi32, #tpu.memory_space<hbm>> -> memref<512xi32, #tpu.memory_space<hbm>>
        %dma_wait3A_205 = arith.constant 0 : i32
        %dma_wait3A_206 = tpu.memref_slice %arg3[%add3A_186, %dma_wait3A_205] : memref<3125x512xi32, #tpu.memory_space<hbm>> -> memref<1x512xi32, #tpu.memory_space<hbm>>
        %dma_wait3A_207 = tpu.memref_squeeze %dma_wait3A_206 : memref<1x512xi32, #tpu.memory_space<hbm>> -> memref<512xi32, #tpu.memory_space<hbm>>
        tpu.wait_dma2 semaphore(%arg15 : memref<!tpu.dma_semaphore, #tpu.memory_space<semaphore_mem>>) src(%dma_wait3A_207 : memref<512xi32, #tpu.memory_space<hbm>>) dst(%arg8 : memref<512xi32, #tpu.memory_space<vmem>>)
        %dma_wait3A_208 = arith.constant 0 : i32
        %dma_wait3A_209 = tpu.memref_slice %arg12[%dma_wait3A_208] : memref<2064xi32, #tpu.memory_space<vmem>> -> memref<2048xi32, #tpu.memory_space<vmem>>
        %dma_wait3A_210 = arith.constant 0 : i32
        %dma_wait3A_211 = tpu.memref_slice %arg4[%add3A_186, %dma_wait3A_210] : memref<3125x2048xi32, #tpu.memory_space<hbm>> -> memref<1x2048xi32, #tpu.memory_space<hbm>>
        %dma_wait3A_212 = tpu.memref_squeeze %dma_wait3A_211 : memref<1x2048xi32, #tpu.memory_space<hbm>> -> memref<2048xi32, #tpu.memory_space<hbm>>
        %dma_wait3A_213 = arith.constant 0 : i32
        %dma_wait3A_214 = tpu.memref_slice %arg12[%dma_wait3A_213] : memref<2064xi32, #tpu.memory_space<vmem>> -> memref<2048xi32, #tpu.memory_space<vmem>>
        %dma_wait3A_215 = arith.constant 0 : i32
        %dma_wait3A_216 = tpu.memref_slice %arg4[%add3A_186, %dma_wait3A_215] : memref<3125x2048xi32, #tpu.memory_space<hbm>> -> memref<1x2048xi32, #tpu.memory_space<hbm>>
        %dma_wait3A_217 = tpu.memref_squeeze %dma_wait3A_216 : memref<1x2048xi32, #tpu.memory_space<hbm>> -> memref<2048xi32, #tpu.memory_space<hbm>>
        tpu.wait_dma2 semaphore(%arg15 : memref<!tpu.dma_semaphore, #tpu.memory_space<semaphore_mem>>) src(%dma_wait3A_217 : memref<2048xi32, #tpu.memory_space<hbm>>) dst(%dma_wait3A_214 : memref<2048xi32, #tpu.memory_space<vmem>>)
      } else {
      }
      %add3A_191 = arith.constant 2 : i32
      %add3A_192 = arith.addi %add3A_125, %add3A_191 : i32
      %lt3A_193 = arith.cmpi slt, %add3A_192, %select_n3A_54 : i32
      %convert_element_type3A_194 = arith.extui %lt3A_193 : i1 to i32
      %cond3A_195 = arith.constant 0 : i32
      %cond3A_196 = arith.cmpi ne, %convert_element_type3A_194, %cond3A_195 : i32
      scf.if %cond3A_196 {
        %dma_start3A = arith.constant 0 : i32
        %dma_start3A_203 = arith.constant 0 : i32
        %dma_start3A_204 = tpu.memref_slice %arg10[%dma_start3A, %dma_start3A_203] : memref<512x32xf32, #tpu.memory_space<vmem>> -> memref<128x32xf32, #tpu.memory_space<vmem>>
        %dma_start3A_205 = arith.constant 0 : i32
        %dma_start3A_206 = tpu.memref_slice %arg8[%dma_start3A_205] : memref<512xi32, #tpu.memory_space<vmem>> -> memref<128xi32, #tpu.memory_space<vmem>>
        %dma_start3A_207 = arith.constant 0 : i32
        %dma_start3A_208 = arith.constant 0 : i32
        %dma_start3A_209 = tpu.memref_slice %arg2[%dma_start3A_207, %dma_start3A_208] : memref<50000x32xf32, #tpu.memory_space<hbm>> -> memref<50000x32xf32, #tpu.memory_space<hbm>>
        tpu.enqueue_indirect_dma source(%dma_start3A_209 : memref<50000x32xf32, #tpu.memory_space<hbm>>) target(%dma_start3A_204 : memref<128x32xf32, #tpu.memory_space<vmem>>) offsets(%dma_start3A_206 : memref<128xi32, #tpu.memory_space<vmem>>) semaphore(%arg17 : memref<!tpu.dma_semaphore, #tpu.memory_space<semaphore_mem>>)
        %dma_start3A_210 = arith.constant 128 : i32
        %dma_start3A_211 = arith.constant 0 : i32
        %dma_start3A_212 = tpu.memref_slice %arg10[%dma_start3A_210, %dma_start3A_211] : memref<512x32xf32, #tpu.memory_space<vmem>> -> memref<128x32xf32, #tpu.memory_space<vmem>>
        %dma_start3A_213 = arith.constant 128 : i32
        %dma_start3A_214 = tpu.memref_slice %arg8[%dma_start3A_213] : memref<512xi32, #tpu.memory_space<vmem>> -> memref<128xi32, #tpu.memory_space<vmem>>
        %dma_start3A_215 = arith.constant 0 : i32
        %dma_start3A_216 = arith.constant 0 : i32
        %dma_start3A_217 = tpu.memref_slice %arg2[%dma_start3A_215, %dma_start3A_216] : memref<50000x32xf32, #tpu.memory_space<hbm>> -> memref<50000x32xf32, #tpu.memory_space<hbm>>
        tpu.enqueue_indirect_dma source(%dma_start3A_217 : memref<50000x32xf32, #tpu.memory_space<hbm>>) target(%dma_start3A_212 : memref<128x32xf32, #tpu.memory_space<vmem>>) offsets(%dma_start3A_214 : memref<128xi32, #tpu.memory_space<vmem>>) semaphore(%arg17 : memref<!tpu.dma_semaphore, #tpu.memory_space<semaphore_mem>>)
        %dma_start3A_218 = arith.constant 256 : i32
        %dma_start3A_219 = arith.constant 0 : i32
        %dma_start3A_220 = tpu.memref_slice %arg10[%dma_start3A_218, %dma_start3A_219] : memref<512x32xf32, #tpu.memory_space<vmem>> -> memref<128x32xf32, #tpu.memory_space<vmem>>
        %dma_start3A_221 = arith.constant 256 : i32
        %dma_start3A_222 = tpu.memref_slice %arg8[%dma_start3A_221] : memref<512xi32, #tpu.memory_space<vmem>> -> memref<128xi32, #tpu.memory_space<vmem>>
        %dma_start3A_223 = arith.constant 0 : i32
        %dma_start3A_224 = arith.constant 0 : i32
        %dma_start3A_225 = tpu.memref_slice %arg2[%dma_start3A_223, %dma_start3A_224] : memref<50000x32xf32, #tpu.memory_space<hbm>> -> memref<50000x32xf32, #tpu.memory_space<hbm>>
        tpu.enqueue_indirect_dma source(%dma_start3A_225 : memref<50000x32xf32, #tpu.memory_space<hbm>>) target(%dma_start3A_220 : memref<128x32xf32, #tpu.memory_space<vmem>>) offsets(%dma_start3A_222 : memref<128xi32, #tpu.memory_space<vmem>>) semaphore(%arg17 : memref<!tpu.dma_semaphore, #tpu.memory_space<semaphore_mem>>)
        %dma_start3A_226 = arith.constant 384 : i32
        %dma_start3A_227 = arith.constant 0 : i32
        %dma_start3A_228 = tpu.memref_slice %arg10[%dma_start3A_226, %dma_start3A_227] : memref<512x32xf32, #tpu.memory_space<vmem>> -> memref<128x32xf32, #tpu.memory_space<vmem>>
        %dma_start3A_229 = arith.constant 384 : i32
        %dma_start3A_230 = tpu.memref_slice %arg8[%dma_start3A_229] : memref<512xi32, #tpu.memory_space<vmem>> -> memref<128xi32, #tpu.memory_space<vmem>>
        %dma_start3A_231 = arith.constant 0 : i32
        %dma_start3A_232 = arith.constant 0 : i32
        %dma_start3A_233 = tpu.memref_slice %arg2[%dma_start3A_231, %dma_start3A_232] : memref<50000x32xf32, #tpu.memory_space<hbm>> -> memref<50000x32xf32, #tpu.memory_space<hbm>>
        tpu.enqueue_indirect_dma source(%dma_start3A_233 : memref<50000x32xf32, #tpu.memory_space<hbm>>) target(%dma_start3A_228 : memref<128x32xf32, #tpu.memory_space<vmem>>) offsets(%dma_start3A_230 : memref<128xi32, #tpu.memory_space<vmem>>) semaphore(%arg17 : memref<!tpu.dma_semaphore, #tpu.memory_space<semaphore_mem>>)
      } else {
      }
      %add3A_197 = arith.constant 2 : i32
      %add3A_198 = arith.addi %add3A_127, %add3A_197 : i32
      %lt3A_199 = arith.cmpi slt, %add3A_198, %select_n3A_54 : i32
      %convert_element_type3A_200 = arith.extui %lt3A_199 : i1 to i32
      %cond3A_201 = arith.constant 0 : i32
      %cond3A_202 = arith.cmpi ne, %convert_element_type3A_200, %cond3A_201 : i32
      scf.if %cond3A_202 {
        %dma_start3A = arith.constant 0 : i32
        %dma_start3A_203 = tpu.memref_slice %arg3[%add3A_198, %dma_start3A] : memref<3125x512xi32, #tpu.memory_space<hbm>> -> memref<1x512xi32, #tpu.memory_space<hbm>>
        %dma_start3A_204 = tpu.memref_squeeze %dma_start3A_203 : memref<1x512xi32, #tpu.memory_space<hbm>> -> memref<512xi32, #tpu.memory_space<hbm>>
        %dma_start3A_205 = arith.constant 0 : i32
        %dma_start3A_206 = tpu.memref_slice %arg3[%add3A_198, %dma_start3A_205] : memref<3125x512xi32, #tpu.memory_space<hbm>> -> memref<1x512xi32, #tpu.memory_space<hbm>>
        %dma_start3A_207 = tpu.memref_squeeze %dma_start3A_206 : memref<1x512xi32, #tpu.memory_space<hbm>> -> memref<512xi32, #tpu.memory_space<hbm>>
        tpu.enqueue_dma source(%dma_start3A_207 : memref<512xi32, #tpu.memory_space<hbm>>) target(%arg9 : memref<512xi32, #tpu.memory_space<vmem>>) target_semaphore(%arg16 : memref<!tpu.dma_semaphore, #tpu.memory_space<semaphore_mem>>)
        %dma_start3A_208 = arith.constant 0 : i32
        %dma_start3A_209 = tpu.memref_slice %arg13[%dma_start3A_208] : memref<2064xi32, #tpu.memory_space<vmem>> -> memref<2048xi32, #tpu.memory_space<vmem>>
        %dma_start3A_210 = arith.constant 0 : i32
        %dma_start3A_211 = tpu.memref_slice %arg4[%add3A_198, %dma_start3A_210] : memref<3125x2048xi32, #tpu.memory_space<hbm>> -> memref<1x2048xi32, #tpu.memory_space<hbm>>
        %dma_start3A_212 = tpu.memref_squeeze %dma_start3A_211 : memref<1x2048xi32, #tpu.memory_space<hbm>> -> memref<2048xi32, #tpu.memory_space<hbm>>
        %dma_start3A_213 = arith.constant 0 : i32
        %dma_start3A_214 = tpu.memref_slice %arg13[%dma_start3A_213] : memref<2064xi32, #tpu.memory_space<vmem>> -> memref<2048xi32, #tpu.memory_space<vmem>>
        %dma_start3A_215 = arith.constant 0 : i32
        %dma_start3A_216 = tpu.memref_slice %arg4[%add3A_198, %dma_start3A_215] : memref<3125x2048xi32, #tpu.memory_space<hbm>> -> memref<1x2048xi32, #tpu.memory_space<hbm>>
        %dma_start3A_217 = tpu.memref_squeeze %dma_start3A_216 : memref<1x2048xi32, #tpu.memory_space<hbm>> -> memref<2048xi32, #tpu.memory_space<hbm>>
        tpu.enqueue_dma source(%dma_start3A_217 : memref<2048xi32, #tpu.memory_space<hbm>>) target(%dma_start3A_214 : memref<2048xi32, #tpu.memory_space<vmem>>) target_semaphore(%arg16 : memref<!tpu.dma_semaphore, #tpu.memory_space<semaphore_mem>>)
      } else {
      }
    }
    %while3A_119 = arith.constant 1 : i32
    scf.for %while3A_122 = %while3A_117 to %while3A_113 step %while3A_119  : i32 {
      %mul3A_123 = arith.constant 2 : i32
      %mul3A_124 = arith.muli %mul3A_123, %while3A_122 : i32
      %add3A_125 = arith.addi %select_n3A, %mul3A_124 : i32
      %add3A_126 = arith.constant 1 : i32
      %add3A_127 = arith.addi %add3A_125, %add3A_126 : i32
      %lt3A_128 = arith.cmpi slt, %add3A_127, %select_n3A_54 : i32
      %convert_element_type3A_129 = arith.extui %lt3A_128 : i1 to i32
      %cond3A_130 = arith.constant 0 : i32
      %cond3A_131 = arith.cmpi ne, %convert_element_type3A_129, %cond3A_130 : i32
      scf.if %cond3A_131 {
        %dma_wait3A = arith.constant 0 : i32
        %dma_wait3A_203 = tpu.memref_slice %arg3[%add3A_127, %dma_wait3A] : memref<3125x512xi32, #tpu.memory_space<hbm>> -> memref<1x512xi32, #tpu.memory_space<hbm>>
        %dma_wait3A_204 = tpu.memref_squeeze %dma_wait3A_203 : memref<1x512xi32, #tpu.memory_space<hbm>> -> memref<512xi32, #tpu.memory_space<hbm>>
        %dma_wait3A_205 = arith.constant 0 : i32
        %dma_wait3A_206 = tpu.memref_slice %arg3[%add3A_127, %dma_wait3A_205] : memref<3125x512xi32, #tpu.memory_space<hbm>> -> memref<1x512xi32, #tpu.memory_space<hbm>>
        %dma_wait3A_207 = tpu.memref_squeeze %dma_wait3A_206 : memref<1x512xi32, #tpu.memory_space<hbm>> -> memref<512xi32, #tpu.memory_space<hbm>>
        tpu.wait_dma2 semaphore(%arg16 : memref<!tpu.dma_semaphore, #tpu.memory_space<semaphore_mem>>) src(%dma_wait3A_207 : memref<512xi32, #tpu.memory_space<hbm>>) dst(%arg9 : memref<512xi32, #tpu.memory_space<vmem>>)
        %dma_wait3A_208 = arith.constant 0 : i32
        %dma_wait3A_209 = tpu.memref_slice %arg13[%dma_wait3A_208] : memref<2064xi32, #tpu.memory_space<vmem>> -> memref<2048xi32, #tpu.memory_space<vmem>>
        %dma_wait3A_210 = arith.constant 0 : i32
        %dma_wait3A_211 = tpu.memref_slice %arg4[%add3A_127, %dma_wait3A_210] : memref<3125x2048xi32, #tpu.memory_space<hbm>> -> memref<1x2048xi32, #tpu.memory_space<hbm>>
        %dma_wait3A_212 = tpu.memref_squeeze %dma_wait3A_211 : memref<1x2048xi32, #tpu.memory_space<hbm>> -> memref<2048xi32, #tpu.memory_space<hbm>>
        %dma_wait3A_213 = arith.constant 0 : i32
        %dma_wait3A_214 = tpu.memref_slice %arg13[%dma_wait3A_213] : memref<2064xi32, #tpu.memory_space<vmem>> -> memref<2048xi32, #tpu.memory_space<vmem>>
        %dma_wait3A_215 = arith.constant 0 : i32
        %dma_wait3A_216 = tpu.memref_slice %arg4[%add3A_127, %dma_wait3A_215] : memref<3125x2048xi32, #tpu.memory_space<hbm>> -> memref<1x2048xi32, #tpu.memory_space<hbm>>
        %dma_wait3A_217 = tpu.memref_squeeze %dma_wait3A_216 : memref<1x2048xi32, #tpu.memory_space<hbm>> -> memref<2048xi32, #tpu.memory_space<hbm>>
        tpu.wait_dma2 semaphore(%arg16 : memref<!tpu.dma_semaphore, #tpu.memory_space<semaphore_mem>>) src(%dma_wait3A_217 : memref<2048xi32, #tpu.memory_space<hbm>>) dst(%dma_wait3A_214 : memref<2048xi32, #tpu.memory_space<vmem>>)
      } else {
      }
      %lt3A_132 = arith.cmpi slt, %add3A_127, %select_n3A_54 : i32
      %convert_element_type3A_133 = arith.extui %lt3A_132 : i1 to i32
      %cond3A_134 = arith.constant 0 : i32
      %cond3A_135 = arith.cmpi ne, %convert_element_type3A_133, %cond3A_134 : i32
      scf.if %cond3A_135 {
        %dma_start3A = arith.constant 0 : i32
        %dma_start3A_203 = arith.constant 0 : i32
        %dma_start3A_204 = tpu.memref_slice %arg11[%dma_start3A, %dma_start3A_203] : memref<512x32xf32, #tpu.memory_space<vmem>> -> memref<128x32xf32, #tpu.memory_space<vmem>>
        %dma_start3A_205 = arith.constant 0 : i32
        %dma_start3A_206 = tpu.memref_slice %arg9[%dma_start3A_205] : memref<512xi32, #tpu.memory_space<vmem>> -> memref<128xi32, #tpu.memory_space<vmem>>
        %dma_start3A_207 = arith.constant 0 : i32
        %dma_start3A_208 = arith.constant 0 : i32
        %dma_start3A_209 = tpu.memref_slice %arg2[%dma_start3A_207, %dma_start3A_208] : memref<50000x32xf32, #tpu.memory_space<hbm>> -> memref<50000x32xf32, #tpu.memory_space<hbm>>
        tpu.enqueue_indirect_dma source(%dma_start3A_209 : memref<50000x32xf32, #tpu.memory_space<hbm>>) target(%dma_start3A_204 : memref<128x32xf32, #tpu.memory_space<vmem>>) offsets(%dma_start3A_206 : memref<128xi32, #tpu.memory_space<vmem>>) semaphore(%arg18 : memref<!tpu.dma_semaphore, #tpu.memory_space<semaphore_mem>>)
        %dma_start3A_210 = arith.constant 128 : i32
        %dma_start3A_211 = arith.constant 0 : i32
        %dma_start3A_212 = tpu.memref_slice %arg11[%dma_start3A_210, %dma_start3A_211] : memref<512x32xf32, #tpu.memory_space<vmem>> -> memref<128x32xf32, #tpu.memory_space<vmem>>
        %dma_start3A_213 = arith.constant 128 : i32
        %dma_start3A_214 = tpu.memref_slice %arg9[%dma_start3A_213] : memref<512xi32, #tpu.memory_space<vmem>> -> memref<128xi32, #tpu.memory_space<vmem>>
        %dma_start3A_215 = arith.constant 0 : i32
        %dma_start3A_216 = arith.constant 0 : i32
        %dma_start3A_217 = tpu.memref_slice %arg2[%dma_start3A_215, %dma_start3A_216] : memref<50000x32xf32, #tpu.memory_space<hbm>> -> memref<50000x32xf32, #tpu.memory_space<hbm>>
        tpu.enqueue_indirect_dma source(%dma_start3A_217 : memref<50000x32xf32, #tpu.memory_space<hbm>>) target(%dma_start3A_212 : memref<128x32xf32, #tpu.memory_space<vmem>>) offsets(%dma_start3A_214 : memref<128xi32, #tpu.memory_space<vmem>>) semaphore(%arg18 : memref<!tpu.dma_semaphore, #tpu.memory_space<semaphore_mem>>)
        %dma_start3A_218 = arith.constant 256 : i32
        %dma_start3A_219 = arith.constant 0 : i32
        %dma_start3A_220 = tpu.memref_slice %arg11[%dma_start3A_218, %dma_start3A_219] : memref<512x32xf32, #tpu.memory_space<vmem>> -> memref<128x32xf32, #tpu.memory_space<vmem>>
        %dma_start3A_221 = arith.constant 256 : i32
        %dma_start3A_222 = tpu.memref_slice %arg9[%dma_start3A_221] : memref<512xi32, #tpu.memory_space<vmem>> -> memref<128xi32, #tpu.memory_space<vmem>>
        %dma_start3A_223 = arith.constant 0 : i32
        %dma_start3A_224 = arith.constant 0 : i32
        %dma_start3A_225 = tpu.memref_slice %arg2[%dma_start3A_223, %dma_start3A_224] : memref<50000x32xf32, #tpu.memory_space<hbm>> -> memref<50000x32xf32, #tpu.memory_space<hbm>>
        tpu.enqueue_indirect_dma source(%dma_start3A_225 : memref<50000x32xf32, #tpu.memory_space<hbm>>) target(%dma_start3A_220 : memref<128x32xf32, #tpu.memory_space<vmem>>) offsets(%dma_start3A_222 : memref<128xi32, #tpu.memory_space<vmem>>) semaphore(%arg18 : memref<!tpu.dma_semaphore, #tpu.memory_space<semaphore_mem>>)
        %dma_start3A_226 = arith.constant 384 : i32
        %dma_start3A_227 = arith.constant 0 : i32
        %dma_start3A_228 = tpu.memref_slice %arg11[%dma_start3A_226, %dma_start3A_227] : memref<512x32xf32, #tpu.memory_space<vmem>> -> memref<128x32xf32, #tpu.memory_space<vmem>>
        %dma_start3A_229 = arith.constant 384 : i32
        %dma_start3A_230 = tpu.memref_slice %arg9[%dma_start3A_229] : memref<512xi32, #tpu.memory_space<vmem>> -> memref<128xi32, #tpu.memory_space<vmem>>
        %dma_start3A_231 = arith.constant 0 : i32
        %dma_start3A_232 = arith.constant 0 : i32
        %dma_start3A_233 = tpu.memref_slice %arg2[%dma_start3A_231, %dma_start3A_232] : memref<50000x32xf32, #tpu.memory_space<hbm>> -> memref<50000x32xf32, #tpu.memory_space<hbm>>
        tpu.enqueue_indirect_dma source(%dma_start3A_233 : memref<50000x32xf32, #tpu.memory_space<hbm>>) target(%dma_start3A_228 : memref<128x32xf32, #tpu.memory_space<vmem>>) offsets(%dma_start3A_230 : memref<128xi32, #tpu.memory_space<vmem>>) semaphore(%arg18 : memref<!tpu.dma_semaphore, #tpu.memory_space<semaphore_mem>>)
      } else {
      }
      %lt3A_136 = arith.cmpi slt, %add3A_125, %select_n3A_54 : i32
      %convert_element_type3A_137 = arith.extui %lt3A_136 : i1 to i32
      %cond3A_138 = arith.constant 0 : i32
      %cond3A_139 = arith.cmpi ne, %convert_element_type3A_137, %cond3A_138 : i32
      scf.if %cond3A_139 {
        %dma_wait3A = arith.constant 0 : i32
        %dma_wait3A_203 = arith.constant 0 : i32
        %dma_wait3A_204 = tpu.memref_slice %arg10[%dma_wait3A, %dma_wait3A_203] : memref<512x32xf32, #tpu.memory_space<vmem>> -> memref<128x32xf32, #tpu.memory_space<vmem>>
        %dma_wait3A_205 = arith.constant 0 : i32
        %dma_wait3A_206 = tpu.memref_slice %arg8[%dma_wait3A_205] : memref<512xi32, #tpu.memory_space<vmem>> -> memref<128xi32, #tpu.memory_space<vmem>>
        %dma_wait3A_207 = arith.constant 0 : i32
        %dma_wait3A_208 = arith.constant 0 : i32
        %dma_wait3A_209 = tpu.memref_slice %arg2[%dma_wait3A_207, %dma_wait3A_208] : memref<50000x32xf32, #tpu.memory_space<hbm>> -> memref<50000x32xf32, #tpu.memory_space<hbm>>
        tpu.wait_indirect_dma semaphore(%arg17 : memref<!tpu.dma_semaphore, #tpu.memory_space<semaphore_mem>>) src(%dma_wait3A_209 : memref<50000x32xf32, #tpu.memory_space<hbm>>) dst(%dma_wait3A_204 : memref<128x32xf32, #tpu.memory_space<vmem>>)
        %dma_wait3A_210 = arith.constant 128 : i32
        %dma_wait3A_211 = arith.constant 0 : i32
        %dma_wait3A_212 = tpu.memref_slice %arg10[%dma_wait3A_210, %dma_wait3A_211] : memref<512x32xf32, #tpu.memory_space<vmem>> -> memref<128x32xf32, #tpu.memory_space<vmem>>
        %dma_wait3A_213 = arith.constant 128 : i32
        %dma_wait3A_214 = tpu.memref_slice %arg8[%dma_wait3A_213] : memref<512xi32, #tpu.memory_space<vmem>> -> memref<128xi32, #tpu.memory_space<vmem>>
        %dma_wait3A_215 = arith.constant 0 : i32
        %dma_wait3A_216 = arith.constant 0 : i32
        %dma_wait3A_217 = tpu.memref_slice %arg2[%dma_wait3A_215, %dma_wait3A_216] : memref<50000x32xf32, #tpu.memory_space<hbm>> -> memref<50000x32xf32, #tpu.memory_space<hbm>>
        tpu.wait_indirect_dma semaphore(%arg17 : memref<!tpu.dma_semaphore, #tpu.memory_space<semaphore_mem>>) src(%dma_wait3A_217 : memref<50000x32xf32, #tpu.memory_space<hbm>>) dst(%dma_wait3A_212 : memref<128x32xf32, #tpu.memory_space<vmem>>)
        %dma_wait3A_218 = arith.constant 256 : i32
        %dma_wait3A_219 = arith.constant 0 : i32
        %dma_wait3A_220 = tpu.memref_slice %arg10[%dma_wait3A_218, %dma_wait3A_219] : memref<512x32xf32, #tpu.memory_space<vmem>> -> memref<128x32xf32, #tpu.memory_space<vmem>>
        %dma_wait3A_221 = arith.constant 256 : i32
        %dma_wait3A_222 = tpu.memref_slice %arg8[%dma_wait3A_221] : memref<512xi32, #tpu.memory_space<vmem>> -> memref<128xi32, #tpu.memory_space<vmem>>
        %dma_wait3A_223 = arith.constant 0 : i32
        %dma_wait3A_224 = arith.constant 0 : i32
        %dma_wait3A_225 = tpu.memref_slice %arg2[%dma_wait3A_223, %dma_wait3A_224] : memref<50000x32xf32, #tpu.memory_space<hbm>> -> memref<50000x32xf32, #tpu.memory_space<hbm>>
        tpu.wait_indirect_dma semaphore(%arg17 : memref<!tpu.dma_semaphore, #tpu.memory_space<semaphore_mem>>) src(%dma_wait3A_225 : memref<50000x32xf32, #tpu.memory_space<hbm>>) dst(%dma_wait3A_220 : memref<128x32xf32, #tpu.memory_space<vmem>>)
        %dma_wait3A_226 = arith.constant 384 : i32
        %dma_wait3A_227 = arith.constant 0 : i32
        %dma_wait3A_228 = tpu.memref_slice %arg10[%dma_wait3A_226, %dma_wait3A_227] : memref<512x32xf32, #tpu.memory_space<vmem>> -> memref<128x32xf32, #tpu.memory_space<vmem>>
        %dma_wait3A_229 = arith.constant 384 : i32
        %dma_wait3A_230 = tpu.memref_slice %arg8[%dma_wait3A_229] : memref<512xi32, #tpu.memory_space<vmem>> -> memref<128xi32, #tpu.memory_space<vmem>>
        %dma_wait3A_231 = arith.constant 0 : i32
        %dma_wait3A_232 = arith.constant 0 : i32
        %dma_wait3A_233 = tpu.memref_slice %arg2[%dma_wait3A_231, %dma_wait3A_232] : memref<50000x32xf32, #tpu.memory_space<hbm>> -> memref<50000x32xf32, #tpu.memory_space<hbm>>
        tpu.wait_indirect_dma semaphore(%arg17 : memref<!tpu.dma_semaphore, #tpu.memory_space<semaphore_mem>>) src(%dma_wait3A_233 : memref<50000x32xf32, #tpu.memory_space<hbm>>) dst(%dma_wait3A_228 : memref<128x32xf32, #tpu.memory_space<vmem>>)
      } else {
      }
      %mul3A_140 = arith.constant 512 : i32
      %mul3A_141 = arith.muli %add3A_125, %mul3A_140 : i32
      %lt3A_142 = arith.cmpi slt, %add3A_125, %select_n3A_54 : i32
      %ge3A = arith.cmpi sge, %mul3A_141, %squeeze3A : i32
      %and3A_143 = arith.andi %lt3A_142, %ge3A : i1
      %add3A_144 = arith.constant 512 : i32
      %add3A_145 = arith.addi %mul3A_141, %add3A_144 : i32
      %le3A = arith.cmpi sle, %add3A_145, %squeeze3A_10 : i32
      %and3A_146 = arith.andi %and3A_143, %le3A : i1
      %convert_element_type3A_147 = arith.extui %and3A_146 : i1 to i32
      %cond3A_148 = arith.constant 0 : i32
      %cond3A_149 = arith.cmpi ne, %convert_element_type3A_147, %cond3A_148 : i32
      scf.if %cond3A_149 {
        %parallel_loop3A = arith.constant 0 : i32
        %parallel_loop3A_203 = arith.constant 512 : i32
        %parallel_loop3A_204 = arith.constant 4 : i32
        scf.for %parallel_loop3A_205 = %parallel_loop3A to %parallel_loop3A_203 step %parallel_loop3A_204  : i32 {
          %parallel_loop3A_206 = arith.constant 4 : i32
          %parallel_loop3A_207 = arith.muli %parallel_loop3A_206, %parallel_loop3A_205 : i32
          %parallel_loop3A_208 = arith.index_cast %parallel_loop3A_207 : i32 to index
          %parallel_loop3A_209 = tpu.vector_load %arg12[%parallel_loop3A_208] {strides = array<i32>} : memref<2064xi32, #tpu.memory_space<vmem>>, vector<16xi32>,
          %parallel_loop3A_210 = vector.extract_strided_slice %parallel_loop3A_209 {offsets = [0], sizes = [1], strides = [1]} : vector<16xi32> to vector<1xi32>
          %parallel_loop3A_211 = vector.extract %parallel_loop3A_210[0] : i32 from vector<1xi32>
          %parallel_loop3A_212 = vector.broadcast %parallel_loop3A_211 : i32 to vector<16xi32>
          %parallel_loop3A_213 = vector.extract_strided_slice %parallel_loop3A_209 {offsets = [1], sizes = [1], strides = [1]} : vector<16xi32> to vector<1xi32>
          %parallel_loop3A_214 = vector.extract %parallel_loop3A_213[0] : i32 from vector<1xi32>
          %parallel_loop3A_215 = arith.bitcast %parallel_loop3A_214 : i32 to f32
          %parallel_loop3A_216 = vector.broadcast %parallel_loop3A_215 : f32 to vector<16xf32>
          %parallel_loop3A_217 = vector.extract_strided_slice %parallel_loop3A_209 {offsets = [2], sizes = [1], strides = [1]} : vector<16xi32> to vector<1xi32>
          %parallel_loop3A_218 = vector.extract %parallel_loop3A_217[0] : i32 from vector<1xi32>
          %parallel_loop3A_219 = arith.bitcast %parallel_loop3A_218 : i32 to f32
          %parallel_loop3A_220 = vector.broadcast %parallel_loop3A_219 : f32 to vector<16xf32>
          %parallel_loop3A_221 = arith.constant 0 : i32
          %parallel_loop3A_222 = arith.addi %parallel_loop3A_205, %parallel_loop3A_221 : i32
          %parallel_loop3A_223 = arith.index_cast %parallel_loop3A_222 : i32 to index
          %parallel_loop3A_224 = arith.constant 0 : index
          %parallel_loop3A_225 = tpu.vector_load %arg10[%parallel_loop3A_223, %parallel_loop3A_224] {strides = array<i32>} : memref<512x32xf32, #tpu.memory_space<vmem>>, vector<16xf32>,
          %parallel_loop3A_226 = arith.constant 0 : i32
          %parallel_loop3A_227 = arith.addi %parallel_loop3A_205, %parallel_loop3A_226 : i32
          %parallel_loop3A_228 = arith.index_cast %parallel_loop3A_227 : i32 to index
          %parallel_loop3A_229 = arith.constant 16 : index
          %parallel_loop3A_230 = tpu.vector_load %arg10[%parallel_loop3A_228, %parallel_loop3A_229] {strides = array<i32>} : memref<512x32xf32, #tpu.memory_space<vmem>>, vector<16xf32>,
          %parallel_loop3A_231 = arith.addi %parallel_loop3A_212, %sub3A_58 : vector<16xi32>
          %parallel_loop3A_232 = arith.mulf %parallel_loop3A_225, %parallel_loop3A_216 : vector<16xf32>
          %parallel_loop3A_233 = arith.addf %parallel_loop3A_232, %parallel_loop3A_220 : vector<16xf32>
          tpu.vector_store_idx %arg7[%parallel_loop3A_231], %parallel_loop3A_233 {add = true} : memref<50048xf32, #tpu.memory_space<vmem>>[vector<16xi32>], vector<16xf32>,
          %parallel_loop3A_234 = arith.addi %parallel_loop3A_212, %add3A_61 : vector<16xi32>
          %parallel_loop3A_235 = arith.mulf %parallel_loop3A_230, %parallel_loop3A_216 : vector<16xf32>
          %parallel_loop3A_236 = arith.addf %parallel_loop3A_235, %parallel_loop3A_220 : vector<16xf32>
          tpu.vector_store_idx %arg7[%parallel_loop3A_234], %parallel_loop3A_236 {add = true} : memref<50048xf32, #tpu.memory_space<vmem>>[vector<16xi32>], vector<16xf32>,
          %parallel_loop3A_237 = vector.extract_strided_slice %parallel_loop3A_209 {offsets = [4], sizes = [1], strides = [1]} : vector<16xi32> to vector<1xi32>
          %parallel_loop3A_238 = vector.extract %parallel_loop3A_237[0] : i32 from vector<1xi32>
          %parallel_loop3A_239 = vector.broadcast %parallel_loop3A_238 : i32 to vector<16xi32>
          %parallel_loop3A_240 = vector.extract_strided_slice %parallel_loop3A_209 {offsets = [5], sizes = [1], strides = [1]} : vector<16xi32> to vector<1xi32>
          %parallel_loop3A_241 = vector.extract %parallel_loop3A_240[0] : i32 from vector<1xi32>
          %parallel_loop3A_242 = arith.bitcast %parallel_loop3A_241 : i32 to f32
          %parallel_loop3A_243 = vector.broadcast %parallel_loop3A_242 : f32 to vector<16xf32>
          %parallel_loop3A_244 = vector.extract_strided_slice %parallel_loop3A_209 {offsets = [6], sizes = [1], strides = [1]} : vector<16xi32> to vector<1xi32>
          %parallel_loop3A_245 = vector.extract %parallel_loop3A_244[0] : i32 from vector<1xi32>
          %parallel_loop3A_246 = arith.bitcast %parallel_loop3A_245 : i32 to f32
          %parallel_loop3A_247 = vector.broadcast %parallel_loop3A_246 : f32 to vector<16xf32>
          %parallel_loop3A_248 = arith.constant 1 : i32
          %parallel_loop3A_249 = arith.addi %parallel_loop3A_205, %parallel_loop3A_248 : i32
          %parallel_loop3A_250 = arith.index_cast %parallel_loop3A_249 : i32 to index
          %parallel_loop3A_251 = arith.constant 0 : index
          %parallel_loop3A_252 = tpu.vector_load %arg10[%parallel_loop3A_250, %parallel_loop3A_251] {strides = array<i32>} : memref<512x32xf32, #tpu.memory_space<vmem>>, vector<16xf32>,
          %parallel_loop3A_253 = arith.constant 1 : i32
          %parallel_loop3A_254 = arith.addi %parallel_loop3A_205, %parallel_loop3A_253 : i32
          %parallel_loop3A_255 = arith.index_cast %parallel_loop3A_254 : i32 to index
          %parallel_loop3A_256 = arith.constant 16 : index
          %parallel_loop3A_257 = tpu.vector_load %arg10[%parallel_loop3A_255, %parallel_loop3A_256] {strides = array<i32>} : memref<512x32xf32, #tpu.memory_space<vmem>>, vector<16xf32>,
          %parallel_loop3A_258 = arith.addi %parallel_loop3A_239, %sub3A_58 : vector<16xi32>
          %parallel_loop3A_259 = arith.mulf %parallel_loop3A_252, %parallel_loop3A_243 : vector<16xf32>
          %parallel_loop3A_260 = arith.addf %parallel_loop3A_259, %parallel_loop3A_247 : vector<16xf32>
          tpu.vector_store_idx %arg7[%parallel_loop3A_258], %parallel_loop3A_260 {add = true} : memref<50048xf32, #tpu.memory_space<vmem>>[vector<16xi32>], vector<16xf32>,
          %parallel_loop3A_261 = arith.addi %parallel_loop3A_239, %add3A_61 : vector<16xi32>
          %parallel_loop3A_262 = arith.mulf %parallel_loop3A_257, %parallel_loop3A_243 : vector<16xf32>
          %parallel_loop3A_263 = arith.addf %parallel_loop3A_262, %parallel_loop3A_247 : vector<16xf32>
          tpu.vector_store_idx %arg7[%parallel_loop3A_261], %parallel_loop3A_263 {add = true} : memref<50048xf32, #tpu.memory_space<vmem>>[vector<16xi32>], vector<16xf32>,
          %parallel_loop3A_264 = vector.extract_strided_slice %parallel_loop3A_209 {offsets = [8], sizes = [1], strides = [1]} : vector<16xi32> to vector<1xi32>
          %parallel_loop3A_265 = vector.extract %parallel_loop3A_264[0] : i32 from vector<1xi32>
          %parallel_loop3A_266 = vector.broadcast %parallel_loop3A_265 : i32 to vector<16xi32>
          %parallel_loop3A_267 = vector.extract_strided_slice %parallel_loop3A_209 {offsets = [9], sizes = [1], strides = [1]} : vector<16xi32> to vector<1xi32>
          %parallel_loop3A_268 = vector.extract %parallel_loop3A_267[0] : i32 from vector<1xi32>
          %parallel_loop3A_269 = arith.bitcast %parallel_loop3A_268 : i32 to f32
          %parallel_loop3A_270 = vector.broadcast %parallel_loop3A_269 : f32 to vector<16xf32>
          %parallel_loop3A_271 = vector.extract_strided_slice %parallel_loop3A_209 {offsets = [10], sizes = [1], strides = [1]} : vector<16xi32> to vector<1xi32>
          %parallel_loop3A_272 = vector.extract %parallel_loop3A_271[0] : i32 from vector<1xi32>
          %parallel_loop3A_273 = arith.bitcast %parallel_loop3A_272 : i32 to f32
          %parallel_loop3A_274 = vector.broadcast %parallel_loop3A_273 : f32 to vector<16xf32>
          %parallel_loop3A_275 = arith.constant 2 : i32
          %parallel_loop3A_276 = arith.addi %parallel_loop3A_205, %parallel_loop3A_275 : i32
          %parallel_loop3A_277 = arith.index_cast %parallel_loop3A_276 : i32 to index
          %parallel_loop3A_278 = arith.constant 0 : index
          %parallel_loop3A_279 = tpu.vector_load %arg10[%parallel_loop3A_277, %parallel_loop3A_278] {strides = array<i32>} : memref<512x32xf32, #tpu.memory_space<vmem>>, vector<16xf32>,
          %parallel_loop3A_280 = arith.constant 2 : i32
          %parallel_loop3A_281 = arith.addi %parallel_loop3A_205, %parallel_loop3A_280 : i32
          %parallel_loop3A_282 = arith.index_cast %parallel_loop3A_281 : i32 to index
          %parallel_loop3A_283 = arith.constant 16 : index
          %parallel_loop3A_284 = tpu.vector_load %arg10[%parallel_loop3A_282, %parallel_loop3A_283] {strides = array<i32>} : memref<512x32xf32, #tpu.memory_space<vmem>>, vector<16xf32>,
          %parallel_loop3A_285 = arith.addi %parallel_loop3A_266, %sub3A_58 : vector<16xi32>
          %parallel_loop3A_286 = arith.mulf %parallel_loop3A_279, %parallel_loop3A_270 : vector<16xf32>
          %parallel_loop3A_287 = arith.addf %parallel_loop3A_286, %parallel_loop3A_274 : vector<16xf32>
          tpu.vector_store_idx %arg7[%parallel_loop3A_285], %parallel_loop3A_287 {add = true} : memref<50048xf32, #tpu.memory_space<vmem>>[vector<16xi32>], vector<16xf32>,
          %parallel_loop3A_288 = arith.addi %parallel_loop3A_266, %add3A_61 : vector<16xi32>
          %parallel_loop3A_289 = arith.mulf %parallel_loop3A_284, %parallel_loop3A_270 : vector<16xf32>
          %parallel_loop3A_290 = arith.addf %parallel_loop3A_289, %parallel_loop3A_274 : vector<16xf32>
          tpu.vector_store_idx %arg7[%parallel_loop3A_288], %parallel_loop3A_290 {add = true} : memref<50048xf32, #tpu.memory_space<vmem>>[vector<16xi32>], vector<16xf32>,
          %parallel_loop3A_291 = vector.extract_strided_slice %parallel_loop3A_209 {offsets = [12], sizes = [1], strides = [1]} : vector<16xi32> to vector<1xi32>
          %parallel_loop3A_292 = vector.extract %parallel_loop3A_291[0] : i32 from vector<1xi32>
          %parallel_loop3A_293 = vector.broadcast %parallel_loop3A_292 : i32 to vector<16xi32>
          %parallel_loop3A_294 = vector.extract_strided_slice %parallel_loop3A_209 {offsets = [13], sizes = [1], strides = [1]} : vector<16xi32> to vector<1xi32>
          %parallel_loop3A_295 = vector.extract %parallel_loop3A_294[0] : i32 from vector<1xi32>
          %parallel_loop3A_296 = arith.bitcast %parallel_loop3A_295 : i32 to f32
          %parallel_loop3A_297 = vector.broadcast %parallel_loop3A_296 : f32 to vector<16xf32>
          %parallel_loop3A_298 = vector.extract_strided_slice %parallel_loop3A_209 {offsets = [14], sizes = [1], strides = [1]} : vector<16xi32> to vector<1xi32>
          %parallel_loop3A_299 = vector.extract %parallel_loop3A_298[0] : i32 from vector<1xi32>
          %parallel_loop3A_300 = arith.bitcast %parallel_loop3A_299 : i32 to f32
          %parallel_loop3A_301 = vector.broadcast %parallel_loop3A_300 : f32 to vector<16xf32>
          %parallel_loop3A_302 = arith.constant 3 : i32
          %parallel_loop3A_303 = arith.addi %parallel_loop3A_205, %parallel_loop3A_302 : i32
          %parallel_loop3A_304 = arith.index_cast %parallel_loop3A_303 : i32 to index
          %parallel_loop3A_305 = arith.constant 0 : index
          %parallel_loop3A_306 = tpu.vector_load %arg10[%parallel_loop3A_304, %parallel_loop3A_305] {strides = array<i32>} : memref<512x32xf32, #tpu.memory_space<vmem>>, vector<16xf32>,
          %parallel_loop3A_307 = arith.constant 3 : i32
          %parallel_loop3A_308 = arith.addi %parallel_loop3A_205, %parallel_loop3A_307 : i32
          %parallel_loop3A_309 = arith.index_cast %parallel_loop3A_308 : i32 to index
          %parallel_loop3A_310 = arith.constant 16 : index
          %parallel_loop3A_311 = tpu.vector_load %arg10[%parallel_loop3A_309, %parallel_loop3A_310] {strides = array<i32>} : memref<512x32xf32, #tpu.memory_space<vmem>>, vector<16xf32>,
          %parallel_loop3A_312 = arith.addi %parallel_loop3A_293, %sub3A_58 : vector<16xi32>
          %parallel_loop3A_313 = arith.mulf %parallel_loop3A_306, %parallel_loop3A_297 : vector<16xf32>
          %parallel_loop3A_314 = arith.addf %parallel_loop3A_313, %parallel_loop3A_301 : vector<16xf32>
          tpu.vector_store_idx %arg7[%parallel_loop3A_312], %parallel_loop3A_314 {add = true} : memref<50048xf32, #tpu.memory_space<vmem>>[vector<16xi32>], vector<16xf32>,
          %parallel_loop3A_315 = arith.addi %parallel_loop3A_293, %add3A_61 : vector<16xi32>
          %parallel_loop3A_316 = arith.mulf %parallel_loop3A_311, %parallel_loop3A_297 : vector<16xf32>
          %parallel_loop3A_317 = arith.addf %parallel_loop3A_316, %parallel_loop3A_301 : vector<16xf32>
          tpu.vector_store_idx %arg7[%parallel_loop3A_315], %parallel_loop3A_317 {add = true} : memref<50048xf32, #tpu.memory_space<vmem>>[vector<16xi32>], vector<16xf32>,
        } {sc.loop_unroll_factor = 2 : i64, sc.parallel_access}
      } else {
      }
      %lt3A_150 = arith.cmpi slt, %add3A_125, %select_n3A_54 : i32
      %not3A = arith.constant true
      %not3A_151 = arith.xori %and3A_146, %not3A : i1
      %and3A_152 = arith.andi %lt3A_150, %not3A_151 : i1
      %convert_element_type3A_153 = arith.extui %and3A_152 : i1 to i32
      %cond3A_154 = arith.constant 0 : i32
      %cond3A_155 = arith.cmpi ne, %convert_element_type3A_153, %cond3A_154 : i32
      scf.if %cond3A_155 {
        %scan3A_203 = arith.constant 0 : i32
        %scan3A_204 = arith.constant 0 : i32
        %scan3A_205 = arith.constant 512 : i32
        %scan3A_206 = arith.addi %scan3A_204, %scan3A_205 : i32
        %scan3A_207 = arith.constant 1 : i32
        scf.for %scan3A_209 = %scan3A_204 to %scan3A_206 step %scan3A_207  : i32 {
          %mul3A_210 = arith.constant 4 : i32
          %mul3A_211 = arith.muli %mul3A_210, %scan3A_209 : i32
          %get3A_212 = arith.index_cast %mul3A_211 : i32 to index
          %get3A_213 = tpu.vector_load %arg12[%get3A_212] {strides = array<i32>} : memref<2064xi32, #tpu.memory_space<vmem>>, vector<16xi32>,
          %slice3A_214 = vector.extract_strided_slice %get3A_213 {offsets = [3], sizes = [1], strides = [1]} : vector<16xi32> to vector<1xi32>
          %squeeze3A_215 = vector.extract %slice3A_214[0] : i32 from vector<1xi32>
          %broadcast_in_dim3A_216 = vector.broadcast %squeeze3A_215 : i32 to vector<16xi32>
          %ge3A_217 = arith.cmpi sge, %broadcast_in_dim3A_216, %broadcast_in_dim3A_62 : vector<16xi32>
          %lt3A_218 = arith.cmpi slt, %broadcast_in_dim3A_216, %broadcast_in_dim3A_63 : vector<16xi32>
          %and3A_219 = arith.andi %ge3A_217, %lt3A_218 : vector<16xi1>
          %slice3A_220 = vector.extract_strided_slice %get3A_213 {offsets = [0], sizes = [1], strides = [1]} : vector<16xi32> to vector<1xi32>
          %squeeze3A_221 = vector.extract %slice3A_220[0] : i32 from vector<1xi32>
          %broadcast_in_dim3A_222 = vector.broadcast %squeeze3A_221 : i32 to vector<16xi32>
          %add3A_223 = arith.addi %broadcast_in_dim3A_222, %sub3A_58 : vector<16xi32>
          %select_n3A_224 = arith.select %and3A_219, %add3A_223, %add3A_66 : vector<16xi1>, vector<16xi32>
          %slice3A_225 = vector.extract_strided_slice %get3A_213 {offsets = [1], sizes = [1], strides = [1]} : vector<16xi32> to vector<1xi32>
          %squeeze3A_226 = vector.extract %slice3A_225[0] : i32 from vector<1xi32>
          %bitcast_convert_type3A = arith.bitcast %squeeze3A_226 : i32 to f32
          %broadcast_in_dim3A_227 = vector.broadcast %bitcast_convert_type3A : f32 to vector<16xf32>
          %select_n3A_228 = arith.select %and3A_219, %broadcast_in_dim3A_227, %broadcast_in_dim3A_68 : vector<16xi1>, vector<16xf32>
          %slice3A_229 = vector.extract_strided_slice %get3A_213 {offsets = [2], sizes = [1], strides = [1]} : vector<16xi32> to vector<1xi32>
          %squeeze3A_230 = vector.extract %slice3A_229[0] : i32 from vector<1xi32>
          %bitcast_convert_type3A_231 = arith.bitcast %squeeze3A_230 : i32 to f32
          %broadcast_in_dim3A_232 = vector.broadcast %bitcast_convert_type3A_231 : f32 to vector<16xf32>
          %select_n3A_233 = arith.select %and3A_219, %broadcast_in_dim3A_232, %broadcast_in_dim3A_68 : vector<16xi1>, vector<16xf32>
          %get3A_234 = arith.index_cast %scan3A_209 : i32 to index
          %get3A_235 = arith.constant 0 : index
          %get3A_236 = tpu.vector_load %arg10[%get3A_234, %get3A_235] {strides = array<i32>} : memref<512x32xf32, #tpu.memory_space<vmem>>, vector<16xf32>,
          %get3A_237 = arith.index_cast %scan3A_209 : i32 to index
          %get3A_238 = arith.constant 16 : index
          %get3A_239 = tpu.vector_load %arg10[%get3A_237, %get3A_238] {strides = array<i32>} : memref<512x32xf32, #tpu.memory_space<vmem>>, vector<16xf32>,
          %mul3A_240 = arith.mulf %get3A_236, %select_n3A_228 : vector<16xf32>
          %add3A_241 = arith.addf %mul3A_240, %select_n3A_233 : vector<16xf32>
          tpu.vector_store_idx %arg7[%select_n3A_224], %add3A_241 {add = true} : memref<50048xf32, #tpu.memory_space<vmem>>[vector<16xi32>], vector<16xf32>,
          %add3A_242 = arith.constant 16 : i32
          %add3A_243 = vector.broadcast %add3A_242 : i32 to vector<16xi32>
          %add3A_244 = arith.addi %select_n3A_224, %add3A_243 : vector<16xi32>
          %mul3A_245 = arith.mulf %get3A_239, %select_n3A_228 : vector<16xf32>
          %add3A_246 = arith.addf %mul3A_245, %select_n3A_233 : vector<16xf32>
          tpu.vector_store_idx %arg7[%add3A_244], %add3A_246 {add = true} : memref<50048xf32, #tpu.memory_space<vmem>>[vector<16xi32>], vector<16xf32>,
        }
        %scan3A_208 = arith.constant 512 : i32
      } else {
      }
      %add3A_156 = arith.constant 2 : i32
      %add3A_157 = arith.addi %add3A_125, %add3A_156 : i32
      %lt3A_158 = arith.cmpi slt, %add3A_157, %select_n3A_54 : i32
      %convert_element_type3A_159 = arith.extui %lt3A_158 : i1 to i32
      %cond3A_160 = arith.constant 0 : i32
      %cond3A_161 = arith.cmpi ne, %convert_element_type3A_159, %cond3A_160 : i32
      scf.if %cond3A_161 {
        %dma_start3A = arith.constant 0 : i32
        %dma_start3A_203 = tpu.memref_slice %arg3[%add3A_157, %dma_start3A] : memref<3125x512xi32, #tpu.memory_space<hbm>> -> memref<1x512xi32, #tpu.memory_space<hbm>>
        %dma_start3A_204 = tpu.memref_squeeze %dma_start3A_203 : memref<1x512xi32, #tpu.memory_space<hbm>> -> memref<512xi32, #tpu.memory_space<hbm>>
        %dma_start3A_205 = arith.constant 0 : i32
        %dma_start3A_206 = tpu.memref_slice %arg3[%add3A_157, %dma_start3A_205] : memref<3125x512xi32, #tpu.memory_space<hbm>> -> memref<1x512xi32, #tpu.memory_space<hbm>>
        %dma_start3A_207 = tpu.memref_squeeze %dma_start3A_206 : memref<1x512xi32, #tpu.memory_space<hbm>> -> memref<512xi32, #tpu.memory_space<hbm>>
        tpu.enqueue_dma source(%dma_start3A_207 : memref<512xi32, #tpu.memory_space<hbm>>) target(%arg8 : memref<512xi32, #tpu.memory_space<vmem>>) target_semaphore(%arg15 : memref<!tpu.dma_semaphore, #tpu.memory_space<semaphore_mem>>)
        %dma_start3A_208 = arith.constant 0 : i32
        %dma_start3A_209 = tpu.memref_slice %arg12[%dma_start3A_208] : memref<2064xi32, #tpu.memory_space<vmem>> -> memref<2048xi32, #tpu.memory_space<vmem>>
        %dma_start3A_210 = arith.constant 0 : i32
        %dma_start3A_211 = tpu.memref_slice %arg4[%add3A_157, %dma_start3A_210] : memref<3125x2048xi32, #tpu.memory_space<hbm>> -> memref<1x2048xi32, #tpu.memory_space<hbm>>
        %dma_start3A_212 = tpu.memref_squeeze %dma_start3A_211 : memref<1x2048xi32, #tpu.memory_space<hbm>> -> memref<2048xi32, #tpu.memory_space<hbm>>
        %dma_start3A_213 = arith.constant 0 : i32
        %dma_start3A_214 = tpu.memref_slice %arg12[%dma_start3A_213] : memref<2064xi32, #tpu.memory_space<vmem>> -> memref<2048xi32, #tpu.memory_space<vmem>>
        %dma_start3A_215 = arith.constant 0 : i32
        %dma_start3A_216 = tpu.memref_slice %arg4[%add3A_157, %dma_start3A_215] : memref<3125x2048xi32, #tpu.memory_space<hbm>> -> memref<1x2048xi32, #tpu.memory_space<hbm>>
        %dma_start3A_217 = tpu.memref_squeeze %dma_start3A_216 : memref<1x2048xi32, #tpu.memory_space<hbm>> -> memref<2048xi32, #tpu.memory_space<hbm>>
        tpu.enqueue_dma source(%dma_start3A_217 : memref<2048xi32, #tpu.memory_space<hbm>>) target(%dma_start3A_214 : memref<2048xi32, #tpu.memory_space<vmem>>) target_semaphore(%arg15 : memref<!tpu.dma_semaphore, #tpu.memory_space<semaphore_mem>>)
      } else {
      }
      %lt3A_162 = arith.cmpi slt, %add3A_127, %select_n3A_54 : i32
      %convert_element_type3A_163 = arith.extui %lt3A_162 : i1 to i32
      %cond3A_164 = arith.constant 0 : i32
      %cond3A_165 = arith.cmpi ne, %convert_element_type3A_163, %cond3A_164 : i32
      scf.if %cond3A_165 {
        %dma_wait3A = arith.constant 0 : i32
        %dma_wait3A_203 = arith.constant 0 : i32
        %dma_wait3A_204 = tpu.memref_slice %arg11[%dma_wait3A, %dma_wait3A_203] : memref<512x32xf32, #tpu.memory_space<vmem>> -> memref<128x32xf32, #tpu.memory_space<vmem>>
        %dma_wait3A_205 = arith.constant 0 : i32
        %dma_wait3A_206 = tpu.memref_slice %arg9[%dma_wait3A_205] : memref<512xi32, #tpu.memory_space<vmem>> -> memref<128xi32, #tpu.memory_space<vmem>>
        %dma_wait3A_207 = arith.constant 0 : i32
        %dma_wait3A_208 = arith.constant 0 : i32
        %dma_wait3A_209 = tpu.memref_slice %arg2[%dma_wait3A_207, %dma_wait3A_208] : memref<50000x32xf32, #tpu.memory_space<hbm>> -> memref<50000x32xf32, #tpu.memory_space<hbm>>
        tpu.wait_indirect_dma semaphore(%arg18 : memref<!tpu.dma_semaphore, #tpu.memory_space<semaphore_mem>>) src(%dma_wait3A_209 : memref<50000x32xf32, #tpu.memory_space<hbm>>) dst(%dma_wait3A_204 : memref<128x32xf32, #tpu.memory_space<vmem>>)
        %dma_wait3A_210 = arith.constant 128 : i32
        %dma_wait3A_211 = arith.constant 0 : i32
        %dma_wait3A_212 = tpu.memref_slice %arg11[%dma_wait3A_210, %dma_wait3A_211] : memref<512x32xf32, #tpu.memory_space<vmem>> -> memref<128x32xf32, #tpu.memory_space<vmem>>
        %dma_wait3A_213 = arith.constant 128 : i32
        %dma_wait3A_214 = tpu.memref_slice %arg9[%dma_wait3A_213] : memref<512xi32, #tpu.memory_space<vmem>> -> memref<128xi32, #tpu.memory_space<vmem>>
        %dma_wait3A_215 = arith.constant 0 : i32
        %dma_wait3A_216 = arith.constant 0 : i32
        %dma_wait3A_217 = tpu.memref_slice %arg2[%dma_wait3A_215, %dma_wait3A_216] : memref<50000x32xf32, #tpu.memory_space<hbm>> -> memref<50000x32xf32, #tpu.memory_space<hbm>>
        tpu.wait_indirect_dma semaphore(%arg18 : memref<!tpu.dma_semaphore, #tpu.memory_space<semaphore_mem>>) src(%dma_wait3A_217 : memref<50000x32xf32, #tpu.memory_space<hbm>>) dst(%dma_wait3A_212 : memref<128x32xf32, #tpu.memory_space<vmem>>)
        %dma_wait3A_218 = arith.constant 256 : i32
        %dma_wait3A_219 = arith.constant 0 : i32
        %dma_wait3A_220 = tpu.memref_slice %arg11[%dma_wait3A_218, %dma_wait3A_219] : memref<512x32xf32, #tpu.memory_space<vmem>> -> memref<128x32xf32, #tpu.memory_space<vmem>>
        %dma_wait3A_221 = arith.constant 256 : i32
        %dma_wait3A_222 = tpu.memref_slice %arg9[%dma_wait3A_221] : memref<512xi32, #tpu.memory_space<vmem>> -> memref<128xi32, #tpu.memory_space<vmem>>
        %dma_wait3A_223 = arith.constant 0 : i32
        %dma_wait3A_224 = arith.constant 0 : i32
        %dma_wait3A_225 = tpu.memref_slice %arg2[%dma_wait3A_223, %dma_wait3A_224] : memref<50000x32xf32, #tpu.memory_space<hbm>> -> memref<50000x32xf32, #tpu.memory_space<hbm>>
        tpu.wait_indirect_dma semaphore(%arg18 : memref<!tpu.dma_semaphore, #tpu.memory_space<semaphore_mem>>) src(%dma_wait3A_225 : memref<50000x32xf32, #tpu.memory_space<hbm>>) dst(%dma_wait3A_220 : memref<128x32xf32, #tpu.memory_space<vmem>>)
        %dma_wait3A_226 = arith.constant 384 : i32
        %dma_wait3A_227 = arith.constant 0 : i32
        %dma_wait3A_228 = tpu.memref_slice %arg11[%dma_wait3A_226, %dma_wait3A_227] : memref<512x32xf32, #tpu.memory_space<vmem>> -> memref<128x32xf32, #tpu.memory_space<vmem>>
        %dma_wait3A_229 = arith.constant 384 : i32
        %dma_wait3A_230 = tpu.memref_slice %arg9[%dma_wait3A_229] : memref<512xi32, #tpu.memory_space<vmem>> -> memref<128xi32, #tpu.memory_space<vmem>>
        %dma_wait3A_231 = arith.constant 0 : i32
        %dma_wait3A_232 = arith.constant 0 : i32
        %dma_wait3A_233 = tpu.memref_slice %arg2[%dma_wait3A_231, %dma_wait3A_232] : memref<50000x32xf32, #tpu.memory_space<hbm>> -> memref<50000x32xf32, #tpu.memory_space<hbm>>
        tpu.wait_indirect_dma semaphore(%arg18 : memref<!tpu.dma_semaphore, #tpu.memory_space<semaphore_mem>>) src(%dma_wait3A_233 : memref<50000x32xf32, #tpu.memory_space<hbm>>) dst(%dma_wait3A_228 : memref<128x32xf32, #tpu.memory_space<vmem>>)
      } else {
      }
      %mul3A_166 = arith.constant 512 : i32
      %mul3A_167 = arith.muli %add3A_127, %mul3A_166 : i32
      %lt3A_168 = arith.cmpi slt, %add3A_127, %select_n3A_54 : i32
      %ge3A_169 = arith.cmpi sge, %mul3A_167, %squeeze3A : i32
      %and3A_170 = arith.andi %lt3A_168, %ge3A_169 : i1
      %add3A_171 = arith.constant 512 : i32
      %add3A_172 = arith.addi %mul3A_167, %add3A_171 : i32
      %le3A_173 = arith.cmpi sle, %add3A_172, %squeeze3A_10 : i32
      %and3A_174 = arith.andi %and3A_170, %le3A_173 : i1
      %convert_element_type3A_175 = arith.extui %and3A_174 : i1 to i32
      %cond3A_176 = arith.constant 0 : i32
      %cond3A_177 = arith.cmpi ne, %convert_element_type3A_175, %cond3A_176 : i32
      scf.if %cond3A_177 {
        %parallel_loop3A = arith.constant 0 : i32
        %parallel_loop3A_203 = arith.constant 512 : i32
        %parallel_loop3A_204 = arith.constant 4 : i32
        scf.for %parallel_loop3A_205 = %parallel_loop3A to %parallel_loop3A_203 step %parallel_loop3A_204  : i32 {
          %parallel_loop3A_206 = arith.constant 4 : i32
          %parallel_loop3A_207 = arith.muli %parallel_loop3A_206, %parallel_loop3A_205 : i32
          %parallel_loop3A_208 = arith.index_cast %parallel_loop3A_207 : i32 to index
          %parallel_loop3A_209 = tpu.vector_load %arg13[%parallel_loop3A_208] {strides = array<i32>} : memref<2064xi32, #tpu.memory_space<vmem>>, vector<16xi32>,
          %parallel_loop3A_210 = vector.extract_strided_slice %parallel_loop3A_209 {offsets = [0], sizes = [1], strides = [1]} : vector<16xi32> to vector<1xi32>
          %parallel_loop3A_211 = vector.extract %parallel_loop3A_210[0] : i32 from vector<1xi32>
          %parallel_loop3A_212 = vector.broadcast %parallel_loop3A_211 : i32 to vector<16xi32>
          %parallel_loop3A_213 = vector.extract_strided_slice %parallel_loop3A_209 {offsets = [1], sizes = [1], strides = [1]} : vector<16xi32> to vector<1xi32>
          %parallel_loop3A_214 = vector.extract %parallel_loop3A_213[0] : i32 from vector<1xi32>
          %parallel_loop3A_215 = arith.bitcast %parallel_loop3A_214 : i32 to f32
          %parallel_loop3A_216 = vector.broadcast %parallel_loop3A_215 : f32 to vector<16xf32>
          %parallel_loop3A_217 = vector.extract_strided_slice %parallel_loop3A_209 {offsets = [2], sizes = [1], strides = [1]} : vector<16xi32> to vector<1xi32>
          %parallel_loop3A_218 = vector.extract %parallel_loop3A_217[0] : i32 from vector<1xi32>
          %parallel_loop3A_219 = arith.bitcast %parallel_loop3A_218 : i32 to f32
          %parallel_loop3A_220 = vector.broadcast %parallel_loop3A_219 : f32 to vector<16xf32>
          %parallel_loop3A_221 = arith.constant 0 : i32
          %parallel_loop3A_222 = arith.addi %parallel_loop3A_205, %parallel_loop3A_221 : i32
          %parallel_loop3A_223 = arith.index_cast %parallel_loop3A_222 : i32 to index
          %parallel_loop3A_224 = arith.constant 0 : index
          %parallel_loop3A_225 = tpu.vector_load %arg11[%parallel_loop3A_223, %parallel_loop3A_224] {strides = array<i32>} : memref<512x32xf32, #tpu.memory_space<vmem>>, vector<16xf32>,
          %parallel_loop3A_226 = arith.constant 0 : i32
          %parallel_loop3A_227 = arith.addi %parallel_loop3A_205, %parallel_loop3A_226 : i32
          %parallel_loop3A_228 = arith.index_cast %parallel_loop3A_227 : i32 to index
          %parallel_loop3A_229 = arith.constant 16 : index
          %parallel_loop3A_230 = tpu.vector_load %arg11[%parallel_loop3A_228, %parallel_loop3A_229] {strides = array<i32>} : memref<512x32xf32, #tpu.memory_space<vmem>>, vector<16xf32>,
          %parallel_loop3A_231 = arith.addi %parallel_loop3A_212, %sub3A_58 : vector<16xi32>
          %parallel_loop3A_232 = arith.mulf %parallel_loop3A_225, %parallel_loop3A_216 : vector<16xf32>
          %parallel_loop3A_233 = arith.addf %parallel_loop3A_232, %parallel_loop3A_220 : vector<16xf32>
          tpu.vector_store_idx %arg7[%parallel_loop3A_231], %parallel_loop3A_233 {add = true} : memref<50048xf32, #tpu.memory_space<vmem>>[vector<16xi32>], vector<16xf32>,
          %parallel_loop3A_234 = arith.addi %parallel_loop3A_212, %add3A_61 : vector<16xi32>
          %parallel_loop3A_235 = arith.mulf %parallel_loop3A_230, %parallel_loop3A_216 : vector<16xf32>
          %parallel_loop3A_236 = arith.addf %parallel_loop3A_235, %parallel_loop3A_220 : vector<16xf32>
          tpu.vector_store_idx %arg7[%parallel_loop3A_234], %parallel_loop3A_236 {add = true} : memref<50048xf32, #tpu.memory_space<vmem>>[vector<16xi32>], vector<16xf32>,
          %parallel_loop3A_237 = vector.extract_strided_slice %parallel_loop3A_209 {offsets = [4], sizes = [1], strides = [1]} : vector<16xi32> to vector<1xi32>
          %parallel_loop3A_238 = vector.extract %parallel_loop3A_237[0] : i32 from vector<1xi32>
          %parallel_loop3A_239 = vector.broadcast %parallel_loop3A_238 : i32 to vector<16xi32>
          %parallel_loop3A_240 = vector.extract_strided_slice %parallel_loop3A_209 {offsets = [5], sizes = [1], strides = [1]} : vector<16xi32> to vector<1xi32>
          %parallel_loop3A_241 = vector.extract %parallel_loop3A_240[0] : i32 from vector<1xi32>
          %parallel_loop3A_242 = arith.bitcast %parallel_loop3A_241 : i32 to f32
          %parallel_loop3A_243 = vector.broadcast %parallel_loop3A_242 : f32 to vector<16xf32>
          %parallel_loop3A_244 = vector.extract_strided_slice %parallel_loop3A_209 {offsets = [6], sizes = [1], strides = [1]} : vector<16xi32> to vector<1xi32>
          %parallel_loop3A_245 = vector.extract %parallel_loop3A_244[0] : i32 from vector<1xi32>
          %parallel_loop3A_246 = arith.bitcast %parallel_loop3A_245 : i32 to f32
          %parallel_loop3A_247 = vector.broadcast %parallel_loop3A_246 : f32 to vector<16xf32>
          %parallel_loop3A_248 = arith.constant 1 : i32
          %parallel_loop3A_249 = arith.addi %parallel_loop3A_205, %parallel_loop3A_248 : i32
          %parallel_loop3A_250 = arith.index_cast %parallel_loop3A_249 : i32 to index
          %parallel_loop3A_251 = arith.constant 0 : index
          %parallel_loop3A_252 = tpu.vector_load %arg11[%parallel_loop3A_250, %parallel_loop3A_251] {strides = array<i32>} : memref<512x32xf32, #tpu.memory_space<vmem>>, vector<16xf32>,
          %parallel_loop3A_253 = arith.constant 1 : i32
          %parallel_loop3A_254 = arith.addi %parallel_loop3A_205, %parallel_loop3A_253 : i32
          %parallel_loop3A_255 = arith.index_cast %parallel_loop3A_254 : i32 to index
          %parallel_loop3A_256 = arith.constant 16 : index
          %parallel_loop3A_257 = tpu.vector_load %arg11[%parallel_loop3A_255, %parallel_loop3A_256] {strides = array<i32>} : memref<512x32xf32, #tpu.memory_space<vmem>>, vector<16xf32>,
          %parallel_loop3A_258 = arith.addi %parallel_loop3A_239, %sub3A_58 : vector<16xi32>
          %parallel_loop3A_259 = arith.mulf %parallel_loop3A_252, %parallel_loop3A_243 : vector<16xf32>
          %parallel_loop3A_260 = arith.addf %parallel_loop3A_259, %parallel_loop3A_247 : vector<16xf32>
          tpu.vector_store_idx %arg7[%parallel_loop3A_258], %parallel_loop3A_260 {add = true} : memref<50048xf32, #tpu.memory_space<vmem>>[vector<16xi32>], vector<16xf32>,
          %parallel_loop3A_261 = arith.addi %parallel_loop3A_239, %add3A_61 : vector<16xi32>
          %parallel_loop3A_262 = arith.mulf %parallel_loop3A_257, %parallel_loop3A_243 : vector<16xf32>
          %parallel_loop3A_263 = arith.addf %parallel_loop3A_262, %parallel_loop3A_247 : vector<16xf32>
          tpu.vector_store_idx %arg7[%parallel_loop3A_261], %parallel_loop3A_263 {add = true} : memref<50048xf32, #tpu.memory_space<vmem>>[vector<16xi32>], vector<16xf32>,
          %parallel_loop3A_264 = vector.extract_strided_slice %parallel_loop3A_209 {offsets = [8], sizes = [1], strides = [1]} : vector<16xi32> to vector<1xi32>
          %parallel_loop3A_265 = vector.extract %parallel_loop3A_264[0] : i32 from vector<1xi32>
          %parallel_loop3A_266 = vector.broadcast %parallel_loop3A_265 : i32 to vector<16xi32>
          %parallel_loop3A_267 = vector.extract_strided_slice %parallel_loop3A_209 {offsets = [9], sizes = [1], strides = [1]} : vector<16xi32> to vector<1xi32>
          %parallel_loop3A_268 = vector.extract %parallel_loop3A_267[0] : i32 from vector<1xi32>
          %parallel_loop3A_269 = arith.bitcast %parallel_loop3A_268 : i32 to f32
          %parallel_loop3A_270 = vector.broadcast %parallel_loop3A_269 : f32 to vector<16xf32>
          %parallel_loop3A_271 = vector.extract_strided_slice %parallel_loop3A_209 {offsets = [10], sizes = [1], strides = [1]} : vector<16xi32> to vector<1xi32>
          %parallel_loop3A_272 = vector.extract %parallel_loop3A_271[0] : i32 from vector<1xi32>
          %parallel_loop3A_273 = arith.bitcast %parallel_loop3A_272 : i32 to f32
          %parallel_loop3A_274 = vector.broadcast %parallel_loop3A_273 : f32 to vector<16xf32>
          %parallel_loop3A_275 = arith.constant 2 : i32
          %parallel_loop3A_276 = arith.addi %parallel_loop3A_205, %parallel_loop3A_275 : i32
          %parallel_loop3A_277 = arith.index_cast %parallel_loop3A_276 : i32 to index
          %parallel_loop3A_278 = arith.constant 0 : index
          %parallel_loop3A_279 = tpu.vector_load %arg11[%parallel_loop3A_277, %parallel_loop3A_278] {strides = array<i32>} : memref<512x32xf32, #tpu.memory_space<vmem>>, vector<16xf32>,
          %parallel_loop3A_280 = arith.constant 2 : i32
          %parallel_loop3A_281 = arith.addi %parallel_loop3A_205, %parallel_loop3A_280 : i32
          %parallel_loop3A_282 = arith.index_cast %parallel_loop3A_281 : i32 to index
          %parallel_loop3A_283 = arith.constant 16 : index
          %parallel_loop3A_284 = tpu.vector_load %arg11[%parallel_loop3A_282, %parallel_loop3A_283] {strides = array<i32>} : memref<512x32xf32, #tpu.memory_space<vmem>>, vector<16xf32>,
          %parallel_loop3A_285 = arith.addi %parallel_loop3A_266, %sub3A_58 : vector<16xi32>
          %parallel_loop3A_286 = arith.mulf %parallel_loop3A_279, %parallel_loop3A_270 : vector<16xf32>
          %parallel_loop3A_287 = arith.addf %parallel_loop3A_286, %parallel_loop3A_274 : vector<16xf32>
          tpu.vector_store_idx %arg7[%parallel_loop3A_285], %parallel_loop3A_287 {add = true} : memref<50048xf32, #tpu.memory_space<vmem>>[vector<16xi32>], vector<16xf32>,
          %parallel_loop3A_288 = arith.addi %parallel_loop3A_266, %add3A_61 : vector<16xi32>
          %parallel_loop3A_289 = arith.mulf %parallel_loop3A_284, %parallel_loop3A_270 : vector<16xf32>
          %parallel_loop3A_290 = arith.addf %parallel_loop3A_289, %parallel_loop3A_274 : vector<16xf32>
          tpu.vector_store_idx %arg7[%parallel_loop3A_288], %parallel_loop3A_290 {add = true} : memref<50048xf32, #tpu.memory_space<vmem>>[vector<16xi32>], vector<16xf32>,
          %parallel_loop3A_291 = vector.extract_strided_slice %parallel_loop3A_209 {offsets = [12], sizes = [1], strides = [1]} : vector<16xi32> to vector<1xi32>
          %parallel_loop3A_292 = vector.extract %parallel_loop3A_291[0] : i32 from vector<1xi32>
          %parallel_loop3A_293 = vector.broadcast %parallel_loop3A_292 : i32 to vector<16xi32>
          %parallel_loop3A_294 = vector.extract_strided_slice %parallel_loop3A_209 {offsets = [13], sizes = [1], strides = [1]} : vector<16xi32> to vector<1xi32>
          %parallel_loop3A_295 = vector.extract %parallel_loop3A_294[0] : i32 from vector<1xi32>
          %parallel_loop3A_296 = arith.bitcast %parallel_loop3A_295 : i32 to f32
          %parallel_loop3A_297 = vector.broadcast %parallel_loop3A_296 : f32 to vector<16xf32>
          %parallel_loop3A_298 = vector.extract_strided_slice %parallel_loop3A_209 {offsets = [14], sizes = [1], strides = [1]} : vector<16xi32> to vector<1xi32>
          %parallel_loop3A_299 = vector.extract %parallel_loop3A_298[0] : i32 from vector<1xi32>
          %parallel_loop3A_300 = arith.bitcast %parallel_loop3A_299 : i32 to f32
          %parallel_loop3A_301 = vector.broadcast %parallel_loop3A_300 : f32 to vector<16xf32>
          %parallel_loop3A_302 = arith.constant 3 : i32
          %parallel_loop3A_303 = arith.addi %parallel_loop3A_205, %parallel_loop3A_302 : i32
          %parallel_loop3A_304 = arith.index_cast %parallel_loop3A_303 : i32 to index
          %parallel_loop3A_305 = arith.constant 0 : index
          %parallel_loop3A_306 = tpu.vector_load %arg11[%parallel_loop3A_304, %parallel_loop3A_305] {strides = array<i32>} : memref<512x32xf32, #tpu.memory_space<vmem>>, vector<16xf32>,
          %parallel_loop3A_307 = arith.constant 3 : i32
          %parallel_loop3A_308 = arith.addi %parallel_loop3A_205, %parallel_loop3A_307 : i32
          %parallel_loop3A_309 = arith.index_cast %parallel_loop3A_308 : i32 to index
          %parallel_loop3A_310 = arith.constant 16 : index
          %parallel_loop3A_311 = tpu.vector_load %arg11[%parallel_loop3A_309, %parallel_loop3A_310] {strides = array<i32>} : memref<512x32xf32, #tpu.memory_space<vmem>>, vector<16xf32>,
          %parallel_loop3A_312 = arith.addi %parallel_loop3A_293, %sub3A_58 : vector<16xi32>
          %parallel_loop3A_313 = arith.mulf %parallel_loop3A_306, %parallel_loop3A_297 : vector<16xf32>
          %parallel_loop3A_314 = arith.addf %parallel_loop3A_313, %parallel_loop3A_301 : vector<16xf32>
          tpu.vector_store_idx %arg7[%parallel_loop3A_312], %parallel_loop3A_314 {add = true} : memref<50048xf32, #tpu.memory_space<vmem>>[vector<16xi32>], vector<16xf32>,
          %parallel_loop3A_315 = arith.addi %parallel_loop3A_293, %add3A_61 : vector<16xi32>
          %parallel_loop3A_316 = arith.mulf %parallel_loop3A_311, %parallel_loop3A_297 : vector<16xf32>
          %parallel_loop3A_317 = arith.addf %parallel_loop3A_316, %parallel_loop3A_301 : vector<16xf32>
          tpu.vector_store_idx %arg7[%parallel_loop3A_315], %parallel_loop3A_317 {add = true} : memref<50048xf32, #tpu.memory_space<vmem>>[vector<16xi32>], vector<16xf32>,
        } {sc.loop_unroll_factor = 2 : i64, sc.parallel_access}
      } else {
      }
      %lt3A_178 = arith.cmpi slt, %add3A_127, %select_n3A_54 : i32
      %not3A_179 = arith.constant true
      %not3A_180 = arith.xori %and3A_174, %not3A_179 : i1
      %and3A_181 = arith.andi %lt3A_178, %not3A_180 : i1
      %convert_element_type3A_182 = arith.extui %and3A_181 : i1 to i32
      %cond3A_183 = arith.constant 0 : i32
      %cond3A_184 = arith.cmpi ne, %convert_element_type3A_182, %cond3A_183 : i32
      scf.if %cond3A_184 {
        %scan3A_203 = arith.constant 0 : i32
        %scan3A_204 = arith.constant 0 : i32
        %scan3A_205 = arith.constant 512 : i32
        %scan3A_206 = arith.addi %scan3A_204, %scan3A_205 : i32
        %scan3A_207 = arith.constant 1 : i32
        scf.for %scan3A_209 = %scan3A_204 to %scan3A_206 step %scan3A_207  : i32 {
          %mul3A_210 = arith.constant 4 : i32
          %mul3A_211 = arith.muli %mul3A_210, %scan3A_209 : i32
          %get3A_212 = arith.index_cast %mul3A_211 : i32 to index
          %get3A_213 = tpu.vector_load %arg13[%get3A_212] {strides = array<i32>} : memref<2064xi32, #tpu.memory_space<vmem>>, vector<16xi32>,
          %slice3A_214 = vector.extract_strided_slice %get3A_213 {offsets = [3], sizes = [1], strides = [1]} : vector<16xi32> to vector<1xi32>
          %squeeze3A_215 = vector.extract %slice3A_214[0] : i32 from vector<1xi32>
          %broadcast_in_dim3A_216 = vector.broadcast %squeeze3A_215 : i32 to vector<16xi32>
          %ge3A_217 = arith.cmpi sge, %broadcast_in_dim3A_216, %broadcast_in_dim3A_62 : vector<16xi32>
          %lt3A_218 = arith.cmpi slt, %broadcast_in_dim3A_216, %broadcast_in_dim3A_63 : vector<16xi32>
          %and3A_219 = arith.andi %ge3A_217, %lt3A_218 : vector<16xi1>
          %slice3A_220 = vector.extract_strided_slice %get3A_213 {offsets = [0], sizes = [1], strides = [1]} : vector<16xi32> to vector<1xi32>
          %squeeze3A_221 = vector.extract %slice3A_220[0] : i32 from vector<1xi32>
          %broadcast_in_dim3A_222 = vector.broadcast %squeeze3A_221 : i32 to vector<16xi32>
          %add3A_223 = arith.addi %broadcast_in_dim3A_222, %sub3A_58 : vector<16xi32>
          %select_n3A_224 = arith.select %and3A_219, %add3A_223, %add3A_66 : vector<16xi1>, vector<16xi32>
          %slice3A_225 = vector.extract_strided_slice %get3A_213 {offsets = [1], sizes = [1], strides = [1]} : vector<16xi32> to vector<1xi32>
          %squeeze3A_226 = vector.extract %slice3A_225[0] : i32 from vector<1xi32>
          %bitcast_convert_type3A = arith.bitcast %squeeze3A_226 : i32 to f32
          %broadcast_in_dim3A_227 = vector.broadcast %bitcast_convert_type3A : f32 to vector<16xf32>
          %select_n3A_228 = arith.select %and3A_219, %broadcast_in_dim3A_227, %broadcast_in_dim3A_68 : vector<16xi1>, vector<16xf32>
          %slice3A_229 = vector.extract_strided_slice %get3A_213 {offsets = [2], sizes = [1], strides = [1]} : vector<16xi32> to vector<1xi32>
          %squeeze3A_230 = vector.extract %slice3A_229[0] : i32 from vector<1xi32>
          %bitcast_convert_type3A_231 = arith.bitcast %squeeze3A_230 : i32 to f32
          %broadcast_in_dim3A_232 = vector.broadcast %bitcast_convert_type3A_231 : f32 to vector<16xf32>
          %select_n3A_233 = arith.select %and3A_219, %broadcast_in_dim3A_232, %broadcast_in_dim3A_68 : vector<16xi1>, vector<16xf32>
          %get3A_234 = arith.index_cast %scan3A_209 : i32 to index
          %get3A_235 = arith.constant 0 : index
          %get3A_236 = tpu.vector_load %arg11[%get3A_234, %get3A_235] {strides = array<i32>} : memref<512x32xf32, #tpu.memory_space<vmem>>, vector<16xf32>,
          %get3A_237 = arith.index_cast %scan3A_209 : i32 to index
          %get3A_238 = arith.constant 16 : index
          %get3A_239 = tpu.vector_load %arg11[%get3A_237, %get3A_238] {strides = array<i32>} : memref<512x32xf32, #tpu.memory_space<vmem>>, vector<16xf32>,
          %mul3A_240 = arith.mulf %get3A_236, %select_n3A_228 : vector<16xf32>
          %add3A_241 = arith.addf %mul3A_240, %select_n3A_233 : vector<16xf32>
          tpu.vector_store_idx %arg7[%select_n3A_224], %add3A_241 {add = true} : memref<50048xf32, #tpu.memory_space<vmem>>[vector<16xi32>], vector<16xf32>,
          %add3A_242 = arith.constant 16 : i32
          %add3A_243 = vector.broadcast %add3A_242 : i32 to vector<16xi32>
          %add3A_244 = arith.addi %select_n3A_224, %add3A_243 : vector<16xi32>
          %mul3A_245 = arith.mulf %get3A_239, %select_n3A_228 : vector<16xf32>
          %add3A_246 = arith.addf %mul3A_245, %select_n3A_233 : vector<16xf32>
          tpu.vector_store_idx %arg7[%add3A_244], %add3A_246 {add = true} : memref<50048xf32, #tpu.memory_space<vmem>>[vector<16xi32>], vector<16xf32>,
        }
        %scan3A_208 = arith.constant 512 : i32
      } else {
      }
      %add3A_185 = arith.constant 2 : i32
      %add3A_186 = arith.addi %add3A_125, %add3A_185 : i32
      %lt3A_187 = arith.cmpi slt, %add3A_186, %select_n3A_54 : i32
      %convert_element_type3A_188 = arith.extui %lt3A_187 : i1 to i32
      %cond3A_189 = arith.constant 0 : i32
      %cond3A_190 = arith.cmpi ne, %convert_element_type3A_188, %cond3A_189 : i32
      scf.if %cond3A_190 {
        %dma_wait3A = arith.constant 0 : i32
        %dma_wait3A_203 = tpu.memref_slice %arg3[%add3A_186, %dma_wait3A] : memref<3125x512xi32, #tpu.memory_space<hbm>> -> memref<1x512xi32, #tpu.memory_space<hbm>>
        %dma_wait3A_204 = tpu.memref_squeeze %dma_wait3A_203 : memref<1x512xi32, #tpu.memory_space<hbm>> -> memref<512xi32, #tpu.memory_space<hbm>>
        %dma_wait3A_205 = arith.constant 0 : i32
        %dma_wait3A_206 = tpu.memref_slice %arg3[%add3A_186, %dma_wait3A_205] : memref<3125x512xi32, #tpu.memory_space<hbm>> -> memref<1x512xi32, #tpu.memory_space<hbm>>
        %dma_wait3A_207 = tpu.memref_squeeze %dma_wait3A_206 : memref<1x512xi32, #tpu.memory_space<hbm>> -> memref<512xi32, #tpu.memory_space<hbm>>
        tpu.wait_dma2 semaphore(%arg15 : memref<!tpu.dma_semaphore, #tpu.memory_space<semaphore_mem>>) src(%dma_wait3A_207 : memref<512xi32, #tpu.memory_space<hbm>>) dst(%arg8 : memref<512xi32, #tpu.memory_space<vmem>>)
        %dma_wait3A_208 = arith.constant 0 : i32
        %dma_wait3A_209 = tpu.memref_slice %arg12[%dma_wait3A_208] : memref<2064xi32, #tpu.memory_space<vmem>> -> memref<2048xi32, #tpu.memory_space<vmem>>
        %dma_wait3A_210 = arith.constant 0 : i32
        %dma_wait3A_211 = tpu.memref_slice %arg4[%add3A_186, %dma_wait3A_210] : memref<3125x2048xi32, #tpu.memory_space<hbm>> -> memref<1x2048xi32, #tpu.memory_space<hbm>>
        %dma_wait3A_212 = tpu.memref_squeeze %dma_wait3A_211 : memref<1x2048xi32, #tpu.memory_space<hbm>> -> memref<2048xi32, #tpu.memory_space<hbm>>
        %dma_wait3A_213 = arith.constant 0 : i32
        %dma_wait3A_214 = tpu.memref_slice %arg12[%dma_wait3A_213] : memref<2064xi32, #tpu.memory_space<vmem>> -> memref<2048xi32, #tpu.memory_space<vmem>>
        %dma_wait3A_215 = arith.constant 0 : i32
        %dma_wait3A_216 = tpu.memref_slice %arg4[%add3A_186, %dma_wait3A_215] : memref<3125x2048xi32, #tpu.memory_space<hbm>> -> memref<1x2048xi32, #tpu.memory_space<hbm>>
        %dma_wait3A_217 = tpu.memref_squeeze %dma_wait3A_216 : memref<1x2048xi32, #tpu.memory_space<hbm>> -> memref<2048xi32, #tpu.memory_space<hbm>>
        tpu.wait_dma2 semaphore(%arg15 : memref<!tpu.dma_semaphore, #tpu.memory_space<semaphore_mem>>) src(%dma_wait3A_217 : memref<2048xi32, #tpu.memory_space<hbm>>) dst(%dma_wait3A_214 : memref<2048xi32, #tpu.memory_space<vmem>>)
      } else {
      }
      %add3A_191 = arith.constant 2 : i32
      %add3A_192 = arith.addi %add3A_125, %add3A_191 : i32
      %lt3A_193 = arith.cmpi slt, %add3A_192, %select_n3A_54 : i32
      %convert_element_type3A_194 = arith.extui %lt3A_193 : i1 to i32
      %cond3A_195 = arith.constant 0 : i32
      %cond3A_196 = arith.cmpi ne, %convert_element_type3A_194, %cond3A_195 : i32
      scf.if %cond3A_196 {
        %dma_start3A = arith.constant 0 : i32
        %dma_start3A_203 = arith.constant 0 : i32
        %dma_start3A_204 = tpu.memref_slice %arg10[%dma_start3A, %dma_start3A_203] : memref<512x32xf32, #tpu.memory_space<vmem>> -> memref<128x32xf32, #tpu.memory_space<vmem>>
        %dma_start3A_205 = arith.constant 0 : i32
        %dma_start3A_206 = tpu.memref_slice %arg8[%dma_start3A_205] : memref<512xi32, #tpu.memory_space<vmem>> -> memref<128xi32, #tpu.memory_space<vmem>>
        %dma_start3A_207 = arith.constant 0 : i32
        %dma_start3A_208 = arith.constant 0 : i32
        %dma_start3A_209 = tpu.memref_slice %arg2[%dma_start3A_207, %dma_start3A_208] : memref<50000x32xf32, #tpu.memory_space<hbm>> -> memref<50000x32xf32, #tpu.memory_space<hbm>>
        tpu.enqueue_indirect_dma source(%dma_start3A_209 : memref<50000x32xf32, #tpu.memory_space<hbm>>) target(%dma_start3A_204 : memref<128x32xf32, #tpu.memory_space<vmem>>) offsets(%dma_start3A_206 : memref<128xi32, #tpu.memory_space<vmem>>) semaphore(%arg17 : memref<!tpu.dma_semaphore, #tpu.memory_space<semaphore_mem>>)
        %dma_start3A_210 = arith.constant 128 : i32
        %dma_start3A_211 = arith.constant 0 : i32
        %dma_start3A_212 = tpu.memref_slice %arg10[%dma_start3A_210, %dma_start3A_211] : memref<512x32xf32, #tpu.memory_space<vmem>> -> memref<128x32xf32, #tpu.memory_space<vmem>>
        %dma_start3A_213 = arith.constant 128 : i32
        %dma_start3A_214 = tpu.memref_slice %arg8[%dma_start3A_213] : memref<512xi32, #tpu.memory_space<vmem>> -> memref<128xi32, #tpu.memory_space<vmem>>
        %dma_start3A_215 = arith.constant 0 : i32
        %dma_start3A_216 = arith.constant 0 : i32
        %dma_start3A_217 = tpu.memref_slice %arg2[%dma_start3A_215, %dma_start3A_216] : memref<50000x32xf32, #tpu.memory_space<hbm>> -> memref<50000x32xf32, #tpu.memory_space<hbm>>
        tpu.enqueue_indirect_dma source(%dma_start3A_217 : memref<50000x32xf32, #tpu.memory_space<hbm>>) target(%dma_start3A_212 : memref<128x32xf32, #tpu.memory_space<vmem>>) offsets(%dma_start3A_214 : memref<128xi32, #tpu.memory_space<vmem>>) semaphore(%arg17 : memref<!tpu.dma_semaphore, #tpu.memory_space<semaphore_mem>>)
        %dma_start3A_218 = arith.constant 256 : i32
        %dma_start3A_219 = arith.constant 0 : i32
        %dma_start3A_220 = tpu.memref_slice %arg10[%dma_start3A_218, %dma_start3A_219] : memref<512x32xf32, #tpu.memory_space<vmem>> -> memref<128x32xf32, #tpu.memory_space<vmem>>
        %dma_start3A_221 = arith.constant 256 : i32
        %dma_start3A_222 = tpu.memref_slice %arg8[%dma_start3A_221] : memref<512xi32, #tpu.memory_space<vmem>> -> memref<128xi32, #tpu.memory_space<vmem>>
        %dma_start3A_223 = arith.constant 0 : i32
        %dma_start3A_224 = arith.constant 0 : i32
        %dma_start3A_225 = tpu.memref_slice %arg2[%dma_start3A_223, %dma_start3A_224] : memref<50000x32xf32, #tpu.memory_space<hbm>> -> memref<50000x32xf32, #tpu.memory_space<hbm>>
        tpu.enqueue_indirect_dma source(%dma_start3A_225 : memref<50000x32xf32, #tpu.memory_space<hbm>>) target(%dma_start3A_220 : memref<128x32xf32, #tpu.memory_space<vmem>>) offsets(%dma_start3A_222 : memref<128xi32, #tpu.memory_space<vmem>>) semaphore(%arg17 : memref<!tpu.dma_semaphore, #tpu.memory_space<semaphore_mem>>)
        %dma_start3A_226 = arith.constant 384 : i32
        %dma_start3A_227 = arith.constant 0 : i32
        %dma_start3A_228 = tpu.memref_slice %arg10[%dma_start3A_226, %dma_start3A_227] : memref<512x32xf32, #tpu.memory_space<vmem>> -> memref<128x32xf32, #tpu.memory_space<vmem>>
        %dma_start3A_229 = arith.constant 384 : i32
        %dma_start3A_230 = tpu.memref_slice %arg8[%dma_start3A_229] : memref<512xi32, #tpu.memory_space<vmem>> -> memref<128xi32, #tpu.memory_space<vmem>>
        %dma_start3A_231 = arith.constant 0 : i32
        %dma_start3A_232 = arith.constant 0 : i32
        %dma_start3A_233 = tpu.memref_slice %arg2[%dma_start3A_231, %dma_start3A_232] : memref<50000x32xf32, #tpu.memory_space<hbm>> -> memref<50000x32xf32, #tpu.memory_space<hbm>>
        tpu.enqueue_indirect_dma source(%dma_start3A_233 : memref<50000x32xf32, #tpu.memory_space<hbm>>) target(%dma_start3A_228 : memref<128x32xf32, #tpu.memory_space<vmem>>) offsets(%dma_start3A_230 : memref<128xi32, #tpu.memory_space<vmem>>) semaphore(%arg17 : memref<!tpu.dma_semaphore, #tpu.memory_space<semaphore_mem>>)
      } else {
      }
      %add3A_197 = arith.constant 2 : i32
      %add3A_198 = arith.addi %add3A_127, %add3A_197 : i32
      %lt3A_199 = arith.cmpi slt, %add3A_198, %select_n3A_54 : i32
      %convert_element_type3A_200 = arith.extui %lt3A_199 : i1 to i32
      %cond3A_201 = arith.constant 0 : i32
      %cond3A_202 = arith.cmpi ne, %convert_element_type3A_200, %cond3A_201 : i32
      scf.if %cond3A_202 {
        %dma_start3A = arith.constant 0 : i32
        %dma_start3A_203 = tpu.memref_slice %arg3[%add3A_198, %dma_start3A] : memref<3125x512xi32, #tpu.memory_space<hbm>> -> memref<1x512xi32, #tpu.memory_space<hbm>>
        %dma_start3A_204 = tpu.memref_squeeze %dma_start3A_203 : memref<1x512xi32, #tpu.memory_space<hbm>> -> memref<512xi32, #tpu.memory_space<hbm>>
        %dma_start3A_205 = arith.constant 0 : i32
        %dma_start3A_206 = tpu.memref_slice %arg3[%add3A_198, %dma_start3A_205] : memref<3125x512xi32, #tpu.memory_space<hbm>> -> memref<1x512xi32, #tpu.memory_space<hbm>>
        %dma_start3A_207 = tpu.memref_squeeze %dma_start3A_206 : memref<1x512xi32, #tpu.memory_space<hbm>> -> memref<512xi32, #tpu.memory_space<hbm>>
        tpu.enqueue_dma source(%dma_start3A_207 : memref<512xi32, #tpu.memory_space<hbm>>) target(%arg9 : memref<512xi32, #tpu.memory_space<vmem>>) target_semaphore(%arg16 : memref<!tpu.dma_semaphore, #tpu.memory_space<semaphore_mem>>)
        %dma_start3A_208 = arith.constant 0 : i32
        %dma_start3A_209 = tpu.memref_slice %arg13[%dma_start3A_208] : memref<2064xi32, #tpu.memory_space<vmem>> -> memref<2048xi32, #tpu.memory_space<vmem>>
        %dma_start3A_210 = arith.constant 0 : i32
        %dma_start3A_211 = tpu.memref_slice %arg4[%add3A_198, %dma_start3A_210] : memref<3125x2048xi32, #tpu.memory_space<hbm>> -> memref<1x2048xi32, #tpu.memory_space<hbm>>
        %dma_start3A_212 = tpu.memref_squeeze %dma_start3A_211 : memref<1x2048xi32, #tpu.memory_space<hbm>> -> memref<2048xi32, #tpu.memory_space<hbm>>
        %dma_start3A_213 = arith.constant 0 : i32
        %dma_start3A_214 = tpu.memref_slice %arg13[%dma_start3A_213] : memref<2064xi32, #tpu.memory_space<vmem>> -> memref<2048xi32, #tpu.memory_space<vmem>>
        %dma_start3A_215 = arith.constant 0 : i32
        %dma_start3A_216 = tpu.memref_slice %arg4[%add3A_198, %dma_start3A_215] : memref<3125x2048xi32, #tpu.memory_space<hbm>> -> memref<1x2048xi32, #tpu.memory_space<hbm>>
        %dma_start3A_217 = tpu.memref_squeeze %dma_start3A_216 : memref<1x2048xi32, #tpu.memory_space<hbm>> -> memref<2048xi32, #tpu.memory_space<hbm>>
        tpu.enqueue_dma source(%dma_start3A_217 : memref<2048xi32, #tpu.memory_space<hbm>>) target(%dma_start3A_214 : memref<2048xi32, #tpu.memory_space<vmem>>) target_semaphore(%arg16 : memref<!tpu.dma_semaphore, #tpu.memory_space<semaphore_mem>>)
      } else {
      }
    }
    %mul3A_120 = arith.constant 32 : i32
    %mul3A_121 = arith.muli %mul3A_2, %mul3A_120 : i32
    "tpu.region"() ({
      %run_scoped3A = tpu.sem_alloc : memref<!tpu.dma_semaphore, #tpu.memory_space<semaphore_mem>>
      %dma_start3A = arith.constant 0 : i32
      %dma_start3A_122 = tpu.memref_slice %arg7[%dma_start3A] : memref<50048xf32, #tpu.memory_space<vmem>> -> memref<50016xf32, #tpu.memory_space<vmem>>
      %dma_start3A_123 = tpu.memref_slice %arg6[%mul3A_121] : memref<1600512xf32, #tpu.memory_space<hbm>> -> memref<50016xf32, #tpu.memory_space<hbm>>
      %dma_start3A_124 = tpu.memref_slice %arg6[%mul3A_121] : memref<1600512xf32, #tpu.memory_space<hbm>> -> memref<50016xf32, #tpu.memory_space<hbm>>
      %dma_start3A_125 = arith.constant 0 : i32
      %dma_start3A_126 = tpu.memref_slice %arg7[%dma_start3A_125] : memref<50048xf32, #tpu.memory_space<vmem>> -> memref<50016xf32, #tpu.memory_space<vmem>>
      tpu.enqueue_dma source(%dma_start3A_126 : memref<50016xf32, #tpu.memory_space<vmem>>) target(%dma_start3A_124 : memref<50016xf32, #tpu.memory_space<hbm>>) target_semaphore(%run_scoped3A : memref<!tpu.dma_semaphore, #tpu.memory_space<semaphore_mem>>)
      %dma_wait3A = arith.constant 0 : i32
      %dma_wait3A_127 = tpu.memref_slice %arg7[%dma_wait3A] : memref<50048xf32, #tpu.memory_space<vmem>> -> memref<50016xf32, #tpu.memory_space<vmem>>
      %dma_wait3A_128 = tpu.memref_slice %arg6[%mul3A_121] : memref<1600512xf32, #tpu.memory_space<hbm>> -> memref<50016xf32, #tpu.memory_space<hbm>>
      %dma_wait3A_129 = tpu.memref_slice %arg6[%mul3A_121] : memref<1600512xf32, #tpu.memory_space<hbm>> -> memref<50016xf32, #tpu.memory_space<hbm>>
      %dma_wait3A_130 = arith.constant 0 : i32
      %dma_wait3A_131 = tpu.memref_slice %arg7[%dma_wait3A_130] : memref<50048xf32, #tpu.memory_space<vmem>> -> memref<50016xf32, #tpu.memory_space<vmem>>
      tpu.wait_dma2 semaphore(%run_scoped3A : memref<!tpu.dma_semaphore, #tpu.memory_space<semaphore_mem>>) src(%dma_wait3A_131 : memref<50016xf32, #tpu.memory_space<vmem>>) dst(%dma_wait3A_129 : memref<50016xf32, #tpu.memory_space<hbm>>)
      tpu.yield
    }) : () -> ()
    return
  }
}

</mosaic_0001>

<sc_bundles>
// kernel: _sc_run.3.cloned.1.call-start
scs
__scs_entry_jumppad:
0x0: {  	(pc) =	sbr.rel $0x88, $3  }
0x1: {  	(tag) =	ssettag $0x0;
	lr =	simm.s32 $0x1  }
0x2: {  	[smem:$0x3F9D] =	sst lr;
	_ =	strace $0xD0000000  }
0x3: {  	_ = 	snop  }
0x4: {  	_ = 	snop  }
0x5: {  	_ = 	snop  }
0x6: {  	_ = 	snop  }
0x7: {  	_ = 	snop  }
__scs_overlays_trampoline_lowered:
0x8: {  	[smem:$0x3FAC] =	sst s0  }
0x9: {  	[smem:$0x3FAD] =	sst s1  }
0xa: {  	[smem:$0x3FAE] =	sst s2  }
0xb: {  	[smem:$0x3FAF] =	sst s3  }
0xc: {  	[smem:$0x3FB0] =	sst s4  }
0xd: {  	[smem:$0x3FB1] =	sst s5  }
0xe: {  	[smem:$0x3FB2] =	sst s6  }
0xf: {  	[smem:$0x3FB3] =	sst s7  }
0x10: {  	[smem:$0x3FB4] =	sst s8  }
0x11: {  	[smem:$0x3FB5] =	sst s9;
	s0 =	simm.s32 @!p0 $0x0  }
0x12: {  	s1 =	sld [smem:$0x3F9B];
	s0 =	simm.s32 @p0 $0x1  }
0x13: {  	[smem:$0x3FB6] =	sst s0;
	s0 =	simm.s32 @!p1 $0x0  }
0x14: {  	s2 =	sld [smem:$0x3F9A];
	s0 =	simm.s32 @p1 $0x1  }
0x15: {  	[smem:$0x3FB7] =	sst s0;
	s0 =	simm.s32 @!p2 $0x0  }
0x16: {  	s3 =	sld [smem:$0x3FDB];
	s0 =	simm.s32 @p2 $0x1  }
0x17: {  	s4 =	simm.s32 $0x1BF5;
	[smem:$0x3FB9] =	sst s0  }
0x18: {  	s0 =	sld [smem:$0x3F9C];
	_ =	swait.ge [sflag:s4], $0x0  }
0x19: {  	s7 =	sld [smem:$0x3F9D]  }
0x1a: {  	s8 =	sadd.s32 $0xFFFFE003, lr  }
0x1b: {  	s9 =	sadd.s32 $0xFFFFFEF7, lr;
	s5 =	simm.s32 $0xFFFFFFFF;
	p2 =	slt.u32 s8, $0xFFFFF086  }
0x1c: {  	p1 =	slt.u32 s9, $0xF7A;
	s5 =	simm.s32 @!p2 $0x0  }
0x1d: {  	s5 =	simm.s32 @p1 $0x1;
	p0 =	seq.s32 s7, s2  }
0x1e: {  	s7 =	smul.u32 @!p0 $0xF7A, s2;
	p2 =	seq.s32 @!p0 s5, $0x0  }
0x1f: {  	s9 =	smul.u32 $0xF7A, s1;
	s8 =	simm.s32 @!p0 $0x1BF5;
	p2 =	por !p2, p0  }
0x20: {  	[sflag:s8] =	ssyncset.s32 @!p0 $0xFFFFF086;
	s6 =	sadd.s32 @!p0 s3, s7;
	s7 =	simm.s32 @!p0 $0x108  }
0x21: {  	s3 =	sadd.s32 s3, s9;
	s6 =	sadd.s32 @!p0 $0x88, s6;
	s7 =	simm.s32 @p2 $0x1082  }
0x22: {  	[simem:s7], [sflag:s8] =	dma.local @!p0 [hbm:s6], $0xF7A  }
0x23: {  	s9 =	sor.u32 $0xD0000000, s2;
	s6 =	simm.s32 $0x108;
	_ =	swait.ge @!p0 [sflag:s8], $0x0  }
0x24: {  	s3 =	sadd.s32 $0x88, s3;
	s6 =	simm.s32 @!p1 $0x1082;
	[sflag:s4] =	ssyncset.s32 $0xFFFFF086  }
0x25: {  	[simem:s6], [sflag:s4] =	dma.local [hbm:s3], $0xF7A  }
0x26: {  	[smem:$0x3F9D] =	sst s1;
	(tag) =	ssettag s2;
	_ =	strace s9  }
0x27: {  	s1 =	sld [smem:$0x3FAD]  }
0x28: {  	s2 =	sld [smem:$0x3FAE]  }
0x29: {  	s4 =	sld [smem:$0x3FB0]  }
0x2a: {  	p0 =	seq.s32 s5, $0x0;
	s5 =	sld [smem:$0x3FB1]  }
0x2b: {  	s6 =	sld [smem:$0x3FB2]  }
0x2c: {  	s7 =	sld [smem:$0x3FB3]  }
0x2d: {  	s3 =	simm.s32 $0x108;
	s8 =	sld [smem:$0x3FB4]  }
0x2e: {  	s3 =	simm.s32 @!p0 $0x1082;
	s9 =	sld [smem:$0x3FB5]  }
0x2f: {  	lr =	sadd.s32 s0, s3;
	s0 =	sld [smem:$0x3FAC]  }
0x30: {  	s3 =	sld [smem:$0x3FAF]  }
0x31: {  	[smem:$0x3FB8] =	sst s10  }
0x32: {  	s10 =	sld [smem:$0x3FB6];
	_ =	sdelay $0x3  }
0x33: {  	p0 =	seq.s32 s10, $0x1;
	s10 =	sld [smem:$0x3FB8];
	_ =	sdelay $0x3  }
0x34: {  	[smem:$0x3FB8] =	sst s10  }
0x35: {  	s10 =	sld [smem:$0x3FB7];
	_ =	sdelay $0x3  }
0x36: {  	p1 =	seq.s32 s10, $0x1;
	s10 =	sld [smem:$0x3FB8];
	_ =	sdelay $0x3  }
0x37: {  	[smem:$0x3FB8] =	sst s10  }
0x38: {  	s10 =	sld [smem:$0x3FB9]  }
0x39: {  	_ = 	snop;
	(pc) =	sbr.ind lr, $3  }
0x3a: {  	_ = 	snop  }
0x3b: {  	_ = 	snop  }
0x3c: {  	p2 =	seq.s32 s10, $0x1;
	s10 =	sld [smem:$0x3FB8]  }
0x3d: {  	_ =	shalt  }
0x3e: {  	_ =	shalt  }
0x3f: {  	_ =	shalt  }
0x40: {  	_ =	shalt  }
0x41: {  	_ =	shalt  }
0x42: {  	_ =	shalt  }
0x43: {  	_ =	shalt  }
0x44: {  	_ =	shalt  }
0x45: {  	_ =	shalt  }
0x46: {  	_ =	shalt  }
0x47: {  	_ =	shalt  }
0x48: {  	_ =	shalt  }
0x49: {  	_ =	shalt  }
0x4a: {  	_ =	shalt  }
0x4b: {  	_ =	shalt  }
0x4c: {  	_ =	shalt  }
0x4d: {  	_ =	shalt  }
0x4e: {  	_ =	shalt  }
0x4f: {  	_ =	shalt  }
0x50: {  	_ =	shalt  }
0x51: {  	_ =	shalt  }
0x52: {  	_ =	shalt  }
0x53: {  	_ =	shalt  }
0x54: {  	_ =	shalt  }
0x55: {  	_ =	shalt  }
0x56: {  	_ =	shalt  }
0x57: {  	_ =	shalt  }
0x58: {  	_ =	shalt  }
0x59: {  	_ =	shalt  }
0x5a: {  	_ =	shalt  }
0x5b: {  	_ =	shalt  }
0x5c: {  	_ =	shalt  }
0x5d: {  	_ =	shalt  }
0x5e: {  	_ =	shalt  }
0x5f: {  	_ =	shalt  }
0x60: {  	_ =	shalt  }
0x61: {  	_ =	shalt  }
0x62: {  	_ =	shalt  }
0x63: {  	_ =	shalt  }
0x64: {  	_ =	shalt  }
0x65: {  	_ =	shalt  }
0x66: {  	_ =	shalt  }
0x67: {  	_ =	shalt  }
0x68: {  	_ =	shalt  }
0x69: {  	_ =	shalt  }
0x6a: {  	_ =	shalt  }
0x6b: {  	_ =	shalt  }
0x6c: {  	_ =	shalt  }
0x6d: {  	_ =	shalt  }
0x6e: {  	_ =	shalt  }
0x6f: {  	_ =	shalt  }
0x70: {  	_ =	shalt  }
0x71: {  	_ =	shalt  }
0x72: {  	_ =	shalt  }
0x73: {  	_ =	shalt  }
0x74: {  	_ =	shalt  }
0x75: {  	_ =	shalt  }
0x76: {  	_ =	shalt  }
0x77: {  	_ =	shalt  }
0x78: {  	_ =	shalt  }
0x79: {  	_ =	shalt  }
0x7a: {  	_ =	shalt  }
0x7b: {  	_ =	shalt  }
0x7c: {  	_ =	shalt  }
0x7d: {  	_ =	shalt  }
0x7e: {  	_ =	shalt  }
0x7f: {  	_ =	shalt  }
0x80: {  	_ =	shalt  }
0x81: {  	_ =	shalt  }
0x82: {  	_ =	shalt  }
0x83: {  	_ =	shalt  }
0x84: {  	_ =	shalt  }
0x85: {  	_ =	shalt  }
0x86: {  	_ =	shalt  }
0x87: {  	_ =	shalt  }
.Lfunc_end0:
.L_simem_size_0:
called_computation_lowered:
.L_overlay_start_0:
0x88: {  	s2 =	sld [smem:$0x3FD9]  }
0x89: {  	s3 =	sld [smem:$0x3FFE];
	_ =	sdelay $0x1  }
0x8a: {  	s1 =	srdreg.scid  }
0x8b: {  	s0 =	sand.u32 $0x1, s1  }
0x8c: {  	s17 =	sshll.u32 s0, $0xA;
	s2 =	sadd.s32 s3, s2  }
0x8d: {  	s2 =	sadd.s32 s2, s17  }
0x8e: {  	[smem:$0x3FC4] =	sst s2  }
0x8f: {  	_ = 	snop  }
0x90: {  	s2 =	sld [smem:$0x3FC6]  }
0x91: {  	s18 =	sld [smem:$0x3FD0];
	(tm) =	ssettm $0x1  }
0x92: {  	s4 =	sld [smem:$0x3FFB];
	_ =	sdelay $0x3  }
0x93: {  	_ =	strace s4  }
0x94: {  	s4 =	sld [smem:$0x3FFC];
	_ =	sdelay $0x3  }
0x95: {  	_ =	strace s4  }
0x96: {  	s4 =	sld [smem:$0x3FFD];
	_ =	sdelay $0x3  }
0x97: {  	_ =	strace s4  }
0x98: {  	_ =	strace $0x8FFFFFFF  }
0x99: {  	s19 =	sld [smem:$0x3FDB];
	_ =	sdelay $0x1  }
0x9a: {  	s5 =	simm.s32 $_scs_section_size  }
0x9b: {  	s6 =	simm.s32 $_size__tile_overlayer_lowered;
	s7 =	simm.s32 $_tile_overlayer_lowered  }
0x9c: {  	s22 =	simm.s32 $0x1BFF;
	s21 =	sshll.u32 s7, $0x1;
	s4 =	sadd.s32 s5, s19  }
0x9d: {  	s8 =	simm.s32 $0x0;
	s20 =	sshll.u32 s6, $0x1;
	s6 =	sadd.s32 s21, s4  }
0x9e: {  	[timem:s8], [sflag:s22] =	dma.local [hbm:s6], s20  }
0x9f: {  	_ =	swait.ge [sflag:s22], s20  }
0xa0: {  	s5 =	ssub.s32 $0x0, s20;
	[sflag:s22] =	ssyncset.done $0x0  }
0xa1: {  	[sflag:s22] =	ssyncadd.s32 s5;
	_ =	sdelay $0x1  }
0xa2: {  	s23 =	simm.s32 $0x1B8B  }
0xa3: {  	_ =	swait.ge [sflag:s23], $0x1  }
0xa4: {  	[sflag:s23] =	ssyncset.done $0x0  }
0xa5: {  	s25 =	simm.s32 $0x1B8E;
	s24 =	sld [smem:$0x3FFE];
	[sflag:s23] =	ssyncadd.s32 $0xFFFFFFFF  }
0xa6: {  	s26 =	simm.s32 $execute0_lowered;
	[smem:$0x3FD2] =	sst s25  }
0xa7: {  	s6 =	sshll.u32 s26, $0x1;
	_ =	strace $0x80000046;
	[dreg:$0x1] =	wrdreg $0xFFFFFFFF  }
0xa8: {  	s28 =	simm.s32 $_size_execute0_lowered;
	s4 =	sadd.s32 s4, s6;
	[dreg:$0x0] =	wrdreg $0x0  }
0xa9: {  	s6 =	sshll.u32 s28, $0x1;
	[dreg:$0x2] =	wrdreg s4  }
0xaa: {  	[dreg:$0x3] =	wrdreg s6  }
0xab: {  	[dreg:$0x4] =	wrdreg $0xC0  }
0xac: {  	_ =	task [dreg:s8], $0x5FFFF  }
0xad: {  	[dreg:$0x1] =	wrdreg $0xFFFFFFFF  }
0xae: {  	[dreg:$0x0] =	wrdreg $0x60  }
0xaf: {  	[dreg:$0x2] =	wrdreg s24  }
0xb0: {  	[dreg:$0x3] =	wrdreg s2  }
0xb1: {  	[dreg:$0x4] =	wrdreg s18  }
0xb2: {  	[dreg:$0x5] =	wrdreg $0x9  }
0xb3: {  	_ =	task.clear_ibuf [dreg:s8], $0x6FFFF;
	_ =	strace $0x90000046  }
0xb4: {  	s29 =	simm.s32 $0x9;
	_ =	strace $0x80000048  }
0xb5: {  	_ =	swait.ge [sflag:s29], $0x1  }
0xb6: {  	[sflag:s29] =	ssyncadd.s32 $0xFFFFFFFF  }
0xb7: {  	_ =	strace $0x90000048  }
0xb8: {  	_ =	sfence  }
0xb9: {  	s30 =	sld [smem:$0x0];
	_ =	sdelay $0x2  }
0xba: {  	s31 =	sshll.u32 s1, $0xD;
	s1 =	sshrl.u32 s1, $0x2  }
0xbb: {  	s3 =	sand.u32 $0x4000, s31;
	s1 =	sadd.s32 s1, s30  }
0xbc: {  	s0 =	sor.u32 s3, s0;
	s1 =	sshll.u32 s1, $0x11  }
0xbd: {  	s0 =	sor.u32 s1, s0  }
0xbe: {  	s0 =	sadd.s32 $0x8F2B, s0  }
0xbf: {  	[sflag:s0] =	ssyncadd.remote.s32 $0x1  }
0xc0: {  	_ =	sfence.sel $0xFFFF  }
0xc1: {  	[dreg:$0x0] =	wrdreg $0xFFFFFFFF;
	(pc) =	sbr.abs _section_cstart, $3  }
0xc2: {  	[dreg:$0x1] =	wrdreg $0xFFFFFFFF  }
0xc3: {  	_ =	task.clear_ibuf [dreg:s8], $0x2FFFF;
	_ =	strace $0x9FFFFFFF  }
0xc4: {  	(tm) =	ssettm $0x7FFFFFFF  }
0xc5: {  	_ =	shalt  }
tec
execute0_lowered:
.L_overlay_start_1:
0x0: {  	(tag) =	ssettag $0x1  }
0x1: {  	s7 =	rddreg [dreg:$0x0];
	s0 =	srdreg.scid  }
0x2: {  	s2 =	rddreg [dreg:$0x1];
	s6 =	sand.u32 $0x1, s0  }
0x3: {  	s8 =	rddreg [dreg:$0x2];
	s1 =	stileid.u32;
	s4 =	sshll.u32 s6, $0x4  }
0x4: {  	s3 =	simm.s32 $0x0;
	s13 =	simm.s32 $0x4;
	s4 =	sor.u32 s1, s4  }
0x5: {  	s14 =	simm.s32 $0x0;
	s0 =	rddreg [dreg:$0x3];
	s9 =	smul.u32 $0xC360, s4  }
.Ltmp0:
0x6: {  	[smem:$0x7FF] =	sst s3;
	s10 =	ssub.s32 $0x2, s6;
	(pc) =	sbr.rel .LBB2_1-.Ltmp0, $4  }
0x7: {  	s5 =	sadd.s32 $0x31A00, s7;
	_ =	strace $0x80000047;
	s11 =	sshrl.u32 s10, $0x1  }
0x8: {  	v3 =	vlaneseq.u32;
	s6 =	sadd.s32 $0xC00, s7;
	s7 =	sadd.s32 $0x62800, s7;
	s10 =	ssub.s32 s10, s11;
	v1 =	vmov s9  }
0x9: {  	v2 =	vor.u32 $0x10, v3;
	s11 =	simm.s32 $0x5;
	s12 =	sshrl.u32 s9, $0x3;
	s9 =	smax.u32 s10, $0x1;
	v0 =	vsub.s32 v3, v1  }
0xa: {  	s10 =	simm.s32 $0x157A0;
	s8 =	sadd.s32 s8, s12;
	v1 =	vsub.s32 v2, v1;
	v2 =	vimm.f32 $0.0e+00;
	s12 =	simm.s32 $0x3;
	v3 =	vor.u32 $0xC360, v3  }
.LBB2_28:
0xb: {  	s14 =	sadd.s32 $0x1, s14  }
0xc: {  	p0 =	sne.s32 s14, s9  }
.Ltmp1:
0xd: {  	_ = 	snop;
	(pc) =	sbr.rel @!p0 .LBB2_29-.Ltmp1, $4  }
0xe: {  	[hbm4b:s8+s3] =	stream.linear.scatter [tilespmem:s3], [sflag:$0x5], $0xC360, $0x38;
	[tilespmem:$0x157D0] =	vst v63  }
0xf: {  	_ =	swait.ge [sflag:s11], $0xC360  }
0x10: {  	[sflag:s11] =	ssyncset.done $0x0  }
0x11: {  	[sflag:s11] =	ssyncadd.s32 $0xFFFF3CA0  }
.LBB2_1:
0x12: {  	s15 =	simm.s32 $0x40;
	s16 =	simm.s32 $0x0  }
.LBB2_2:
0x13: {  	p0 =	sne.s32 s15, $0x30DC0;
	[tilespmem:s16+$0x0] =	vst v2;
	s16 =	smov.u32 s15;
	s15 =	sadd.s32 $0x40, s15  }
.Ltmp2:
0x14: {  	(pc) =	sbr.rel @p0 .LBB2_2-.Ltmp2, $2  }
0x15: {  	_ =	sdelay $0x2  }
0x16: {  	s16 =	sshra.s32 s16, $0x2  }
0x17: {  	[tilespmem:s16+$0x0] =	vst v2  }
0x18: {  	[tilespmem:s10], [sflag:$0x5] =	stream.linear.gather [hbm4b:s2+s3], $0x28, $0x38;
	[tilespmem:$0x157D0] =	vst v63  }
0x19: {  	_ =	swait.ge [sflag:s11], $0x28  }
0x1a: {  	[sflag:s11] =	ssyncset.done $0x0  }
0x1b: {  	[sflag:s11] =	ssyncadd.s32 $0xFFFFFFD8  }
0x1c: {  	v5 =	vld [tilespmem:s4+$0x157A0];
	_ =	sdelay $0x4  }
0x1d: {  	(v2sf) =	vpush v5, $0x0  }
0x1e: {  	(v2sf) =	vpush v5, $0x1;
	_ =	sdelay $0xd  }
0x1f: {  	s15 =	spop (v2sf)  }
0x20: {  	s20 =	simm.s32 $0x1;
	s17 =	sshra.s32 s15, $0x1F;
	s16 =	spop (v2sf)  }
0x21: {  	s18 =	sand.u32 $0x1FF, s15;
	p0 =	slt.s32 s15, $0x1;
	s17 =	sshrl.u32 s17, $0x17  }
0x22: {  	s19 =	sadd.s32 $0x1FF, s16;
	p1 =	sne.s32 s18, $0x0;
	s17 =	sadd.s32 s17, s15  }
0x23: {  	s25 =	sand.u32 $0x1FF, s19;
	p0 =	por !p0, !p1;
	p4 =	slt.s32 s19, $0x1  }
0x24: {  	s26 =	sshra.s32 s19, $0x1F;
	p2 =	sne.s32 s25, $0x0;
	s17 =	sshra.s32 s17, $0x9  }
0x25: {  	p0 =	por !p0, !p0;
	s18 =	sshrl.u32 s26, $0x17;
	p1 =	por !p4, !p2  }
0x26: {  	s18 =	sadd.s32 s18, s19;
	s19 =	simm.s32 $0x1;
	p1 =	por !p1, !p1  }
0x27: {  	s20 =	simm.s32 @!p0 $0x0;
	s18 =	sshra.s32 s18, $0x9;
	s19 =	simm.s32 @!p1 $0x0  }
0x28: {  	s17 =	ssub.s32 s17, s20;
	s18 =	ssub.s32 s18, s19  }
0x29: {  	p0 =	sle.s32 s18, s17  }
0x2a: {  	s19 =	sshll.u32 @!p0 s17, $0x6  }
0x2b: {  	s19 =	sand.u32 @!p0 $0x1FFFFFC0, s19  }
0x2c: {  	s20 =	simm.s32 @!p0 $0x0;
	s21 =	simm.s32 @!p0 $0xC380;
	s19 =	sadd.s32 @!p0 s6, s19  }
0x2d: {  	[tilespmem:s21], [sflag:$0x1] =	stream.linear.gather @!p0 [hbm4b:s19+s20], $0x200, $0x38;
	[tilespmem:$0x157D0] =	vst v63  }
0x2e: {  	s19 =	sshll.u32 @!p0 s17, $0x8  }
0x2f: {  	s19 =	sand.u32 @!p0 $0x1FFFFF00, s19  }
0x30: {  	s22 =	simm.s32 @!p0 $0x14780;
	s19 =	sadd.s32 @!p0 s7, s19  }
0x31: {  	[tilespmem:s22], [sflag:$0x1] =	stream.linear.gather @!p0 [hbm4b:s19+s20], $0x800, $0x38;
	[tilespmem:$0x157D0] =	vst v63  }
0x32: {  	s19 =	simm.s32 @!p0 $0x1  }
0x33: {  	_ =	swait.ge @!p0 [sflag:s19], $0x200  }
0x34: {  	[sflag:s19] =	ssyncset.done @!p0 $0x0  }
0x35: {  	[sflag:s19] =	ssyncadd.s32 @!p0 $0xFFFFFE00  }
0x36: {  	_ =	swait.ge @!p0 [sflag:s19], $0x800  }
0x37: {  	[sflag:s19] =	ssyncset.done @!p0 $0x0  }
0x38: {  	s20 =	simm.s32 @!p0 $0xC780;
	[sflag:s19] =	ssyncadd.s32 @!p0 $0xFFFFF800;
	s19 =	simm.s32 @!p0 $0x80  }
0x39: {  	[tilespmem:s20], [sflag:$0x3] =	stream.indirect.gather @!p0 [hbm4b:s5+s19], $0x20, s21, s19, $0xb8;
	[tilespmem:$0x157D0] =	vst v63  }
0x3a: {  	s20 =	simm.s32 @!p0 $0xC400;
	s21 =	simm.s32 @!p0 $0xD780  }
0x3b: {  	[tilespmem:s21], [sflag:$0x3] =	stream.indirect.gather @!p0 [hbm4b:s5+s19], $0x20, s20, s19, $0xb8;
	[tilespmem:$0x157D0] =	vst v63  }
0x3c: {  	s20 =	simm.s32 @!p0 $0xC480;
	s21 =	simm.s32 @!p0 $0xE780  }
0x3d: {  	[tilespmem:s21], [sflag:$0x3] =	stream.indirect.gather @!p0 [hbm4b:s5+s19], $0x20, s20, s19, $0xb8;
	[tilespmem:$0x157D0] =	vst v63  }
0x3e: {  	s20 =	simm.s32 @!p0 $0xC500;
	s21 =	simm.s32 @!p0 $0xF780  }
0x3f: {  	[tilespmem:s21], [sflag:$0x3] =	stream.indirect.gather @!p0 [hbm4b:s5+s19], $0x20, s20, s19, $0xb8;
	[tilespmem:$0x157D0] =	vst v63  }
0x40: {  	s28 =	ssub.s32 s18, s17;
	s19 =	sadd.s32 $0x1, s17  }
0x41: {  	s29 =	sadd.s32 $0x1, s28;
	p0 =	sge.s32 s19, s18  }
0x42: {  	p5 =	slt.s32 s28, $0x0;
	s30 =	sand.u32 $0x1, s29;
	s20 =	sshll.u32 @!p0 s19, $0x6  }
0x43: {  	s21 =	simm.s32 @!p0 $0x0;
	s19 =	sshll.u32 @!p0 s19, $0x8;
	s20 =	sand.u32 @!p0 $0x1FFFFFC0, s20  }
0x44: {  	s22 =	simm.s32 @!p0 $0xC580;
	s19 =	sand.u32 @!p0 $0x1FFFFF00, s19;
	s20 =	sadd.s32 @!p0 s6, s20  }
0x45: {  	[tilespmem:s22], [sflag:$0x2] =	stream.linear.gather @!p0 [hbm4b:s20+s21], $0x200, $0x38;
	[tilespmem:$0x157D0] =	vst v63  }
0x46: {  	p6 =	seq.s32 s30, $0x1;
	s19 =	sadd.s32 @!p0 s7, s19;
	s20 =	simm.s32 @!p0 $0x14F90  }
0x47: {  	[tilespmem:s20], [sflag:$0x2] =	stream.linear.gather @!p0 [hbm4b:s19+s21], $0x800, $0x38;
	[tilespmem:$0x157D0] =	vst v63  }
0x48: {  	s31 =	sshrl.u32 s29, $0x1F;
	p0 =	por !p5, !p6  }
0x49: {  	s19 =	sadd.s32 s31, s29;
	s20 =	simm.s32 $0x1;
	p0 =	por !p0, !p0  }
0x4a: {  	s19 =	sshra.s32 s19, $0x1;
	s20 =	simm.s32 @!p0 $0x0  }
0x4b: {  	s19 =	ssub.s32 s19, s20  }
0x4c: {  	p0 =	slt.s32 s19, $0x1  }
.Ltmp3:
0x4d: {  	_ = 	snop;
	(pc) =	sbr.rel @p0 .LBB2_28-.Ltmp3, $1  }
0x4e: {  	_ =	sdelay $0x3  }
.Ltmp4:
0x4f: {  	(pc) =	sbr.rel .LBB2_5-.Ltmp4, $2  }
0x50: {  	_ =	sdelay $0x2  }
0x51: {  	v4 =	vbroadcast v5, $0x0;
	v5 =	vbroadcast v5, $0x1;
	s20 =	simm.s32 $0x0  }
.LBB2_22:
0x52: {  	s24 =	smov.u32 s22  }
.LBB2_26:
0x53: {  	v6 =	vld [tilespmem:s26+$0x14F90];
	_ =	sdelay $0x2  }
0x54: {  	s24 =	sadd.s32 @p0 $0x20, s24  }
0x55: {  	s22 =	smov.u32 @p0 s24  }
0x56: {  	v8 =	vld [tilespmem:s22+$0xFFFFFFF0];
	v7 =	vbroadcast v6, $0x3  }
0x57: {  	v10 =	vld [tilespmem:s22+$0x0];
	v9 =	vbroadcast v6, $0x0  }
0x58: {  	vm0 =	vge.s32 v7, v4;
	vm1 =	vlt.s32 v7, v5;
	v7 =	vbroadcast v6, $0x1  }
0x59: {  	v9 =	vadd.s32 v0, v9;
	vm0 =	vmand vm0, vm1  }
0x5a: {  	v6 =	vbroadcast v6, $0x2;
	v9 =	vsel vm0, v9, v3;
	v7 =	vnsel vm0, $0x0, v7  }
0x5b: {  	v8 =	vmul.f32 v7, v8;
	v11 =	vadd.s32 $0x10, v9  }
0x5c: {  	v6 =	vnsel vm0, $0x0, v6;
	v7 =	vmul.f32 v7, v10  }
0x5d: {  	v8 =	vadd.f32 v8, v6  }
0x5e: {  	v6 =	vadd.f32 v7, v6  }
0x5f: {  	[tilespmem:v9+s3+$0x0] =	vst.idx.add.f32.msk $0xffff, v8  }
0x60: {  	[tilespmem:v11+s3+$0x0] =	vst.idx.add.f32.msk $0xffff, v6  }
.LBB2_27:
0x61: {  	s22 =	simm.s32 @!p1 $0x1  }
0x62: {  	_ =	swait.ge @!p1 [sflag:s22], $0x200  }
0x63: {  	[sflag:s22] =	ssyncset.done @!p1 $0x0  }
0x64: {  	[sflag:s22] =	ssyncadd.s32 @!p1 $0xFFFFFE00  }
0x65: {  	_ =	swait.ge @!p1 [sflag:s22], $0x800  }
0x66: {  	[sflag:s22] =	ssyncset.done @!p1 $0x0  }
0x67: {  	s24 =	simm.s32 @!p1 $0xC780;
	[sflag:s22] =	ssyncadd.s32 @!p1 $0xFFFFF800;
	s22 =	simm.s32 @!p1 $0x80  }
0x68: {  	[tilespmem:s24], [sflag:$0x3] =	stream.indirect.gather @!p1 [hbm4b:s5+s22], $0x20, s23, s22, $0xb8;
	[tilespmem:$0x157D0] =	vst v63  }
0x69: {  	s23 =	simm.s32 @!p1 $0xC400;
	s24 =	simm.s32 @!p1 $0xD780  }
0x6a: {  	[tilespmem:s24], [sflag:$0x3] =	stream.indirect.gather @!p1 [hbm4b:s5+s22], $0x20, s23, s22, $0xb8;
	[tilespmem:$0x157D0] =	vst v63  }
0x6b: {  	s21 =	sadd.s32 $0x3, s21;
	s23 =	simm.s32 @!p1 $0xC480;
	s24 =	simm.s32 @!p1 $0xE780  }
0x6c: {  	[tilespmem:s24], [sflag:$0x3] =	stream.indirect.gather @!p1 [hbm4b:s5+s22], $0x20, s23, s22, $0xb8;
	[tilespmem:$0x157D0] =	vst v63  }
0x6d: {  	p0 =	sge.s32 s21, s18;
	s23 =	simm.s32 @!p1 $0xC500;
	s24 =	simm.s32 @!p1 $0xF780  }
0x6e: {  	[tilespmem:s24], [sflag:$0x3] =	stream.indirect.gather @!p1 [hbm4b:s5+s22], $0x20, s23, s22, $0xb8;
	[tilespmem:$0x157D0] =	vst v63  }
0x6f: {  	s22 =	sshll.u32 @!p0 s21, $0x6  }
0x70: {  	s23 =	simm.s32 @!p0 $0x0;
	s21 =	sshll.u32 @!p0 s21, $0x8;
	s22 =	sand.u32 @!p0 $0x1FFFFFC0, s22  }
0x71: {  	s24 =	simm.s32 @!p0 $0xC580;
	s21 =	sand.u32 @!p0 $0x1FFFFF00, s21;
	s22 =	sadd.s32 @!p0 s6, s22  }
0x72: {  	[tilespmem:s24], [sflag:$0x2] =	stream.linear.gather @!p0 [hbm4b:s22+s23], $0x200, $0x38;
	[tilespmem:$0x157D0] =	vst v63  }
0x73: {  	s20 =	sadd.s32 $0x1, s20;
	s21 =	sadd.s32 @!p0 s7, s21;
	s22 =	simm.s32 @!p0 $0x14F90  }
0x74: {  	[tilespmem:s22], [sflag:$0x2] =	stream.linear.gather @!p0 [hbm4b:s21+s23], $0x800, $0x38;
	[tilespmem:$0x157D0] =	vst v63  }
0x75: {  	p0 =	sne.s32 s20, s19  }
.Ltmp5:
0x76: {  	_ = 	snop;
	(pc) =	sbr.rel @!p0 .LBB2_28-.Ltmp5, $1  }
0x77: {  	_ =	sdelay $0x3  }
.LBB2_5:
0x78: {  	s21 =	sshll.u32 s20, $0x1  }
0x79: {  	s21 =	sadd.s32 s17, s21  }
0x7a: {  	s22 =	sadd.s32 $0x1, s21  }
0x7b: {  	p0 =	sge.s32 s22, s18  }
0x7c: {  	s23 =	simm.s32 @!p0 $0x2  }
0x7d: {  	_ =	swait.ge @!p0 [sflag:s23], $0x200  }
0x7e: {  	[sflag:s23] =	ssyncset.done @!p0 $0x0  }
0x7f: {  	[sflag:s23] =	ssyncadd.s32 @!p0 $0xFFFFFE00  }
0x80: {  	_ =	swait.ge @!p0 [sflag:s23], $0x800  }
0x81: {  	s24 =	simm.s32 @!p0 $0xC580;
	[sflag:s23] =	ssyncset.done @!p0 $0x0  }
0x82: {  	s25 =	simm.s32 @!p0 $0x10780;
	[sflag:s23] =	ssyncadd.s32 @!p0 $0xFFFFF800;
	s23 =	simm.s32 @!p0 $0x80  }
0x83: {  	[tilespmem:s25], [sflag:$0x4] =	stream.indirect.gather @!p0 [hbm4b:s5+s23], $0x20, s24, s23, $0xb8;
	[tilespmem:$0x157D0] =	vst v63  }
0x84: {  	p1 =	sge.s32 s21, s18;
	s24 =	simm.s32 @!p0 $0xC600;
	s25 =	simm.s32 @!p0 $0x11780  }
0x85: {  	[tilespmem:s25], [sflag:$0x4] =	stream.indirect.gather @!p0 [hbm4b:s5+s23], $0x20, s24, s23, $0xb8;
	[tilespmem:$0x157D0] =	vst v63  }
.Ltmp6:
0x86: {  	_ = 	snop;
	(pc) =	sbr.rel @p1 .LBB2_16-.Ltmp6, $4  }
0x87: {  	s24 =	simm.s32 @!p0 $0xC680;
	s25 =	simm.s32 @!p0 $0x12780  }
0x88: {  	[tilespmem:s25], [sflag:$0x4] =	stream.indirect.gather @!p0 [hbm4b:s5+s23], $0x20, s24, s23, $0xb8;
	[tilespmem:$0x157D0] =	vst v63  }
0x89: {  	s24 =	simm.s32 @!p0 $0xC700;
	s25 =	simm.s32 @!p0 $0x13780  }
0x8a: {  	[tilespmem:s25], [sflag:$0x4] =	stream.indirect.gather @!p0 [hbm4b:s5+s23], $0x20, s24, s23, $0xb8;
	[tilespmem:$0x157D0] =	vst v63  }
0x8b: {  	_ =	swait.ge [sflag:s12], $0x1000  }
0x8c: {  	[sflag:s12] =	ssyncset.done $0x0  }
0x8d: {  	[sflag:s12] =	ssyncadd.s32 $0xFFFFF000  }
0x8e: {  	s23 =	sshll.u32 s21, $0x9;
	_ =	swait.ge [sflag:s12], $0x1000  }
0x8f: {  	p1 =	slt.s32 s23, s15;
	s23 =	sadd.s32 $0x200, s23;
	[sflag:s12] =	ssyncset.done $0x0  }
0x90: {  	p2 =	sgt.s32 @!p1 s23, s16;
	[sflag:s12] =	ssyncadd.s32 $0xFFFFF000  }
0x91: {  	p2 =	por p1, p2;
	_ =	swait.ge [sflag:s12], $0x1000  }
.Ltmp7:
0x92: {  	[sflag:s12] =	ssyncset.done $0x0;
	(pc) =	sbr.rel @p2 .LBB2_10-.Ltmp7, $4  }
0x93: {  	[sflag:s12] =	ssyncadd.s32 $0xFFFFF000  }
0x94: {  	_ =	swait.ge [sflag:s12], $0x1000  }
0x95: {  	[sflag:s12] =	ssyncset.done $0x0  }
0x96: {  	[sflag:s12] =	ssyncadd.s32 $0xFFFFF000  }
0x97: {  	s23 =	simm.s32 $0x14790  }
0x98: {  	v8 =	vld [tilespmem:s23+$0x0];
	_ =	sdelay $0x1  }
0x99: {  	s24 =	simm.s32 $0xC800  }
0x9a: {  	v6 =	vld [tilespmem:s24+$0x0]  }
0x9b: {  	v9 =	vld [tilespmem:s24+$0x10]  }
0x9c: {  	v10 =	vbroadcast v8, $0x0  }
0x9d: {  	v7 =	vld [tilespmem:s23+$0xFFFFFFF0];
	v11 =	vbroadcast v8, $0x1  }
0x9e: {  	v12 =	vadd.s32 v0, v10  }
0x9f: {  	v13 =	vbroadcast v8, $0x2;
	v6 =	vmul.f32 v11, v6;
	v10 =	vadd.s32 v1, v10  }
0xa0: {  	v14 =	vld [tilespmem:s24+$0xFFFFFF80];
	v9 =	vmul.f32 v11, v9  }
0xa1: {  	v11 =	vld [tilespmem:s24+$0xFFFFFF90];
	v6 =	vadd.f32 v6, v13  }
0xa2: {  	v15 =	vbroadcast v7, $0x0;
	v9 =	vadd.f32 v9, v13  }
0xa3: {  	v13 =	vbroadcast v7, $0x1;
	[tilespmem:v12+s3+$0x0] =	vst.idx.add.f32.msk $0xffff, v6  }
0xa4: {  	v6 =	vadd.s32 v0, v15;
	[tilespmem:v10+s3+$0x0] =	vst.idx.add.f32.msk $0xffff, v9  }
0xa5: {  	v12 =	vadd.s32 v1, v15;
	v9 =	vbroadcast v7, $0x2;
	v10 =	vmul.f32 v13, v14;
	v14 =	vld [tilespmem:s24+$0x20]  }
0xa6: {  	v11 =	vmul.f32 v13, v11;
	v13 =	vld [tilespmem:s24+$0x30]  }
0xa7: {  	v15 =	vbroadcast v8, $0x4;
	v10 =	vadd.f32 v10, v9  }
0xa8: {  	v9 =	vadd.f32 v11, v9;
	v11 =	vbroadcast v8, $0x5  }
0xa9: {  	[tilespmem:v6+s3+$0x0] =	vst.idx.add.f32.msk $0xffff, v10;
	v6 =	vadd.s32 v0, v15  }
0xaa: {  	[tilespmem:v12+s3+$0x0] =	vst.idx.add.f32.msk $0xffff, v9;
	v9 =	vbroadcast v8, $0x6;
	v12 =	vadd.s32 v1, v15;
	v10 =	vmul.f32 v14, v11  }
0xab: {  	v14 =	vld [tilespmem:s24+$0xFFFFFFA0];
	v11 =	vmul.f32 v13, v11  }
0xac: {  	v13 =	vld [tilespmem:s24+$0xFFFFFFB0];
	v10 =	vadd.f32 v10, v9  }
0xad: {  	v15 =	vbroadcast v7, $0x4;
	v9 =	vadd.f32 v11, v9  }
0xae: {  	v11 =	vbroadcast v7, $0x5;
	[tilespmem:v6+s3+$0x0] =	vst.idx.add.f32.msk $0xffff, v10  }
0xaf: {  	v6 =	vadd.s32 v0, v15;
	[tilespmem:v12+s3+$0x0] =	vst.idx.add.f32.msk $0xffff, v9  }
0xb0: {  	v10 =	vadd.s32 v1, v15;
	v9 =	vbroadcast v7, $0x6;
	v12 =	vmul.f32 v14, v11;
	v14 =	vld [tilespmem:s24+$0x40]  }
0xb1: {  	v11 =	vmul.f32 v13, v11  }
0xb2: {  	v15 =	vbroadcast v8, $0x8;
	v13 =	vld [tilespmem:s24+$0x50];
	v12 =	vadd.f32 v12, v9  }
0xb3: {  	v9 =	vadd.f32 v11, v9;
	v11 =	vbroadcast v8, $0x9  }
0xb4: {  	[tilespmem:v6+s3+$0x0] =	vst.idx.add.f32.msk $0xffff, v12;
	v12 =	vadd.s32 v0, v15  }
0xb5: {  	s25 =	simm.s32 $0x147B0;
	[tilespmem:v10+s3+$0x0] =	vst.idx.add.f32.msk $0xffff, v9;
	v9 =	vbroadcast v8, $0xA;
	v10 =	vmul.f32 v14, v11  }
0xb6: {  	v6 =	vld [tilespmem:s25+$0x0];
	v14 =	vadd.s32 v1, v15  }
0xb7: {  	s23 =	simm.s32 $0xC900;
	v15 =	vld [tilespmem:s24+$0xFFFFFFC0];
	v11 =	vmul.f32 v13, v11;
	v10 =	vadd.f32 v10, v9  }
0xb8: {  	v13 =	vld [tilespmem:s23+$0x0]  }
0xb9: {  	v9 =	vadd.f32 v11, v9;
	[tilespmem:v12+s3+$0x0] =	vst.idx.add.f32.msk $0xffff, v10  }
0xba: {  	v10 =	vld [tilespmem:s23+$0x10]  }
0xbb: {  	[tilespmem:v14+s3+$0x0] =	vst.idx.add.f32.msk $0xffff, v9;
	v9 =	vbroadcast v7, $0x8  }
0xbc: {  	v21 =	vld [tilespmem:s25+$0xFFFFFFF0];
	v11 =	vbroadcast v7, $0x9;
	v14 =	vbroadcast v6, $0x0  }
0xbd: {  	v16 =	vbroadcast v7, $0xA;
	v18 =	vbroadcast v6, $0x1;
	v12 =	vld [tilespmem:s24+$0x60];
	v17 =	vadd.s32 v0, v9  }
0xbe: {  	v20 =	vbroadcast v8, $0xC;
	v15 =	vmul.f32 v15, v11;
	v19 =	vld [tilespmem:s24+$0x70];
	v22 =	vadd.s32 v0, v14  }
0xbf: {  	v23 =	vld [tilespmem:s23+$0xFFFFFF80];
	v24 =	vbroadcast v6, $0x2;
	v13 =	vmul.f32 v18, v13;
	v14 =	vadd.s32 v1, v14  }
0xc0: {  	v26 =	vld [tilespmem:s23+$0xFFFFFF90];
	v25 =	vbroadcast v8, $0xD;
	v15 =	vadd.f32 v15, v16;
	v10 =	vmul.f32 v18, v10  }
0xc1: {  	v8 =	vbroadcast v8, $0xE;
	v27 =	vld [tilespmem:s24+$0xFFFFFFD0];
	v13 =	vadd.f32 v13, v24;
	v18 =	vadd.s32 v0, v20  }
0xc2: {  	v12 =	vmul.f32 v12, v25;
	v10 =	vadd.f32 v10, v24;
	[tilespmem:v17+s3+$0x0] =	vst.idx.add.f32.msk $0xffff, v15;
	v15 =	vbroadcast v21, $0x0  }
0xc3: {  	v19 =	vmul.f32 v19, v25;
	v17 =	vadd.s32 v1, v20;
	v20 =	vbroadcast v21, $0x1;
	[tilespmem:v22+s3+$0x0] =	vst.idx.add.f32.msk $0xffff, v13  }
0xc4: {  	v12 =	vadd.f32 v12, v8;
	[tilespmem:v14+s3+$0x0] =	vst.idx.add.f32.msk $0xffff, v10;
	v13 =	vadd.s32 v0, v15  }
0xc5: {  	v10 =	vbroadcast v21, $0x2;
	v14 =	vmul.f32 v20, v23;
	v15 =	vadd.s32 v1, v15;
	v22 =	vld [tilespmem:s23+$0x20]  }
0xc6: {  	v8 =	vadd.f32 v19, v8;
	v19 =	vmul.f32 v20, v26;
	v20 =	vld [tilespmem:s23+$0x30]  }
0xc7: {  	[tilespmem:v18+s3+$0x0] =	vst.idx.add.f32.msk $0xffff, v12;
	v12 =	vadd.f32 v14, v10;
	v14 =	vbroadcast v6, $0x4  }
0xc8: {  	v9 =	vadd.s32 v1, v9;
	[tilespmem:v17+s3+$0x0] =	vst.idx.add.f32.msk $0xffff, v8;
	v8 =	vadd.f32 v19, v10;
	v10 =	vbroadcast v6, $0x5  }
0xc9: {  	v11 =	vmul.f32 v27, v11;
	[tilespmem:v13+s3+$0x0] =	vst.idx.add.f32.msk $0xffff, v12;
	v12 =	vadd.s32 v0, v14  }
0xca: {  	v13 =	vbroadcast v6, $0x6;
	v14 =	vadd.s32 v1, v14;
	[tilespmem:v15+s3+$0x0] =	vst.idx.add.f32.msk $0xffff, v8;
	v15 =	vmul.f32 v22, v10  }
0xcb: {  	v28 =	vbroadcast v6, $0x8;
	v11 =	vadd.f32 v11, v16;
	v10 =	vmul.f32 v20, v10;
	v16 =	vld [tilespmem:s23+$0xFFFFFFA0]  }
0xcc: {  	v30 =	vbroadcast v6, $0x9;
	v17 =	vbroadcast v7, $0xC;
	v18 =	vld [tilespmem:s23+$0xFFFFFFB0];
	v15 =	vadd.f32 v15, v13  }
0xcd: {  	v24 =	vbroadcast v21, $0xC;
	[tilespmem:v9+s3+$0x0] =	vst.idx.add.f32.msk $0xffff, v11;
	v19 =	vbroadcast v21, $0x4;
	v10 =	vadd.f32 v10, v13  }
0xce: {  	v11 =	vbroadcast v21, $0xA;
	v9 =	vadd.s32 v0, v17;
	v13 =	vbroadcast v21, $0x5;
	[tilespmem:v12+s3+$0x0] =	vst.idx.add.f32.msk $0xffff, v15  }
0xcf: {  	v8 =	vbroadcast v7, $0xD;
	v20 =	vbroadcast v21, $0x6;
	v22 =	vadd.s32 v0, v19;
	[tilespmem:v14+s3+$0x0] =	vst.idx.add.f32.msk $0xffff, v10  }
0xd0: {  	v23 =	vadd.s32 v1, v19;
	v14 =	vbroadcast v21, $0x8;
	v15 =	vmul.f32 v16, v13;
	v25 =	vld [tilespmem:s23+$0x40]  }
0xd1: {  	v12 =	vbroadcast v21, $0x9;
	v10 =	vadd.s32 v1, v17;
	v18 =	vmul.f32 v18, v13;
	v26 =	vld [tilespmem:s23+$0x50]  }
0xd2: {  	v19 =	vld [tilespmem:s24+$0xFFFFFFE0];
	v17 =	vbroadcast v21, $0xD;
	v16 =	vadd.s32 v0, v14;
	v27 =	vadd.f32 v15, v20  }
0xd3: {  	v13 =	vadd.s32 v1, v14;
	v14 =	vadd.s32 v1, v24;
	v29 =	vadd.f32 v18, v20;
	v20 =	vld [tilespmem:s24+$0xFFFFFFF0]  }
0xd4: {  	v18 =	vbroadcast v21, $0xE;
	v15 =	vadd.s32 v0, v24;
	v21 =	vadd.s32 v0, v28;
	[tilespmem:v22+s3+$0x0] =	vst.idx.add.f32.msk $0xffff, v27  }
0xd5: {  	v24 =	vbroadcast v6, $0xA;
	v22 =	vadd.s32 v1, v28;
	[tilespmem:v23+s3+$0x0] =	vst.idx.add.f32.msk $0xffff, v29;
	v25 =	vmul.f32 v25, v30  }
0xd6: {  	s26 =	simm.s32 $0x147D0;
	s25 =	simm.s32 $0x8;
	v7 =	vbroadcast v7, $0xE;
	s24 =	simm.s32 $0xC900;
	v26 =	vmul.f32 v26, v30;
	v23 =	vld [tilespmem:s23+$0xFFFFFFC0]  }
.LBB2_8:
0xd7: {  	v27 =	vld [tilespmem:s26+$0x0];
	v25 =	vadd.f32 v25, v24;
	s23 =	sadd.s32 $0x100, s23;
	v19 =	vmul.f32 v19, v8  }
0xd8: {  	v28 =	vld [tilespmem:s23+$0x0];
	v24 =	vadd.f32 v26, v24;
	v20 =	vmul.f32 v20, v8;
	v8 =	vmov v17  }
0xd9: {  	[tilespmem:v21+s3+$0x0] =	vst.idx.add.f32.msk $0xffff, v25;
	v17 =	vadd.f32 v19, v7  }
0xda: {  	[tilespmem:v22+s3+$0x0] =	vst.idx.add.f32.msk $0xffff, v24;
	v19 =	vadd.f32 v20, v7;
	v7 =	vmov v18  }
0xdb: {  	v18 =	vmul.f32 v23, v12;
	v20 =	vld [tilespmem:s24+$0x60]  }
0xdc: {  	v21 =	vbroadcast v27, $0x0;
	v22 =	vld [tilespmem:s24+$0x70]  }
0xdd: {  	s25 =	sadd.s32 $0x8, s25;
	v25 =	vbroadcast v6, $0xC;
	v23 =	vbroadcast v27, $0x1;
	v24 =	vld [tilespmem:s23+$0x10];
	v18 =	vadd.f32 v18, v11  }
0xde: {  	v30 =	vbroadcast v6, $0xD;
	p1 =	slt.u32 s25, $0x1F8;
	v26 =	vld [tilespmem:s26+$0xFFFFFFF0];
	v29 =	vadd.s32 v0, v21  }
0xdf: {  	v33 =	vadd.s32 v0, v25;
	v32 =	vbroadcast v27, $0x2;
	v28 =	vmul.f32 v23, v28;
	v31 =	vld [tilespmem:s23+$0xFFFFFF80]  }
0xe0: {  	v35 =	vbroadcast v6, $0xE;
	v25 =	vadd.s32 v1, v25;
	v6 =	vmovc v27;
	v34 =	vld [tilespmem:s23+$0xFFFFFF90];
	v20 =	vmul.f32 v20, v30  }
0xe1: {  	v21 =	vadd.s32 v1, v21;
	v27 =	vadd.f32 v28, v32;
	v28 =	vld [tilespmem:s24+$0xFFFFFFD0];
	v22 =	vmul.f32 v22, v30  }
0xe2: {  	v23 =	vmul.f32 v23, v24;
	[tilespmem:v16+s3+$0x0] =	vst.idx.add.f32.msk $0xffff, v18;
	v16 =	vadd.f32 v20, v35  }
0xe3: {  	v18 =	vbroadcast v26, $0x1;
	v20 =	vbroadcast v26, $0x2;
	[tilespmem:v29+s3+$0x0] =	vst.idx.add.f32.msk $0xffff, v27;
	v22 =	vadd.f32 v22, v35  }
0xe4: {  	v24 =	vbroadcast v26, $0x0;
	v27 =	vbroadcast v26, $0x5;
	v23 =	vadd.f32 v23, v32;
	[tilespmem:v33+s3+$0x0] =	vst.idx.add.f32.msk $0xffff, v16  }
0xe5: {  	v16 =	vmul.f32 v18, v31;
	v18 =	vmul.f32 v18, v34;
	[tilespmem:v25+s3+$0x0] =	vst.idx.add.f32.msk $0xffff, v22  }
0xe6: {  	v22 =	vadd.s32 v0, v24;
	v24 =	vadd.s32 v1, v24;
	v25 =	vbroadcast v26, $0x6;
	[tilespmem:v21+s3+$0x0] =	vst.idx.add.f32.msk $0xffff, v23  }
0xe7: {  	v16 =	vadd.f32 v16, v20;
	v18 =	vadd.f32 v18, v20;
	v20 =	vbroadcast v26, $0x4;
	v21 =	vld [tilespmem:s23+$0x20]  }
0xe8: {  	v28 =	vmul.f32 v28, v12;
	v12 =	vbroadcast v26, $0x9;
	v23 =	vld [tilespmem:s23+$0x30]  }
0xe9: {  	v29 =	vadd.s32 v0, v20;
	v30 =	vadd.s32 v1, v20;
	v20 =	vbroadcast v6, $0x4;
	[tilespmem:v9+s3+$0x0] =	vst.idx.add.f32.msk $0xffff, v17  }
0xea: {  	v31 =	vbroadcast v6, $0x5;
	v28 =	vadd.f32 v28, v11;
	v11 =	vbroadcast v26, $0xA;
	v9 =	vmovc v15;
	[tilespmem:v10+s3+$0x0] =	vst.idx.add.f32.msk $0xffff, v19  }
0xeb: {  	v15 =	vbroadcast v26, $0x8;
	v17 =	vbroadcast v26, $0xD;
	v10 =	vmovc v14;
	[tilespmem:v22+s3+$0x0] =	vst.idx.add.f32.msk $0xffff, v16;
	v19 =	vadd.s32 v0, v20  }
0xec: {  	v14 =	vbroadcast v6, $0x6;
	v20 =	vadd.s32 v1, v20;
	[tilespmem:v24+s3+$0x0] =	vst.idx.add.f32.msk $0xffff, v18;
	v21 =	vmul.f32 v21, v31  }
0xed: {  	v16 =	vadd.s32 v0, v15;
	v15 =	vadd.s32 v1, v15;
	v22 =	vld [tilespmem:s23+$0xFFFFFFA0];
	v23 =	vmul.f32 v23, v31  }
0xee: {  	v18 =	vbroadcast v26, $0xE;
	v31 =	vbroadcast v26, $0xC;
	v24 =	vld [tilespmem:s23+$0xFFFFFFB0];
	v21 =	vadd.f32 v21, v14  }
0xef: {  	v23 =	vadd.f32 v23, v14;
	[tilespmem:v13+s3+$0x0] =	vst.idx.add.f32.msk $0xffff, v28;
	v13 =	vmov v15  }
0xf0: {  	v15 =	vadd.s32 v0, v31;
	v14 =	vadd.s32 v1, v31;
	[tilespmem:v19+s3+$0x0] =	vst.idx.add.f32.msk $0xffff, v21  }
0xf1: {  	[tilespmem:v20+s3+$0x0] =	vst.idx.add.f32.msk $0xffff, v23  }
0xf2: {  	v19 =	vmul.f32 v22, v27;
	v22 =	vld [tilespmem:s23+$0x40]  }
0xf3: {  	v20 =	vmul.f32 v24, v27;
	v26 =	vld [tilespmem:s23+$0x50]  }
.Ltmp8:
0xf4: {  	v23 =	vbroadcast v6, $0x8;
	v21 =	vadd.f32 v19, v25;
	v19 =	vld [tilespmem:s24+$0xFFFFFFE0];
	(pc) =	sbr.rel @p1 .LBB2_8-.Ltmp8, $4  }
0xf5: {  	v27 =	vbroadcast v6, $0x9;
	v24 =	vadd.f32 v20, v25;
	v20 =	vld [tilespmem:s24+$0xFFFFFFF0];
	s24 =	smov.u32 s23  }
0xf6: {  	[tilespmem:v29+s3+$0x0] =	vst.idx.add.f32.msk $0xffff, v21;
	v21 =	vadd.s32 v0, v23  }
0xf7: {  	[tilespmem:v30+s3+$0x0] =	vst.idx.add.f32.msk $0xffff, v24;
	v24 =	vbroadcast v6, $0xA;
	v25 =	vmul.f32 v22, v27;
	v22 =	vadd.s32 v1, v23  }
0xf8: {  	s26 =	sadd.s32 $0x20, s26;
	v23 =	vld [tilespmem:s23+$0xFFFFFFC0];
	v26 =	vmul.f32 v26, v27  }
0xf9: {  	v27 =	vld [tilespmem:s24+$0xFFFFFFD0];
	_ =	sdelay $0x1  }
0xfa: {  	v25 =	vadd.f32 v25, v24  }
0xfb: {  	v50 =	vadd.f32 v26, v24  }
0xfc: {  	[tilespmem:v21+s3+$0x0] =	vst.idx.add.f32.msk $0xffff, v25;
	v51 =	vmul.f32 v23, v12  }
0xfd: {  	[tilespmem:v22+s3+$0x0] =	vst.idx.add.f32.msk $0xffff, v50;
	v52 =	vmul.f32 v27, v12  }
0xfe: {  	v22 =	vld [tilespmem:s24+$0x60];
	v21 =	vadd.f32 v51, v11  }
0xff: {  	v53 =	vld [tilespmem:s24+$0x70];
	v54 =	vadd.f32 v52, v11  }
0x100: {  	v55 =	vbroadcast v6, $0xC;
	[tilespmem:v16+s3+$0x0] =	vst.idx.add.f32.msk $0xffff, v21  }
0x101: {  	v56 =	vbroadcast v6, $0xD;
	[tilespmem:v13+s3+$0x0] =	vst.idx.add.f32.msk $0xffff, v54  }
0x102: {  	v57 =	vadd.s32 v0, v55;
	v13 =	vld [tilespmem:s24+$0xFFFFFFE0]  }
0x103: {  	v6 =	vbroadcast v6, $0xE;
	v12 =	vadd.s32 v1, v55;
	v58 =	vmul.f32 v22, v56;
	v59 =	vld [tilespmem:s24+$0xFFFFFFF0]  }
0x104: {  	v16 =	vmul.f32 v53, v56  }
0x105: {  	v19 =	vmul.f32 v19, v8;
	v21 =	vadd.f32 v58, v6  }
0x106: {  	v60 =	vmul.f32 v20, v8;
	v6 =	vadd.f32 v16, v6  }
0x107: {  	v61 =	vadd.f32 v19, v7;
	[tilespmem:v57+s3+$0x0] =	vst.idx.add.f32.msk $0xffff, v21;
	v62 =	vmul.f32 v13, v17  }
.Ltmp9:
0x108: {  	v7 =	vadd.f32 v60, v7;
	[tilespmem:v12+s3+$0x0] =	vst.idx.add.f32.msk $0xffff, v6;
	v6 =	vmul.f32 v59, v17;
	(pc) =	sbr.rel .LBB2_16-.Ltmp9, $4  }
0x109: {  	[tilespmem:v9+s3+$0x0] =	vst.idx.add.f32.msk $0xffff, v61;
	v63 =	vadd.f32 v62, v18  }
0x10a: {  	[tilespmem:v10+s3+$0x0] =	vst.idx.add.f32.msk $0xffff, v7;
	v6 =	vadd.f32 v6, v18  }
0x10b: {  	[tilespmem:v15+s3+$0x0] =	vst.idx.add.f32.msk $0xffff, v63  }
0x10c: {  	[tilespmem:v14+s3+$0x0] =	vst.idx.add.f32.msk $0xffff, v6  }
.LBB2_10:
0x10d: {  	s24 =	simm.s32 $0x0  }
0x10e: {  	s24 =	simm.s32 @p1 $0x0  }
0x10f: {  	p2 =	sne.s32 s24, $0x1FF0  }
.Ltmp10:
0x110: {  	_ = 	snop;
	(pc) =	sbr.rel @!p2 .LBB2_11-.Ltmp10, $4  }
0x111: {  	_ = 	snop  }
0x112: {  	s23 =	simm.s32 $0xC790  }
0x113: {  	s23 =	simm.s32 @p1 $0xC790  }
0x114: {  	p1 =	por $0x0, $0x0;
	s26 =	sshra.s32 s24, $0x2;
	s24 =	sadd.s32 $0x10, s24  }
0x115: {  	v6 =	vld [tilespmem:s26+$0x14780];
	_ =	sdelay $0x4  }
0x116: {  	v8 =	vld [tilespmem:s23+$0xFFFFFFF0];
	v7 =	vbroadcast v6, $0x3  }
0x117: {  	v10 =	vld [tilespmem:s23+$0x0];
	v9 =	vbroadcast v6, $0x0  }
0x118: {  	vm0 =	vge.s32 v7, v4;
	vm1 =	vlt.s32 v7, v5;
	v7 =	vbroadcast v6, $0x1  }
0x119: {  	v9 =	vadd.s32 v0, v9;
	vm0 =	vmand vm0, vm1  }
0x11a: {  	v6 =	vbroadcast v6, $0x2;
	v9 =	vsel vm0, v9, v3;
	v7 =	vnsel vm0, $0x0, v7  }
0x11b: {  	p2 =	sne.s32 s24, $0x1FF0;
	v8 =	vmul.f32 v7, v8;
	v11 =	vadd.s32 $0x10, v9  }
.Ltmp11:
0x11c: {  	v6 =	vnsel vm0, $0x0, v6;
	v7 =	vmul.f32 v7, v10;
	(pc) =	sbr.rel @!p2 .LBB2_13-.Ltmp11, $4  }
0x11d: {  	v8 =	vadd.f32 v8, v6  }
0x11e: {  	v6 =	vadd.f32 v7, v6  }
0x11f: {  	s26 =	sshra.s32 s24, $0x2;
	[tilespmem:v9+s3+$0x0] =	vst.idx.add.f32.msk $0xffff, v8  }
0x120: {  	s25 =	sadd.s32 $0x10, s24;
	p1 =	por $0x1, $0x1;
	s24 =	smov.u32 s23;
	[tilespmem:v11+s3+$0x0] =	vst.idx.add.f32.msk $0xffff, v6  }
.LBB2_14:
0x121: {  	p2 =	sne.s32 s25, $0x1FF0;
	v6 =	vld [tilespmem:s26+$0x14780];
	_ =	sdelay $0x3  }
0x122: {  	s24 =	sadd.s32 $0x20, s24  }
0x123: {  	v7 =	vbroadcast v6, $0x3;
	v8 =	vld [tilespmem:s24+$0xFFFFFFF0]  }
0x124: {  	v9 =	vbroadcast v6, $0x0;
	v10 =	vld [tilespmem:s24+$0x0]  }
0x125: {  	vm0 =	vge.s32 v7, v4;
	vm1 =	vlt.s32 v7, v5;
	v7 =	vbroadcast v6, $0x1  }
0x126: {  	v9 =	vadd.s32 v0, v9;
	vm0 =	vmand vm0, vm1  }
0x127: {  	v6 =	vbroadcast v6, $0x2;
	v9 =	vsel vm0, v9, v3;
	v7 =	vnsel vm0, $0x0, v7  }
0x128: {  	v8 =	vmul.f32 v7, v8;
	v11 =	vadd.s32 $0x10, v9  }
.Ltmp12:
0x129: {  	v6 =	vnsel vm0, $0x0, v6;
	v7 =	vmul.f32 v7, v10;
	(pc) =	sbr.rel @p2 .LBB2_14-.Ltmp12, $4  }
0x12a: {  	v8 =	vadd.f32 v8, v6  }
0x12b: {  	v6 =	vadd.f32 v7, v6  }
0x12c: {  	[tilespmem:v9+s3+$0x0] =	vst.idx.add.f32.msk $0xffff, v8  }
0x12d: {  	s26 =	sshra.s32 s25, $0x2;
	s25 =	sadd.s32 $0x10, s25;
	[tilespmem:v11+s3+$0x0] =	vst.idx.add.f32.msk $0xffff, v6  }
.LBB2_15:
0x12e: {  	v6 =	vld [tilespmem:s26+$0x14780];
	_ =	sdelay $0x2  }
0x12f: {  	s24 =	sadd.s32 @p1 $0x20, s24  }
0x130: {  	s23 =	smov.u32 @p1 s24  }
0x131: {  	v8 =	vld [tilespmem:s23+$0xFFFFFFF0];
	v7 =	vbroadcast v6, $0x3  }
0x132: {  	v10 =	vld [tilespmem:s23+$0x0];
	v9 =	vbroadcast v6, $0x0  }
0x133: {  	vm0 =	vge.s32 v7, v4;
	vm1 =	vlt.s32 v7, v5;
	v7 =	vbroadcast v6, $0x1  }
0x134: {  	v9 =	vadd.s32 v0, v9;
	vm0 =	vmand vm0, vm1  }
0x135: {  	v6 =	vbroadcast v6, $0x2;
	v9 =	vsel vm0, v9, v3;
	v7 =	vnsel vm0, $0x0, v7  }
0x136: {  	v8 =	vmul.f32 v7, v8;
	v11 =	vadd.s32 $0x10, v9  }
0x137: {  	v6 =	vnsel vm0, $0x0, v6;
	v7 =	vmul.f32 v7, v10  }
0x138: {  	v8 =	vadd.f32 v8, v6  }
0x139: {  	v6 =	vadd.f32 v7, v6  }
0x13a: {  	[tilespmem:v9+s3+$0x0] =	vst.idx.add.f32.msk $0xffff, v8  }
0x13b: {  	[tilespmem:v11+s3+$0x0] =	vst.idx.add.f32.msk $0xffff, v6  }
.LBB2_16:
0x13c: {  	s24 =	sadd.s32 $0x2, s21  }
0x13d: {  	p1 =	sge.s32 s24, s18  }
0x13e: {  	s23 =	sshll.u32 @!p1 s24, $0x6;
	s26 =	simm.s32 @!p1 $0x0  }
.Ltmp13:
0x13f: {  	s24 =	sshll.u32 @!p1 s24, $0x8;
	s23 =	sand.u32 @!p1 $0x1FFFFFC0, s23;
	(pc) =	sbr.rel @p0 .LBB2_27-.Ltmp13, $4  }
0x140: {  	s24 =	sand.u32 @!p1 $0x1FFFFF00, s24;
	s25 =	sadd.s32 @!p1 s6, s23;
	s23 =	simm.s32 @!p1 $0xC380  }
0x141: {  	[tilespmem:s23], [sflag:$0x1] =	stream.linear.gather @!p1 [hbm4b:s25+s26], $0x200, $0x38;
	[tilespmem:$0x157D0] =	vst v63  }
0x142: {  	s24 =	sadd.s32 @!p1 s7, s24;
	s25 =	simm.s32 @!p1 $0x14780  }
0x143: {  	[tilespmem:s25], [sflag:$0x1] =	stream.linear.gather @!p1 [hbm4b:s24+s26], $0x800, $0x38;
	[tilespmem:$0x157D0] =	vst v63  }
0x144: {  	_ =	swait.ge [sflag:s13], $0x1000  }
0x145: {  	[sflag:s13] =	ssyncset.done $0x0  }
0x146: {  	[sflag:s13] =	ssyncadd.s32 $0xFFFFF000  }
0x147: {  	s22 =	sshll.u32 s22, $0x9;
	_ =	swait.ge [sflag:s13], $0x1000  }
0x148: {  	p0 =	slt.s32 s22, s15;
	s22 =	sadd.s32 $0x200, s22;
	[sflag:s13] =	ssyncset.done $0x0  }
0x149: {  	p2 =	sgt.s32 @!p0 s22, s16;
	[sflag:s13] =	ssyncadd.s32 $0xFFFFF000  }
0x14a: {  	p2 =	por p0, p2;
	_ =	swait.ge [sflag:s13], $0x1000  }
.Ltmp14:
0x14b: {  	[sflag:s13] =	ssyncset.done $0x0;
	(pc) =	sbr.rel @p2 .LBB2_21-.Ltmp14, $4  }
0x14c: {  	[sflag:s13] =	ssyncadd.s32 $0xFFFFF000  }
0x14d: {  	_ =	swait.ge [sflag:s13], $0x1000  }
0x14e: {  	[sflag:s13] =	ssyncset.done $0x0  }
0x14f: {  	[sflag:s13] =	ssyncadd.s32 $0xFFFFF000  }
0x150: {  	s22 =	simm.s32 $0x14FA0  }
0x151: {  	v8 =	vld [tilespmem:s22+$0x0];
	_ =	sdelay $0x1  }
0x152: {  	s24 =	simm.s32 $0x10800  }
0x153: {  	v6 =	vld [tilespmem:s24+$0x0]  }
0x154: {  	v9 =	vld [tilespmem:s24+$0x10]  }
0x155: {  	v10 =	vbroadcast v8, $0x0  }
0x156: {  	v7 =	vld [tilespmem:s22+$0xFFFFFFF0];
	v11 =	vbroadcast v8, $0x1  }
0x157: {  	v12 =	vadd.s32 v0, v10  }
0x158: {  	v13 =	vbroadcast v8, $0x2;
	v6 =	vmul.f32 v11, v6;
	v10 =	vadd.s32 v1, v10  }
0x159: {  	v14 =	vld [tilespmem:s24+$0xFFFFFF80];
	v9 =	vmul.f32 v11, v9  }
0x15a: {  	v11 =	vld [tilespmem:s24+$0xFFFFFF90];
	v6 =	vadd.f32 v6, v13  }
0x15b: {  	v15 =	vbroadcast v7, $0x0;
	v9 =	vadd.f32 v9, v13  }
0x15c: {  	v13 =	vbroadcast v7, $0x1;
	[tilespmem:v12+s3+$0x0] =	vst.idx.add.f32.msk $0xffff, v6  }
0x15d: {  	v6 =	vadd.s32 v0, v15;
	[tilespmem:v10+s3+$0x0] =	vst.idx.add.f32.msk $0xffff, v9  }
0x15e: {  	v12 =	vadd.s32 v1, v15;
	v9 =	vbroadcast v7, $0x2;
	v10 =	vmul.f32 v13, v14;
	v14 =	vld [tilespmem:s24+$0x20]  }
0x15f: {  	v11 =	vmul.f32 v13, v11;
	v13 =	vld [tilespmem:s24+$0x30]  }
0x160: {  	v15 =	vbroadcast v8, $0x4;
	v10 =	vadd.f32 v10, v9  }
0x161: {  	v9 =	vadd.f32 v11, v9;
	v11 =	vbroadcast v8, $0x5  }
0x162: {  	[tilespmem:v6+s3+$0x0] =	vst.idx.add.f32.msk $0xffff, v10;
	v6 =	vadd.s32 v0, v15  }
0x163: {  	[tilespmem:v12+s3+$0x0] =	vst.idx.add.f32.msk $0xffff, v9;
	v9 =	vbroadcast v8, $0x6;
	v12 =	vadd.s32 v1, v15;
	v10 =	vmul.f32 v14, v11  }
0x164: {  	v14 =	vld [tilespmem:s24+$0xFFFFFFA0];
	v11 =	vmul.f32 v13, v11  }
0x165: {  	v13 =	vld [tilespmem:s24+$0xFFFFFFB0];
	v10 =	vadd.f32 v10, v9  }
0x166: {  	v15 =	vbroadcast v7, $0x4;
	v9 =	vadd.f32 v11, v9  }
0x167: {  	v11 =	vbroadcast v7, $0x5;
	[tilespmem:v6+s3+$0x0] =	vst.idx.add.f32.msk $0xffff, v10  }
0x168: {  	v6 =	vadd.s32 v0, v15;
	[tilespmem:v12+s3+$0x0] =	vst.idx.add.f32.msk $0xffff, v9  }
0x169: {  	v10 =	vadd.s32 v1, v15;
	v9 =	vbroadcast v7, $0x6;
	v12 =	vmul.f32 v14, v11;
	v14 =	vld [tilespmem:s24+$0x40]  }
0x16a: {  	v11 =	vmul.f32 v13, v11  }
0x16b: {  	v15 =	vbroadcast v8, $0x8;
	v13 =	vld [tilespmem:s24+$0x50];
	v12 =	vadd.f32 v12, v9  }
0x16c: {  	v9 =	vadd.f32 v11, v9;
	v11 =	vbroadcast v8, $0x9  }
0x16d: {  	[tilespmem:v6+s3+$0x0] =	vst.idx.add.f32.msk $0xffff, v12;
	v12 =	vadd.s32 v0, v15  }
0x16e: {  	s25 =	simm.s32 $0x14FC0;
	[tilespmem:v10+s3+$0x0] =	vst.idx.add.f32.msk $0xffff, v9;
	v9 =	vbroadcast v8, $0xA;
	v10 =	vmul.f32 v14, v11  }
0x16f: {  	v6 =	vld [tilespmem:s25+$0x0];
	v14 =	vadd.s32 v1, v15  }
0x170: {  	s22 =	simm.s32 $0x10900;
	v15 =	vld [tilespmem:s24+$0xFFFFFFC0];
	v11 =	vmul.f32 v13, v11;
	v10 =	vadd.f32 v10, v9  }
0x171: {  	v13 =	vld [tilespmem:s22+$0x0]  }
0x172: {  	v9 =	vadd.f32 v11, v9;
	[tilespmem:v12+s3+$0x0] =	vst.idx.add.f32.msk $0xffff, v10  }
0x173: {  	v10 =	vld [tilespmem:s22+$0x10]  }
0x174: {  	[tilespmem:v14+s3+$0x0] =	vst.idx.add.f32.msk $0xffff, v9;
	v9 =	vbroadcast v7, $0x8  }
0x175: {  	v21 =	vld [tilespmem:s25+$0xFFFFFFF0];
	v11 =	vbroadcast v7, $0x9;
	v14 =	vbroadcast v6, $0x0  }
0x176: {  	v16 =	vbroadcast v7, $0xA;
	v18 =	vbroadcast v6, $0x1;
	v12 =	vld [tilespmem:s24+$0x60];
	v17 =	vadd.s32 v0, v9  }
0x177: {  	v20 =	vbroadcast v8, $0xC;
	v15 =	vmul.f32 v15, v11;
	v19 =	vld [tilespmem:s24+$0x70];
	v22 =	vadd.s32 v0, v14  }
0x178: {  	v23 =	vld [tilespmem:s22+$0xFFFFFF80];
	v24 =	vbroadcast v6, $0x2;
	v13 =	vmul.f32 v18, v13;
	v14 =	vadd.s32 v1, v14  }
0x179: {  	v26 =	vld [tilespmem:s22+$0xFFFFFF90];
	v25 =	vbroadcast v8, $0xD;
	v15 =	vadd.f32 v15, v16;
	v10 =	vmul.f32 v18, v10  }
0x17a: {  	v8 =	vbroadcast v8, $0xE;
	v27 =	vld [tilespmem:s24+$0xFFFFFFD0];
	v13 =	vadd.f32 v13, v24;
	v18 =	vadd.s32 v0, v20  }
0x17b: {  	v12 =	vmul.f32 v12, v25;
	v10 =	vadd.f32 v10, v24;
	[tilespmem:v17+s3+$0x0] =	vst.idx.add.f32.msk $0xffff, v15;
	v15 =	vbroadcast v21, $0x0  }
0x17c: {  	v19 =	vmul.f32 v19, v25;
	v17 =	vadd.s32 v1, v20;
	v20 =	vbroadcast v21, $0x1;
	[tilespmem:v22+s3+$0x0] =	vst.idx.add.f32.msk $0xffff, v13  }
0x17d: {  	v12 =	vadd.f32 v12, v8;
	[tilespmem:v14+s3+$0x0] =	vst.idx.add.f32.msk $0xffff, v10;
	v13 =	vadd.s32 v0, v15  }
0x17e: {  	v10 =	vbroadcast v21, $0x2;
	v14 =	vmul.f32 v20, v23;
	v15 =	vadd.s32 v1, v15;
	v22 =	vld [tilespmem:s22+$0x20]  }
0x17f: {  	v8 =	vadd.f32 v19, v8;
	v19 =	vmul.f32 v20, v26;
	v20 =	vld [tilespmem:s22+$0x30]  }
0x180: {  	[tilespmem:v18+s3+$0x0] =	vst.idx.add.f32.msk $0xffff, v12;
	v12 =	vadd.f32 v14, v10;
	v14 =	vbroadcast v6, $0x4  }
0x181: {  	v9 =	vadd.s32 v1, v9;
	[tilespmem:v17+s3+$0x0] =	vst.idx.add.f32.msk $0xffff, v8;
	v8 =	vadd.f32 v19, v10;
	v10 =	vbroadcast v6, $0x5  }
0x182: {  	v11 =	vmul.f32 v27, v11;
	[tilespmem:v13+s3+$0x0] =	vst.idx.add.f32.msk $0xffff, v12;
	v12 =	vadd.s32 v0, v14  }
0x183: {  	v13 =	vbroadcast v6, $0x6;
	v14 =	vadd.s32 v1, v14;
	[tilespmem:v15+s3+$0x0] =	vst.idx.add.f32.msk $0xffff, v8;
	v15 =	vmul.f32 v22, v10  }
0x184: {  	v28 =	vbroadcast v6, $0x8;
	v11 =	vadd.f32 v11, v16;
	v10 =	vmul.f32 v20, v10;
	v16 =	vld [tilespmem:s22+$0xFFFFFFA0]  }
0x185: {  	v30 =	vbroadcast v6, $0x9;
	v17 =	vbroadcast v7, $0xC;
	v18 =	vld [tilespmem:s22+$0xFFFFFFB0];
	v15 =	vadd.f32 v15, v13  }
0x186: {  	v24 =	vbroadcast v21, $0xC;
	[tilespmem:v9+s3+$0x0] =	vst.idx.add.f32.msk $0xffff, v11;
	v19 =	vbroadcast v21, $0x4;
	v10 =	vadd.f32 v10, v13  }
0x187: {  	v11 =	vbroadcast v21, $0xA;
	v9 =	vadd.s32 v0, v17;
	v13 =	vbroadcast v21, $0x5;
	[tilespmem:v12+s3+$0x0] =	vst.idx.add.f32.msk $0xffff, v15  }
0x188: {  	v8 =	vbroadcast v7, $0xD;
	v20 =	vbroadcast v21, $0x6;
	v22 =	vadd.s32 v0, v19;
	[tilespmem:v14+s3+$0x0] =	vst.idx.add.f32.msk $0xffff, v10  }
0x189: {  	v23 =	vadd.s32 v1, v19;
	v14 =	vbroadcast v21, $0x8;
	v15 =	vmul.f32 v16, v13;
	v25 =	vld [tilespmem:s22+$0x40]  }
0x18a: {  	v12 =	vbroadcast v21, $0x9;
	v10 =	vadd.s32 v1, v17;
	v18 =	vmul.f32 v18, v13;
	v26 =	vld [tilespmem:s22+$0x50]  }
0x18b: {  	v19 =	vld [tilespmem:s24+$0xFFFFFFE0];
	v17 =	vbroadcast v21, $0xD;
	v16 =	vadd.s32 v0, v14;
	v27 =	vadd.f32 v15, v20  }
0x18c: {  	v13 =	vadd.s32 v1, v14;
	v14 =	vadd.s32 v1, v24;
	v29 =	vadd.f32 v18, v20;
	v20 =	vld [tilespmem:s24+$0xFFFFFFF0]  }
0x18d: {  	v18 =	vbroadcast v21, $0xE;
	v15 =	vadd.s32 v0, v24;
	v21 =	vadd.s32 v0, v28;
	[tilespmem:v22+s3+$0x0] =	vst.idx.add.f32.msk $0xffff, v27  }
0x18e: {  	v24 =	vbroadcast v6, $0xA;
	v22 =	vadd.s32 v1, v28;
	[tilespmem:v23+s3+$0x0] =	vst.idx.add.f32.msk $0xffff, v29;
	v25 =	vmul.f32 v25, v30  }
0x18f: {  	s26 =	simm.s32 $0x14FE0;
	s25 =	simm.s32 $0x8;
	v7 =	vbroadcast v7, $0xE;
	s24 =	simm.s32 $0x10900;
	v26 =	vmul.f32 v26, v30;
	v23 =	vld [tilespmem:s22+$0xFFFFFFC0]  }
.LBB2_19:
0x190: {  	v27 =	vld [tilespmem:s26+$0x0];
	v25 =	vadd.f32 v25, v24;
	s22 =	sadd.s32 $0x100, s22;
	v19 =	vmul.f32 v19, v8  }
0x191: {  	v28 =	vld [tilespmem:s22+$0x0];
	v24 =	vadd.f32 v26, v24;
	v20 =	vmul.f32 v20, v8;
	v8 =	vmov v17  }
0x192: {  	[tilespmem:v21+s3+$0x0] =	vst.idx.add.f32.msk $0xffff, v25;
	v17 =	vadd.f32 v19, v7  }
0x193: {  	[tilespmem:v22+s3+$0x0] =	vst.idx.add.f32.msk $0xffff, v24;
	v19 =	vadd.f32 v20, v7;
	v7 =	vmov v18  }
0x194: {  	v18 =	vmul.f32 v23, v12;
	v20 =	vld [tilespmem:s24+$0x60]  }
0x195: {  	v21 =	vbroadcast v27, $0x0;
	v22 =	vld [tilespmem:s24+$0x70]  }
0x196: {  	s25 =	sadd.s32 $0x8, s25;
	v25 =	vbroadcast v6, $0xC;
	v23 =	vbroadcast v27, $0x1;
	v24 =	vld [tilespmem:s22+$0x10];
	v18 =	vadd.f32 v18, v11  }
0x197: {  	v30 =	vbroadcast v6, $0xD;
	p0 =	slt.u32 s25, $0x1F8;
	v26 =	vld [tilespmem:s26+$0xFFFFFFF0];
	v29 =	vadd.s32 v0, v21  }
0x198: {  	v33 =	vadd.s32 v0, v25;
	v32 =	vbroadcast v27, $0x2;
	v28 =	vmul.f32 v23, v28;
	v31 =	vld [tilespmem:s22+$0xFFFFFF80]  }
0x199: {  	v35 =	vbroadcast v6, $0xE;
	v25 =	vadd.s32 v1, v25;
	v6 =	vmovc v27;
	v34 =	vld [tilespmem:s22+$0xFFFFFF90];
	v20 =	vmul.f32 v20, v30  }
0x19a: {  	v21 =	vadd.s32 v1, v21;
	v27 =	vadd.f32 v28, v32;
	v28 =	vld [tilespmem:s24+$0xFFFFFFD0];
	v22 =	vmul.f32 v22, v30  }
0x19b: {  	v23 =	vmul.f32 v23, v24;
	[tilespmem:v16+s3+$0x0] =	vst.idx.add.f32.msk $0xffff, v18;
	v16 =	vadd.f32 v20, v35  }
0x19c: {  	v18 =	vbroadcast v26, $0x1;
	v20 =	vbroadcast v26, $0x2;
	[tilespmem:v29+s3+$0x0] =	vst.idx.add.f32.msk $0xffff, v27;
	v22 =	vadd.f32 v22, v35  }
0x19d: {  	v24 =	vbroadcast v26, $0x0;
	v27 =	vbroadcast v26, $0x5;
	v23 =	vadd.f32 v23, v32;
	[tilespmem:v33+s3+$0x0] =	vst.idx.add.f32.msk $0xffff, v16  }
0x19e: {  	v16 =	vmul.f32 v18, v31;
	v18 =	vmul.f32 v18, v34;
	[tilespmem:v25+s3+$0x0] =	vst.idx.add.f32.msk $0xffff, v22  }
0x19f: {  	v22 =	vadd.s32 v0, v24;
	v24 =	vadd.s32 v1, v24;
	v25 =	vbroadcast v26, $0x6;
	[tilespmem:v21+s3+$0x0] =	vst.idx.add.f32.msk $0xffff, v23  }
0x1a0: {  	v16 =	vadd.f32 v16, v20;
	v18 =	vadd.f32 v18, v20;
	v20 =	vbroadcast v26, $0x4;
	v21 =	vld [tilespmem:s22+$0x20]  }
0x1a1: {  	v28 =	vmul.f32 v28, v12;
	v12 =	vbroadcast v26, $0x9;
	v23 =	vld [tilespmem:s22+$0x30]  }
0x1a2: {  	v29 =	vadd.s32 v0, v20;
	v30 =	vadd.s32 v1, v20;
	v20 =	vbroadcast v6, $0x4;
	[tilespmem:v9+s3+$0x0] =	vst.idx.add.f32.msk $0xffff, v17  }
0x1a3: {  	v31 =	vbroadcast v6, $0x5;
	v28 =	vadd.f32 v28, v11;
	v11 =	vbroadcast v26, $0xA;
	v9 =	vmovc v15;
	[tilespmem:v10+s3+$0x0] =	vst.idx.add.f32.msk $0xffff, v19  }
0x1a4: {  	v15 =	vbroadcast v26, $0x8;
	v17 =	vbroadcast v26, $0xD;
	v10 =	vmovc v14;
	[tilespmem:v22+s3+$0x0] =	vst.idx.add.f32.msk $0xffff, v16;
	v19 =	vadd.s32 v0, v20  }
0x1a5: {  	v14 =	vbroadcast v6, $0x6;
	v20 =	vadd.s32 v1, v20;
	[tilespmem:v24+s3+$0x0] =	vst.idx.add.f32.msk $0xffff, v18;
	v21 =	vmul.f32 v21, v31  }
0x1a6: {  	v16 =	vadd.s32 v0, v15;
	v15 =	vadd.s32 v1, v15;
	v22 =	vld [tilespmem:s22+$0xFFFFFFA0];
	v23 =	vmul.f32 v23, v31  }
0x1a7: {  	v18 =	vbroadcast v26, $0xE;
	v31 =	vbroadcast v26, $0xC;
	v24 =	vld [tilespmem:s22+$0xFFFFFFB0];
	v21 =	vadd.f32 v21, v14  }
0x1a8: {  	v23 =	vadd.f32 v23, v14;
	[tilespmem:v13+s3+$0x0] =	vst.idx.add.f32.msk $0xffff, v28;
	v13 =	vmov v15  }
0x1a9: {  	v15 =	vadd.s32 v0, v31;
	v14 =	vadd.s32 v1, v31;
	[tilespmem:v19+s3+$0x0] =	vst.idx.add.f32.msk $0xffff, v21  }
0x1aa: {  	[tilespmem:v20+s3+$0x0] =	vst.idx.add.f32.msk $0xffff, v23  }
0x1ab: {  	v19 =	vmul.f32 v22, v27;
	v22 =	vld [tilespmem:s22+$0x40]  }
0x1ac: {  	v20 =	vmul.f32 v24, v27;
	v26 =	vld [tilespmem:s22+$0x50]  }
.Ltmp15:
0x1ad: {  	v23 =	vbroadcast v6, $0x8;
	v21 =	vadd.f32 v19, v25;
	v19 =	vld [tilespmem:s24+$0xFFFFFFE0];
	(pc) =	sbr.rel @p0 .LBB2_19-.Ltmp15, $4  }
0x1ae: {  	v27 =	vbroadcast v6, $0x9;
	v24 =	vadd.f32 v20, v25;
	v20 =	vld [tilespmem:s24+$0xFFFFFFF0];
	s24 =	smov.u32 s22  }
0x1af: {  	[tilespmem:v29+s3+$0x0] =	vst.idx.add.f32.msk $0xffff, v21;
	v21 =	vadd.s32 v0, v23  }
0x1b0: {  	[tilespmem:v30+s3+$0x0] =	vst.idx.add.f32.msk $0xffff, v24;
	v24 =	vbroadcast v6, $0xA;
	v25 =	vmul.f32 v22, v27;
	v22 =	vadd.s32 v1, v23  }
0x1b1: {  	s26 =	sadd.s32 $0x20, s26;
	v23 =	vld [tilespmem:s22+$0xFFFFFFC0];
	v26 =	vmul.f32 v26, v27  }
0x1b2: {  	v27 =	vld [tilespmem:s24+$0xFFFFFFD0];
	_ =	sdelay $0x1  }
0x1b3: {  	v25 =	vadd.f32 v25, v24  }
0x1b4: {  	v50 =	vadd.f32 v26, v24  }
0x1b5: {  	[tilespmem:v21+s3+$0x0] =	vst.idx.add.f32.msk $0xffff, v25;
	v51 =	vmul.f32 v23, v12  }
0x1b6: {  	[tilespmem:v22+s3+$0x0] =	vst.idx.add.f32.msk $0xffff, v50;
	v52 =	vmul.f32 v27, v12  }
0x1b7: {  	v22 =	vld [tilespmem:s24+$0x60];
	v21 =	vadd.f32 v51, v11  }
0x1b8: {  	v53 =	vld [tilespmem:s24+$0x70];
	v54 =	vadd.f32 v52, v11  }
0x1b9: {  	v55 =	vbroadcast v6, $0xC;
	[tilespmem:v16+s3+$0x0] =	vst.idx.add.f32.msk $0xffff, v21  }
0x1ba: {  	v56 =	vbroadcast v6, $0xD;
	[tilespmem:v13+s3+$0x0] =	vst.idx.add.f32.msk $0xffff, v54  }
0x1bb: {  	v57 =	vadd.s32 v0, v55;
	v13 =	vld [tilespmem:s24+$0xFFFFFFE0]  }
0x1bc: {  	v6 =	vbroadcast v6, $0xE;
	v12 =	vadd.s32 v1, v55;
	v58 =	vmul.f32 v22, v56;
	v59 =	vld [tilespmem:s24+$0xFFFFFFF0]  }
0x1bd: {  	v16 =	vmul.f32 v53, v56  }
0x1be: {  	v19 =	vmul.f32 v19, v8;
	v21 =	vadd.f32 v58, v6  }
0x1bf: {  	v60 =	vmul.f32 v20, v8;
	v6 =	vadd.f32 v16, v6  }
0x1c0: {  	v61 =	vadd.f32 v19, v7;
	[tilespmem:v57+s3+$0x0] =	vst.idx.add.f32.msk $0xffff, v21;
	v62 =	vmul.f32 v13, v17  }
.Ltmp16:
0x1c1: {  	v7 =	vadd.f32 v60, v7;
	[tilespmem:v12+s3+$0x0] =	vst.idx.add.f32.msk $0xffff, v6;
	v6 =	vmul.f32 v59, v17;
	(pc) =	sbr.rel .LBB2_27-.Ltmp16, $4  }
0x1c2: {  	[tilespmem:v9+s3+$0x0] =	vst.idx.add.f32.msk $0xffff, v61;
	v63 =	vadd.f32 v62, v18  }
0x1c3: {  	[tilespmem:v10+s3+$0x0] =	vst.idx.add.f32.msk $0xffff, v7;
	v6 =	vadd.f32 v6, v18  }
0x1c4: {  	[tilespmem:v15+s3+$0x0] =	vst.idx.add.f32.msk $0xffff, v63  }
0x1c5: {  	[tilespmem:v14+s3+$0x0] =	vst.idx.add.f32.msk $0xffff, v6  }
.LBB2_21:
0x1c6: {  	s24 =	simm.s32 $0x0  }
0x1c7: {  	s24 =	simm.s32 @p0 $0x0  }
0x1c8: {  	p2 =	sne.s32 s24, $0x1FF0  }
.Ltmp17:
0x1c9: {  	_ = 	snop;
	(pc) =	sbr.rel @!p2 .LBB2_22-.Ltmp17, $4  }
0x1ca: {  	_ = 	snop  }
0x1cb: {  	s22 =	simm.s32 $0x10790  }
0x1cc: {  	s22 =	simm.s32 @p0 $0x10790  }
0x1cd: {  	p0 =	por $0x0, $0x0;
	s26 =	sshra.s32 s24, $0x2;
	s24 =	sadd.s32 $0x10, s24  }
0x1ce: {  	v6 =	vld [tilespmem:s26+$0x14F90];
	_ =	sdelay $0x4  }
0x1cf: {  	v8 =	vld [tilespmem:s22+$0xFFFFFFF0];
	v7 =	vbroadcast v6, $0x3  }
0x1d0: {  	v10 =	vld [tilespmem:s22+$0x0];
	v9 =	vbroadcast v6, $0x0  }
0x1d1: {  	vm0 =	vge.s32 v7, v4;
	vm1 =	vlt.s32 v7, v5;
	v7 =	vbroadcast v6, $0x1  }
0x1d2: {  	v9 =	vadd.s32 v0, v9;
	vm0 =	vmand vm0, vm1  }
0x1d3: {  	v6 =	vbroadcast v6, $0x2;
	v9 =	vsel vm0, v9, v3;
	v7 =	vnsel vm0, $0x0, v7  }
0x1d4: {  	p2 =	sne.s32 s24, $0x1FF0;
	v8 =	vmul.f32 v7, v8;
	v11 =	vadd.s32 $0x10, v9  }
.Ltmp18:
0x1d5: {  	v6 =	vnsel vm0, $0x0, v6;
	v7 =	vmul.f32 v7, v10;
	(pc) =	sbr.rel @!p2 .LBB2_24-.Ltmp18, $4  }
0x1d6: {  	v8 =	vadd.f32 v8, v6  }
0x1d7: {  	v6 =	vadd.f32 v7, v6  }
0x1d8: {  	s26 =	sshra.s32 s24, $0x2;
	[tilespmem:v9+s3+$0x0] =	vst.idx.add.f32.msk $0xffff, v8  }
0x1d9: {  	s25 =	sadd.s32 $0x10, s24;
	p0 =	por $0x1, $0x1;
	s24 =	smov.u32 s22;
	[tilespmem:v11+s3+$0x0] =	vst.idx.add.f32.msk $0xffff, v6  }
.LBB2_25:
0x1da: {  	p2 =	sne.s32 s25, $0x1FF0;
	v6 =	vld [tilespmem:s26+$0x14F90];
	_ =	sdelay $0x3  }
0x1db: {  	s24 =	sadd.s32 $0x20, s24  }
0x1dc: {  	v7 =	vbroadcast v6, $0x3;
	v8 =	vld [tilespmem:s24+$0xFFFFFFF0]  }
0x1dd: {  	v9 =	vbroadcast v6, $0x0;
	v10 =	vld [tilespmem:s24+$0x0]  }
0x1de: {  	vm0 =	vge.s32 v7, v4;
	vm1 =	vlt.s32 v7, v5;
	v7 =	vbroadcast v6, $0x1  }
0x1df: {  	v9 =	vadd.s32 v0, v9;
	vm0 =	vmand vm0, vm1  }
0x1e0: {  	v6 =	vbroadcast v6, $0x2;
	v9 =	vsel vm0, v9, v3;
	v7 =	vnsel vm0, $0x0, v7  }
0x1e1: {  	v8 =	vmul.f32 v7, v8;
	v11 =	vadd.s32 $0x10, v9  }
.Ltmp19:
0x1e2: {  	v6 =	vnsel vm0, $0x0, v6;
	v7 =	vmul.f32 v7, v10;
	(pc) =	sbr.rel @p2 .LBB2_25-.Ltmp19, $4  }
0x1e3: {  	v8 =	vadd.f32 v8, v6  }
0x1e4: {  	v6 =	vadd.f32 v7, v6  }
0x1e5: {  	[tilespmem:v9+s3+$0x0] =	vst.idx.add.f32.msk $0xffff, v8  }
0x1e6: {  	s26 =	sshra.s32 s25, $0x2;
	s25 =	sadd.s32 $0x10, s25;
	[tilespmem:v11+s3+$0x0] =	vst.idx.add.f32.msk $0xffff, v6  }
.Ltmp20:
0x1e7: {  	_ = 	snop;
	(pc) =	sbr.rel .LBB2_26-.Ltmp20, $1  }
0x1e8: {  	_ =	sdelay $0x3  }
.LBB2_11:
.Ltmp21:
0x1e9: {  	(pc) =	sbr.rel .LBB2_15-.Ltmp21, $2  }
0x1ea: {  	_ =	sdelay $0x2  }
0x1eb: {  	s24 =	smov.u32 s23  }
.LBB2_13:
.Ltmp22:
0x1ec: {  	(pc) =	sbr.rel .LBB2_15-.Ltmp22, $2  }
0x1ed: {  	_ =	sdelay $0x2  }
0x1ee: {  	s24 =	smov.u32 s23  }
.LBB2_24:
.Ltmp23:
0x1ef: {  	(pc) =	sbr.rel .LBB2_26-.Ltmp23, $2  }
0x1f0: {  	_ =	sdelay $0x2  }
0x1f1: {  	s24 =	smov.u32 s22  }
.LBB2_29:
0x1f2: {  	_ =	sfence.sel $0x180000  }
0x1f3: {  	[bflag:$0x0] =	sbarrier.arrive $0xFFFF  }
0x1f4: {  	p0 =	sne.s32 s1, $0x0;
	_ =	strace $0x90000047  }
0x1f5: {  	s0 =	sadd.s32 @!p0 $0x100000, s0;
	[bflag:$0x2] =	sbarrier.arrive $0xFFFF  }
0x1f6: {  	[sflag:s0] =	ssyncadd.tile.s32 @!p0 $0x1;
	_ =	shalt  }
.Lfunc_end2:
_tile_overlayer_lowered:
.L_overlay_start_2:
0x1f7: {  	(tag) =	ssettag $0x2  }
0x1f8: {  	s0 =	rddreg [dreg:$0x0];
	s2 =	stileid.u32  }
0x1f9: {  	s1 =	rddreg [dreg:$0x1];
	p0 =	sne.s32 s2, $0x0  }
0x1fa: {  	s3 =	rddreg [dreg:$0x2];
	[bflag:$0x3] =	sbarrier.arrive $0xFFFF;
	s2 =	simm.s32 @!p0 $0x1C05  }
0x1fb: {  	[timem:s3], [sflag:s2] =	dma.local @!p0 [hbm:s0], s1  }
0x1fc: {  	s0 =	simm.s32 @!p0 $0x5  }
0x1fd: {  	_ =	swait.ge @!p0 [sflag:s0], s1  }
0x1fe: {  	s1 =	ssub.s32 @!p0 $0x0, s1;
	[sflag:s0] =	ssyncset.done @!p0 $0x0  }
0x1ff: {  	[sflag:s0] =	ssyncadd.s32 @!p0 s1  }
0x200: {  	[bflag:$0x3] =	sbarrier.arrive $0xFFFF  }
0x201: {  	_ =	shalt  }

</sc_bundles>
